<compile_context>
chip_gen: v7x
topology: tpu7x:2x2x1
jax: 0.10.2.dev20260603
libtpu: 0.0.44.dev20260713+nightly
codegen_flags: <defaults>
</compile_context>

<pallas_src>
import functools
import jax
import jax.numpy as jnp
from jax import lax
from jax.experimental import pallas as pl
from jax.experimental.pallas import tpu as pltpu
from jax.experimental.pallas import tpu_sc as plsc

N_TOK = 2048
D = 1024
POOL = 100000
HID = 256
MIN_P = 32
MAX_P = 128

TOK_TILE = 256
POOL_BLK = 2048
POOL_PAD = 100352
NBLK = POOL_PAD // 128
NW = 32
RW = N_TOK // NW
ROWS_PER_W = (N_TOK * MAX_P) // NW
CH = 32
CT = 16
NEG = -3.0e38



def _router_kernel(x_ref, W1_ref, b1_ref, W2_ref, b2_ref, Ws1_ref, bs1_ref,
                   h2_ref, bud_ref):
    x = x_ref[...]
    h = jnp.maximum(x @ W1_ref[...] + b1_ref[...], 0.0)
    c = jax.nn.sigmoid(h @ W2_ref[...] + b2_ref[...])
    raw = MIN_P + (MAX_P - MIN_P) * (c * c)
    bud_ref[...] = jnp.round(jnp.clip(raw, MIN_P, MAX_P))
    h2_ref[...] = jnp.maximum(x @ Ws1_ref[...] + bs1_ref[...], 0.0)


def _router(x, W1, b1, W2, b2, Ws1, bs1):
    nt = N_TOK // TOK_TILE
    return pl.pallas_call(
        _router_kernel,
        grid=(nt,),
        in_specs=[
            pl.BlockSpec((TOK_TILE, D), lambda i: (i, 0)),
            pl.BlockSpec((D, 128), lambda i: (0, 0)),
            pl.BlockSpec((1, 128), lambda i: (0, 0)),
            pl.BlockSpec((128, 1), lambda i: (0, 0)),
            pl.BlockSpec((1, 1), lambda i: (0, 0)),
            pl.BlockSpec((D, HID), lambda i: (0, 0)),
            pl.BlockSpec((1, HID), lambda i: (0, 0)),
        ],
        out_specs=[
            pl.BlockSpec((TOK_TILE, HID), lambda i: (i, 0)),
            pl.BlockSpec((TOK_TILE, 1), lambda i: (i, 0)),
        ],
        out_shape=[
            jax.ShapeDtypeStruct((N_TOK, HID), jnp.float32),
            jax.ShapeDtypeStruct((N_TOK, 1), jnp.float32),
        ],
    )(x, W1, b1.reshape(1, 128), W2, b2.reshape(1, 1), Ws1,
      bs1.reshape(1, HID))



def _scores_kernel(h2_ref, Ws2_ref, bs2_ref, out_ref, m_ref):
    s = h2_ref[...] @ Ws2_ref[...] + bs2_ref[...]
    out_ref[...] = s
    for k in range(POOL_BLK // 128):
        m_ref[:, :, k:k + 1] = jnp.max(s[:, k * 128:(k + 1) * 128], axis=1,
                                       keepdims=True)[None]


def _scores(h2, Ws2p, bs2p):
    nt = N_TOK // TOK_TILE
    np_ = POOL_PAD // POOL_BLK
    nb = POOL_BLK // 128
    return pl.pallas_call(
        _scores_kernel,
        grid=(nt, np_),
        in_specs=[
            pl.BlockSpec((TOK_TILE, HID), lambda i, j: (i, 0)),
            pl.BlockSpec((HID, POOL_BLK), lambda i, j: (0, j)),
            pl.BlockSpec((1, POOL_BLK), lambda i, j: (0, j)),
        ],
        out_specs=[
            pl.BlockSpec((TOK_TILE, POOL_BLK), lambda i, j: (i, j)),
            pl.BlockSpec((1, TOK_TILE, nb), lambda i, j: (j, i, 0)),
        ],
        out_shape=[
            jax.ShapeDtypeStruct((N_TOK, POOL_PAD), jnp.float32),
            jax.ShapeDtypeStruct((POOL_PAD // POOL_BLK, N_TOK, nb),
                                 jnp.float32),
        ],
    )(h2, Ws2p, bs2p)



def _topblocks_kernel(m_ref, bg_ref, bms_ref):
    T = m_ref.shape[0]
    bms_ref[...] = m_ref[...]
    iota = lax.broadcasted_iota(jnp.int32, (T, NBLK), 1)
    kio = lax.broadcasted_iota(jnp.int32, (T, MAX_P), 1)
    rowbase = (pl.program_id(0) * T
               + lax.broadcasted_iota(jnp.int32, (T, 1), 0)) * NBLK

    def body(k, acc):
        bm = bms_ref[...]
        m = jnp.max(bm, axis=1, keepdims=True)
        b = jnp.min(jnp.where(bm >= m, iota, NBLK), axis=1, keepdims=True)
        bms_ref[...] = jnp.where(iota == b, NEG, bm)
        return acc + jnp.where(kio == k, b + rowbase, 0)

    acc = lax.fori_loop(0, MAX_P, body,
                        jnp.zeros((T, MAX_P), jnp.int32))
    bg_ref[...] = acc


def _topblocks(M):
    T = 256
    nt = N_TOK // T
    return pl.pallas_call(
        _topblocks_kernel,
        grid=(nt,),
        in_specs=[pl.BlockSpec((T, NBLK), lambda i: (i, 0))],
        out_specs=pl.BlockSpec((T, MAX_P), lambda i: (i, 0)),
        out_shape=jax.ShapeDtypeStruct((N_TOK, MAX_P), jnp.int32),
        scratch_shapes=[pltpu.VMEM((T, NBLK), jnp.float32)],
    )(M)



def _sc_topk(scores2_flat, bg_flat):
    mesh = plsc.VectorSubcoreMesh(core_axis_name="c", subcore_axis_name="s")

    @functools.partial(
        pl.kernel,
        mesh=mesh,
        out_type=[
            jax.ShapeDtypeStruct((N_TOK * MAX_P,), jnp.float32),
            jax.ShapeDtypeStruct((N_TOK * MAX_P,), jnp.int32),
        ],
        scratch_types=[
            pltpu.VMEM((MAX_P,), jnp.int32),
            pltpu.VMEM((MAX_P,), jnp.int32),
            pltpu.VMEM((MAX_P + 16,), jnp.int32),
            pltpu.VMEM((MAX_P, 128), jnp.float32),
            pltpu.VMEM((MAX_P, 128), jnp.float32),
            pltpu.VMEM((MAX_P,), jnp.float32),
            pltpu.VMEM((MAX_P,), jnp.float32),
            pltpu.VMEM((MAX_P,), jnp.int32),
            pltpu.VMEM((32,), jnp.float32),
            pltpu.VMEM((32,), jnp.int32),
            pltpu.SemaphoreType.DMA,
            pltpu.SemaphoreType.DMA,
        ],
    )
    def tk(s2_hbm, bg_hbm, val_out, idx_out, bg_a, bg_b, bgp_v, cand_a,
           cand_b, bm_v, ov_v, oi_v, trf_v, tri_v, sem_a, sem_b):
        wid = lax.axis_index("s") * 2 + lax.axis_index("c")
        lane = lax.broadcasted_iota(jnp.int32, (16,), 0)

        def tree_max(s):
            for k in (8, 4, 2, 1):
                trf_v[pl.ds(0, 16)] = s
                s = jnp.maximum(s, trf_v[pl.ds(k, 16)])
            return s[0]

        def tree_min_i(s):
            for k in (8, 4, 2, 1):
                tri_v[pl.ds(0, 16)] = s
                s = jnp.minimum(s, tri_v[pl.ds(k, 16)])
            return s[0]

        def process(row, bg_ref, cand_v):
            for g in range(MAX_P // 16):
                bgp_v[pl.ds(g * 16, 16)] = bg_ref[pl.ds(g * 16, 16)]

            def bm_body(bb, carry):
                m16 = cand_v[bb, pl.ds(0, 16)]
                for j in range(1, 8):
                    m16 = jnp.maximum(m16, cand_v[bb, pl.ds(j * 16, 16)])
                m = tree_max(m16)
                carry = jnp.where(lane == bb % 16, m, carry)

                @pl.when(bb % 16 == 15)
                def _():
                    bm_v[pl.ds((bb // 16) * 16, 16)] = carry

                return carry

            lax.fori_loop(0, MAX_P, bm_body, jnp.zeros((16,), jnp.float32))

            def ext_body(k, carry):
                ovc, oic = carry
                m16 = bm_v[pl.ds(0, 16)]
                i16 = lane
                for j in range(1, 8):
                    v = bm_v[pl.ds(j * 16, 16)]
                    i16 = jnp.where(v > m16, lane + j * 16, i16)
                    m16 = jnp.maximum(m16, v)
                s, i = m16, i16
                for st in (8, 4, 2, 1):
                    trf_v[pl.ds(0, 16)] = s
                    tri_v[pl.ds(0, 16)] = i
                    s2 = trf_v[pl.ds(st, 16)]
                    i2 = tri_v[pl.ds(st, 16)]
                    i = jnp.where(s2 > s, i2,
                                  jnp.where(s2 == s, jnp.minimum(i, i2), i))
                    s = jnp.maximum(s, s2)
                m = s[0]
                bstar = i[0]
                mb = jnp.full((16,), m, jnp.float32)

                negv = jnp.full((16,), NEG, jnp.float32)
                cmin = jnp.full((16,), 99999, jnp.int32)
                m2 = negv
                for j in range(8):
                    v = cand_v[bstar, pl.ds(j * 16, 16)]
                    hit = v >= mb
                    cmin = jnp.minimum(
                        cmin, jnp.where(hit, lane + j * 16, 99999))
                    m2 = jnp.maximum(m2, jnp.where(hit, negv, v))
                col = tree_min_i(cmin)
                nm = tree_max(m2)

                bgval = bgp_v[pl.ds(bstar, 16)][0]
                bid = bgval - row * NBLK
                gidx = bid * 128 + col

                ovc = jnp.where(lane == k % 16, m, ovc)
                oic = jnp.where(lane == k % 16, gidx, oic)

                @pl.when(k % 16 == 15)
                def _():
                    ov_v[pl.ds((k // 16) * 16, 16)] = ovc
                    oi_v[pl.ds((k // 16) * 16, 16)] = oic

                cq = (col // 16) * 16
                vec = cand_v[bstar, pl.ds(cq, 16)]
                cand_v[bstar, pl.ds(cq, 16)] = jnp.where(
                    lane == col - cq, NEG, vec)

                bq = (bstar // 16) * 16
                bv = bm_v[pl.ds(bq, 16)]
                bm_v[pl.ds(bq, 16)] = jnp.where(lane == bstar - bq, nm, bv)

                return ovc, oic

            lax.fori_loop(0, MAX_P, ext_body,
                          (jnp.zeros((16,), jnp.float32),
                           jnp.zeros((16,), jnp.int32)))

            pltpu.sync_copy(ov_v, val_out.at[pl.ds(row * MAX_P, MAX_P)])
            pltpu.sync_copy(oi_v, idx_out.at[pl.ds(row * MAX_P, MAX_P)])

        base = wid * RW
        pltpu.sync_copy(bg_hbm.at[pl.ds(base * MAX_P, MAX_P)], bg_a)
        pltpu.async_copy(s2_hbm.at[bg_a], cand_a, sem_a)

        def pair_body(gp, _):
            row0 = base + 2 * gp
            row1 = row0 + 1
            pltpu.sync_copy(bg_hbm.at[pl.ds(row1 * MAX_P, MAX_P)], bg_b)
            pltpu.async_copy(s2_hbm.at[bg_b], cand_b, sem_b)
            pltpu.make_async_copy(s2_hbm.at[bg_a], cand_a, sem_a).wait()
            process(row0, bg_a, cand_a)

            @pl.when(gp < RW // 2 - 1)
            def _():
                pltpu.sync_copy(bg_hbm.at[pl.ds((row0 + 2) * MAX_P, MAX_P)],
                                bg_a)
                pltpu.async_copy(s2_hbm.at[bg_a], cand_a, sem_a)

            pltpu.make_async_copy(s2_hbm.at[bg_b], cand_b, sem_b).wait()
            process(row1, bg_b, cand_b)
            return 0

        lax.fori_loop(0, RW // 2, pair_body, 0)

    return tk(scores2_flat, bg_flat)



def _sc_gather(embed, idx_flat):
    mesh = plsc.VectorSubcoreMesh(core_axis_name="c", subcore_axis_name="s")

    @functools.partial(
        pl.kernel,
        mesh=mesh,
        out_type=jax.ShapeDtypeStruct((N_TOK * MAX_P, D), jnp.float32),
        scratch_types=[
            pltpu.VMEM((CH,), jnp.int32),
            pltpu.VMEM((CH,), jnp.int32),
            pltpu.VMEM((CH, D), jnp.float32),
            pltpu.VMEM((CH, D), jnp.float32),
            pltpu.SemaphoreType.DMA,
            pltpu.SemaphoreType.DMA,
        ],
    )
    def gk(table_hbm, idx_hbm, out_hbm, idx_a, idx_b, rows_a, rows_b,
           sem_a, sem_b):
        wid = lax.axis_index("s") * 2 + lax.axis_index("c")
        base = wid * ROWS_PER_W
        npair = ROWS_PER_W // CH // 2

        pltpu.sync_copy(idx_hbm.at[pl.ds(base, CH)], idx_a)
        pltpu.async_copy(table_hbm.at[idx_a], rows_a, sem_a)

        def body(gp, _):
            b0 = base + (2 * gp) * CH
            b1 = b0 + CH
            pltpu.sync_copy(idx_hbm.at[pl.ds(b1, CH)], idx_b)
            pltpu.async_copy(table_hbm.at[idx_b], rows_b, sem_b)
            pltpu.make_async_copy(table_hbm.at[idx_a], rows_a, sem_a).wait()
            pltpu.sync_copy(rows_a, out_hbm.at[pl.ds(b0, CH)])

            @pl.when(gp < npair - 1)
            def _():
                pltpu.sync_copy(idx_hbm.at[pl.ds(b1 + CH, CH)], idx_a)
                pltpu.async_copy(table_hbm.at[idx_a], rows_a, sem_a)

            pltpu.make_async_copy(table_hbm.at[idx_b], rows_b, sem_b).wait()
            pltpu.sync_copy(rows_b, out_hbm.at[pl.ds(b1, CH)])
            return 0

        lax.fori_loop(0, npair, body, 0)

    return gk(embed, idx_flat)



def _combine_kernel(x_ref, g_ref, ts_ref, bud_ref, out_ref, w_ref):
    ts = ts_ref[...]
    w = jax.nn.softmax(ts, axis=-1)
    ranks = lax.broadcasted_iota(jnp.int32, (1, MAX_P), 1).astype(jnp.float32)
    w_ref[...] = w * (ranks < bud_ref[...]).astype(jnp.float32)

    def body(t, _):
        x_t = x_ref[pl.ds(t, 1), :]
        g_t = g_ref[pl.ds(t * MAX_P, MAX_P), :]
        prod = lax.dot_general(x_t, g_t, (((1,), (1,)), ((), ())))
        wa = w_ref[pl.ds(t, 1), :] * jnp.tanh(prod)
        out = lax.dot_general(wa, g_t, (((1,), (0,)), ((), ())))
        out_ref[pl.ds(t, 1), :] = out + x_t
        return _

    lax.fori_loop(0, CT, body, 0)


def _combine(x, gathered, top_scores, budgets):
    nt = N_TOK // CT
    return pl.pallas_call(
        _combine_kernel,
        grid=(nt,),
        in_specs=[
            pl.BlockSpec((CT, D), lambda i: (i, 0)),
            pl.BlockSpec((CT * MAX_P, D), lambda i: (i, 0)),
            pl.BlockSpec((CT, MAX_P), lambda i: (i, 0)),
            pl.BlockSpec((CT, 1), lambda i: (i, 0)),
        ],
        out_specs=pl.BlockSpec((CT, D), lambda i: (i, 0)),
        out_shape=jax.ShapeDtypeStruct((N_TOK, D), jnp.float32),
        scratch_shapes=[pltpu.VMEM((CT, MAX_P), jnp.float32)],
    )(x, gathered, top_scores, budgets)



def kernel(x, embed, W1, b1, W2, b2, Ws1, bs1, Ws2, bs2):
    h2, budgets = _router(x, W1, b1, W2, b2, Ws1, bs1)
    Ws2p = jnp.pad(Ws2, ((0, 0), (0, POOL_PAD - POOL)))
    bs2p = jnp.pad(bs2, (0, POOL_PAD - POOL),
                   constant_values=-1e30).reshape(1, POOL_PAD)
    scores, M3 = _scores(h2, Ws2p, bs2p)
    M = jnp.transpose(M3, (1, 0, 2)).reshape(N_TOK, NBLK)
    bg = _topblocks(M)
    top_scores, indices = _sc_topk(scores.reshape(N_TOK * NBLK, 128),
                                   bg.reshape(-1))
    gathered = _sc_gather(embed, indices)
    return _combine(x, gathered, top_scores.reshape(N_TOK, MAX_P), budgets)

# --- scband reference (transcript-rebuilt; emitter-appended) ---
"""Pipeline reference for scband-dpsn-48515950576548 (READ-ONLY COPY).

The authoritative reference and input builder live on the scoring server;
editing this copy changes nothing except your own understanding.
"""

import jax, jax.numpy as jnp
import numpy as np

N_TOK = 2048
D = 1024
POOL = 100000
HID = 256
MIN_P = 32
MAX_P = 128
EXP = 2.0


def setup_inputs(seed: int = 0) -> dict:
    key = jax.random.key(seed)
    ks = jax.random.split(key, 10)
    x = jax.random.normal(ks[0], (N_TOK, D), dtype=jnp.float32)
    embed = jax.random.normal(ks[1], (POOL, D), dtype=jnp.float32) * 0.02
    W1 = jax.random.normal(ks[2], (D, 128), dtype=jnp.float32) * 0.02
    b1 = jnp.zeros((128,), dtype=jnp.float32)
    W2 = jax.random.normal(ks[3], (128, 1), dtype=jnp.float32) * 0.02
    b2 = jnp.zeros((1,), dtype=jnp.float32)
    Ws1 = jax.random.normal(ks[4], (D, HID), dtype=jnp.float32) * 0.02
    bs1 = jnp.zeros((HID,), dtype=jnp.float32)
    Ws2 = jax.random.normal(ks[5], (HID, POOL), dtype=jnp.float32) * 0.02
    bs2 = jnp.zeros((POOL,), dtype=jnp.float32)
    return {"x": x, "embed": embed, "W1": W1, "b1": b1, "W2": W2, "b2": b2,
            "Ws1": Ws1, "bs1": bs1, "Ws2": Ws2, "bs2": bs2}


def reference(x, embed, W1, b1, W2, b2, Ws1, bs1, Ws2, bs2):
    # Router: complexity net
    h = jax.nn.relu(x @ W1 + b1)
    complexity = jax.nn.sigmoid(h @ W2 + b2)  # [N, 1]
    # determine_budget
    scale = jnp.power(complexity, EXP)
    raw_budget = MIN_P + (MAX_P - MIN_P) * scale
    budgets = jnp.round(jnp.clip(raw_budget, MIN_P, MAX_P)).astype(jnp.int32)  # [N, 1]
    # scorer
    scores = jax.nn.relu(x @ Ws1 + bs1) @ Ws2 + bs2  # [N, POOL]
    # deterministic path (rngs=None -> no noise)
    top_scores, indices = jax.lax.top_k(scores, MAX_P)  # [N, MAX_P]
    weights = jax.nn.softmax(top_scores, axis=-1)
    mask = (jnp.arange(MAX_P) < budgets).astype(jnp.float32)  # [N, MAX_P]
    weights = weights * mask
    # Executor: gather from parameter pool
    selected_params = jnp.take(embed, indices, axis=0)  # [N, MAX_P, D]
    products = jnp.einsum('nd,nkd->nk', x, selected_params)
    activations = jnp.tanh(products)
    weighted_activations = activations * weights
    output = jnp.einsum('nk,nkd->nd', weighted_activations, selected_params)
    output = output + x  # residual
    return output

if __name__ == "__main__":
    import jax
    _d = setup_inputs()
    print(jax.jit(kernel)(*tuple(_d.values())))

</pallas_src>

<mosaic_0001>
#map = affine_map<(d0, d1) -> (0, 0)>
#map1 = affine_map<(d0, d1) -> (0)>
module attributes {stable_mosaic.version = 14 : i64} {
  func.func @tk(%arg0: i32, %arg1: i32, %arg2: memref<1605632x128xf32, #tpu.memory_space<hbm>>, %arg3: memref<262144xi32, #tpu.memory_space<hbm>>, %arg4: memref<262144xf32, #tpu.memory_space<hbm>>, %arg5: memref<262144xi32, #tpu.memory_space<hbm>>, %arg6: memref<128xi32, #tpu.memory_space<vmem>>, %arg7: memref<128xi32, #tpu.memory_space<vmem>>, %arg8: memref<144xi32, #tpu.memory_space<vmem>>, %arg9: memref<128x128xf32, #tpu.memory_space<vmem>>, %arg10: memref<128x128xf32, #tpu.memory_space<vmem>>, %arg11: memref<128xf32, #tpu.memory_space<vmem>>, %arg12: memref<128xf32, #tpu.memory_space<vmem>>, %arg13: memref<128xi32, #tpu.memory_space<vmem>>, %arg14: memref<32xf32, #tpu.memory_space<vmem>>, %arg15: memref<32xi32, #tpu.memory_space<vmem>>, %arg16: memref<!tpu.dma_semaphore, #tpu.memory_space<semaphore_mem>>, %arg17: memref<!tpu.dma_semaphore, #tpu.memory_space<semaphore_mem>>) attributes {dimension_semantics = [#tpu.dimension_semantics<core_parallel>, #tpu.dimension_semantics<subcore_parallel>], iteration_bounds = array<i64: 2, 16>, scalar_prefetch = 0 : i64, scratch_operands = 12 : i64, tpu.core_type = #tpu.core_type<sc_vector_subcore>, window_params = [{transform_indices = #map}, {transform_indices = #map1}, {transform_indices = #map1}, {transform_indices = #map1}]} {
    %mul3A = arith.constant 2 : i32
    %mul3A_0 = arith.muli %arg1, %mul3A : i32
    %add3A = arith.addi %mul3A_0, %arg0 : i32
    %iota3A = tpu.iota {dimensions = array<i32: 0>} : vector<16xi32>
    %mul3A_1 = arith.constant 64 : i32
    %mul3A_2 = arith.muli %add3A, %mul3A_1 : i32
    %mul3A_3 = arith.constant 128 : i32
    %mul3A_4 = arith.muli %mul3A_2, %mul3A_3 : i32
    "tpu.region"() ({
      %run_scoped3A = tpu.sem_alloc : memref<!tpu.dma_semaphore, #tpu.memory_space<semaphore_mem>>
      %dma_start3A_13 = tpu.memref_slice %arg3[%mul3A_4] : memref<262144xi32, #tpu.memory_space<hbm>> -> memref<128xi32, #tpu.memory_space<hbm>>
      %dma_start3A_14 = tpu.memref_slice %arg3[%mul3A_4] : memref<262144xi32, #tpu.memory_space<hbm>> -> memref<128xi32, #tpu.memory_space<hbm>>
      tpu.enqueue_dma source(%dma_start3A_14 : memref<128xi32, #tpu.memory_space<hbm>>) target(%arg6 : memref<128xi32, #tpu.memory_space<vmem>>) target_semaphore(%run_scoped3A : memref<!tpu.dma_semaphore, #tpu.memory_space<semaphore_mem>>)
      %dma_wait3A = tpu.memref_slice %arg3[%mul3A_4] : memref<262144xi32, #tpu.memory_space<hbm>> -> memref<128xi32, #tpu.memory_space<hbm>>
      %dma_wait3A_15 = tpu.memref_slice %arg3[%mul3A_4] : memref<262144xi32, #tpu.memory_space<hbm>> -> memref<128xi32, #tpu.memory_space<hbm>>
      tpu.wait_dma2 semaphore(%run_scoped3A : memref<!tpu.dma_semaphore, #tpu.memory_space<semaphore_mem>>) src(%dma_wait3A_15 : memref<128xi32, #tpu.memory_space<hbm>>) dst(%arg6 : memref<128xi32, #tpu.memory_space<vmem>>)
      tpu.yield
    }) : () -> ()
    %dma_start3A = arith.constant 0 : i32
    %dma_start3A_5 = arith.constant 0 : i32
    %dma_start3A_6 = tpu.memref_slice %arg2[%dma_start3A, %dma_start3A_5] : memref<1605632x128xf32, #tpu.memory_space<hbm>> -> memref<1605632x128xf32, #tpu.memory_space<hbm>>
    tpu.enqueue_indirect_dma source(%dma_start3A_6 : memref<1605632x128xf32, #tpu.memory_space<hbm>>) target(%arg9 : memref<128x128xf32, #tpu.memory_space<vmem>>) offsets(%arg6 : memref<128xi32, #tpu.memory_space<vmem>>) semaphore(%arg16 : memref<!tpu.dma_semaphore, #tpu.memory_space<semaphore_mem>>)
    %scan3A = arith.constant 0 : i32
    %scan3A_7 = arith.constant 0 : i32
    %scan3A_8 = arith.constant 32 : i32
    %scan3A_9 = arith.addi %scan3A_7, %scan3A_8 : i32
    %scan3A_10 = arith.constant 1 : i32
    %scan3A_11 = scf.for %scan3A_13 = %scan3A_7 to %scan3A_9 step %scan3A_10 iter_args(%scan3A_14 = %scan3A) -> (i32)  : i32 {
      %mul3A_15 = arith.constant 2 : i32
      %mul3A_16 = arith.muli %mul3A_15, %scan3A_13 : i32
      %add3A_17 = arith.addi %mul3A_2, %mul3A_16 : i32
      %add3A_18 = arith.constant 1 : i32
      %add3A_19 = arith.addi %add3A_17, %add3A_18 : i32
      %mul3A_20 = arith.constant 128 : i32
      %mul3A_21 = arith.muli %add3A_19, %mul3A_20 : i32
      "tpu.region"() ({
        %run_scoped3A = tpu.sem_alloc : memref<!tpu.dma_semaphore, #tpu.memory_space<semaphore_mem>>
        %dma_start3A_186 = tpu.memref_slice %arg3[%mul3A_21] : memref<262144xi32, #tpu.memory_space<hbm>> -> memref<128xi32, #tpu.memory_space<hbm>>
        %dma_start3A_187 = tpu.memref_slice %arg3[%mul3A_21] : memref<262144xi32, #tpu.memory_space<hbm>> -> memref<128xi32, #tpu.memory_space<hbm>>
        tpu.enqueue_dma source(%dma_start3A_187 : memref<128xi32, #tpu.memory_space<hbm>>) target(%arg7 : memref<128xi32, #tpu.memory_space<vmem>>) target_semaphore(%run_scoped3A : memref<!tpu.dma_semaphore, #tpu.memory_space<semaphore_mem>>)
        %dma_wait3A_188 = tpu.memref_slice %arg3[%mul3A_21] : memref<262144xi32, #tpu.memory_space<hbm>> -> memref<128xi32, #tpu.memory_space<hbm>>
        %dma_wait3A_189 = tpu.memref_slice %arg3[%mul3A_21] : memref<262144xi32, #tpu.memory_space<hbm>> -> memref<128xi32, #tpu.memory_space<hbm>>
        tpu.wait_dma2 semaphore(%run_scoped3A : memref<!tpu.dma_semaphore, #tpu.memory_space<semaphore_mem>>) src(%dma_wait3A_189 : memref<128xi32, #tpu.memory_space<hbm>>) dst(%arg7 : memref<128xi32, #tpu.memory_space<vmem>>)
        tpu.yield
      }) : () -> ()
      %dma_start3A_22 = arith.constant 0 : i32
      %dma_start3A_23 = arith.constant 0 : i32
      %dma_start3A_24 = tpu.memref_slice %arg2[%dma_start3A_22, %dma_start3A_23] : memref<1605632x128xf32, #tpu.memory_space<hbm>> -> memref<1605632x128xf32, #tpu.memory_space<hbm>>
      tpu.enqueue_indirect_dma source(%dma_start3A_24 : memref<1605632x128xf32, #tpu.memory_space<hbm>>) target(%arg10 : memref<128x128xf32, #tpu.memory_space<vmem>>) offsets(%arg7 : memref<128xi32, #tpu.memory_space<vmem>>) semaphore(%arg17 : memref<!tpu.dma_semaphore, #tpu.memory_space<semaphore_mem>>)
      %dma_wait3A = arith.constant 0 : i32
      %dma_wait3A_25 = arith.constant 0 : i32
      %dma_wait3A_26 = tpu.memref_slice %arg2[%dma_wait3A, %dma_wait3A_25] : memref<1605632x128xf32, #tpu.memory_space<hbm>> -> memref<1605632x128xf32, #tpu.memory_space<hbm>>
      tpu.wait_indirect_dma semaphore(%arg16 : memref<!tpu.dma_semaphore, #tpu.memory_space<semaphore_mem>>) src(%dma_wait3A_26 : memref<1605632x128xf32, #tpu.memory_space<hbm>>) dst(%arg9 : memref<128x128xf32, #tpu.memory_space<vmem>>)
      %get3A = arith.constant 0 : index
      %get3A_27 = tpu.vector_load %arg6[%get3A] {strides = array<i32>} : memref<128xi32, #tpu.memory_space<vmem>>, vector<16xi32>,
      %get3A_28 = vector.shape_cast %get3A_27 : vector<16xi32> to vector<16xi32>
      %swap3A = arith.constant 0 : index
      %swap3A_29 = tpu.vector_load %arg8[%swap3A] {strides = array<i32>} : memref<144xi32, #tpu.memory_space<vmem>>, vector<16xi32>,
      %swap3A_30 = vector.shape_cast %swap3A_29 : vector<16xi32> to vector<16xi32>
      %swap3A_31 = vector.shape_cast %get3A_28 : vector<16xi32> to vector<16xi32>
      tpu.vector_store %arg8[%swap3A], %swap3A_31 {strides = array<i32>} : memref<144xi32, #tpu.memory_space<vmem>>, vector<16xi32>,
      %get3A_32 = arith.constant 16 : index
      %get3A_33 = tpu.vector_load %arg6[%get3A_32] {strides = array<i32>} : memref<128xi32, #tpu.memory_space<vmem>>, vector<16xi32>,
      %get3A_34 = vector.shape_cast %get3A_33 : vector<16xi32> to vector<16xi32>
      %swap3A_35 = arith.constant 16 : index
      %swap3A_36 = tpu.vector_load %arg8[%swap3A_35] {strides = array<i32>} : memref<144xi32, #tpu.memory_space<vmem>>, vector<16xi32>,
      %swap3A_37 = vector.shape_cast %swap3A_36 : vector<16xi32> to vector<16xi32>
      %swap3A_38 = vector.shape_cast %get3A_34 : vector<16xi32> to vector<16xi32>
      tpu.vector_store %arg8[%swap3A_35], %swap3A_38 {strides = array<i32>} : memref<144xi32, #tpu.memory_space<vmem>>, vector<16xi32>,
      %get3A_39 = arith.constant 32 : index
      %get3A_40 = tpu.vector_load %arg6[%get3A_39] {strides = array<i32>} : memref<128xi32, #tpu.memory_space<vmem>>, vector<16xi32>,
      %get3A_41 = vector.shape_cast %get3A_40 : vector<16xi32> to vector<16xi32>
      %swap3A_42 = arith.constant 32 : index
      %swap3A_43 = tpu.vector_load %arg8[%swap3A_42] {strides = array<i32>} : memref<144xi32, #tpu.memory_space<vmem>>, vector<16xi32>,
      %swap3A_44 = vector.shape_cast %swap3A_43 : vector<16xi32> to vector<16xi32>
      %swap3A_45 = vector.shape_cast %get3A_41 : vector<16xi32> to vector<16xi32>
      tpu.vector_store %arg8[%swap3A_42], %swap3A_45 {strides = array<i32>} : memref<144xi32, #tpu.memory_space<vmem>>, vector<16xi32>,
      %get3A_46 = arith.constant 48 : index
      %get3A_47 = tpu.vector_load %arg6[%get3A_46] {strides = array<i32>} : memref<128xi32, #tpu.memory_space<vmem>>, vector<16xi32>,
      %get3A_48 = vector.shape_cast %get3A_47 : vector<16xi32> to vector<16xi32>
      %swap3A_49 = arith.constant 48 : index
      %swap3A_50 = tpu.vector_load %arg8[%swap3A_49] {strides = array<i32>} : memref<144xi32, #tpu.memory_space<vmem>>, vector<16xi32>,
      %swap3A_51 = vector.shape_cast %swap3A_50 : vector<16xi32> to vector<16xi32>
      %swap3A_52 = vector.shape_cast %get3A_48 : vector<16xi32> to vector<16xi32>
      tpu.vector_store %arg8[%swap3A_49], %swap3A_52 {strides = array<i32>} : memref<144xi32, #tpu.memory_space<vmem>>, vector<16xi32>,
      %get3A_53 = arith.constant 64 : index
      %get3A_54 = tpu.vector_load %arg6[%get3A_53] {strides = array<i32>} : memref<128xi32, #tpu.memory_space<vmem>>, vector<16xi32>,
      %get3A_55 = vector.shape_cast %get3A_54 : vector<16xi32> to vector<16xi32>
      %swap3A_56 = arith.constant 64 : index
      %swap3A_57 = tpu.vector_load %arg8[%swap3A_56] {strides = array<i32>} : memref<144xi32, #tpu.memory_space<vmem>>, vector<16xi32>,
      %swap3A_58 = vector.shape_cast %swap3A_57 : vector<16xi32> to vector<16xi32>
      %swap3A_59 = vector.shape_cast %get3A_55 : vector<16xi32> to vector<16xi32>
      tpu.vector_store %arg8[%swap3A_56], %swap3A_59 {strides = array<i32>} : memref<144xi32, #tpu.memory_space<vmem>>, vector<16xi32>,
      %get3A_60 = arith.constant 80 : index
      %get3A_61 = tpu.vector_load %arg6[%get3A_60] {strides = array<i32>} : memref<128xi32, #tpu.memory_space<vmem>>, vector<16xi32>,
      %get3A_62 = vector.shape_cast %get3A_61 : vector<16xi32> to vector<16xi32>
      %swap3A_63 = arith.constant 80 : index
      %swap3A_64 = tpu.vector_load %arg8[%swap3A_63] {strides = array<i32>} : memref<144xi32, #tpu.memory_space<vmem>>, vector<16xi32>,
      %swap3A_65 = vector.shape_cast %swap3A_64 : vector<16xi32> to vector<16xi32>
      %swap3A_66 = vector.shape_cast %get3A_62 : vector<16xi32> to vector<16xi32>
      tpu.vector_store %arg8[%swap3A_63], %swap3A_66 {strides = array<i32>} : memref<144xi32, #tpu.memory_space<vmem>>, vector<16xi32>,
      %get3A_67 = arith.constant 96 : index
      %get3A_68 = tpu.vector_load %arg6[%get3A_67] {strides = array<i32>} : memref<128xi32, #tpu.memory_space<vmem>>, vector<16xi32>,
      %get3A_69 = vector.shape_cast %get3A_68 : vector<16xi32> to vector<16xi32>
      %swap3A_70 = arith.constant 96 : index
      %swap3A_71 = tpu.vector_load %arg8[%swap3A_70] {strides = array<i32>} : memref<144xi32, #tpu.memory_space<vmem>>, vector<16xi32>,
      %swap3A_72 = vector.shape_cast %swap3A_71 : vector<16xi32> to vector<16xi32>
      %swap3A_73 = vector.shape_cast %get3A_69 : vector<16xi32> to vector<16xi32>
      tpu.vector_store %arg8[%swap3A_70], %swap3A_73 {strides = array<i32>} : memref<144xi32, #tpu.memory_space<vmem>>, vector<16xi32>,
      %get3A_74 = arith.constant 112 : index
      %get3A_75 = tpu.vector_load %arg6[%get3A_74] {strides = array<i32>} : memref<128xi32, #tpu.memory_space<vmem>>, vector<16xi32>,
      %get3A_76 = vector.shape_cast %get3A_75 : vector<16xi32> to vector<16xi32>
      %swap3A_77 = arith.constant 112 : index
      %swap3A_78 = tpu.vector_load %arg8[%swap3A_77] {strides = array<i32>} : memref<144xi32, #tpu.memory_space<vmem>>, vector<16xi32>,
      %swap3A_79 = vector.shape_cast %swap3A_78 : vector<16xi32> to vector<16xi32>
      %swap3A_80 = vector.shape_cast %get3A_76 : vector<16xi32> to vector<16xi32>
      tpu.vector_store %arg8[%swap3A_77], %swap3A_80 {strides = array<i32>} : memref<144xi32, #tpu.memory_space<vmem>>, vector<16xi32>,
      %broadcast_in_dim3A = arith.constant 0.000000e+00 : f32
      %broadcast_in_dim3A_81 = vector.broadcast %broadcast_in_dim3A : f32 to vector<16xf32>
      %scan3A_82 = arith.constant 0 : i32
      %scan3A_83 = arith.constant 128 : i32
      %scan3A_84 = arith.addi %scan3A_82, %scan3A_83 : i32
      %scan3A_85 = arith.constant 1 : i32
      %scan3A_86 = scf.for %scan3A_186 = %scan3A_82 to %scan3A_84 step %scan3A_85 iter_args(%scan3A_187 = %broadcast_in_dim3A_81) -> (vector<16xf32>)  : i32 {
        %get3A_188 = arith.index_cast %scan3A_186 : i32 to index
        %get3A_189 = arith.constant 0 : index
        %get3A_190 = tpu.vector_load %arg9[%get3A_188, %get3A_189] {strides = array<i32>} : memref<128x128xf32, #tpu.memory_space<vmem>>, vector<1x16xf32>,
        %get3A_191 = vector.shape_cast %get3A_190 : vector<1x16xf32> to vector<16xf32>
        %get3A_192 = arith.index_cast %scan3A_186 : i32 to index
        %get3A_193 = arith.constant 16 : index
        %get3A_194 = tpu.vector_load %arg9[%get3A_192, %get3A_193] {strides = array<i32>} : memref<128x128xf32, #tpu.memory_space<vmem>>, vector<1x16xf32>,
        %get3A_195 = vector.shape_cast %get3A_194 : vector<1x16xf32> to vector<16xf32>
        %max3A = arith.maximumf %get3A_191, %get3A_195 : vector<16xf32>
        %get3A_196 = arith.index_cast %scan3A_186 : i32 to index
        %get3A_197 = arith.constant 32 : index
        %get3A_198 = tpu.vector_load %arg9[%get3A_196, %get3A_197] {strides = array<i32>} : memref<128x128xf32, #tpu.memory_space<vmem>>, vector<1x16xf32>,
        %get3A_199 = vector.shape_cast %get3A_198 : vector<1x16xf32> to vector<16xf32>
        %max3A_200 = arith.maximumf %max3A, %get3A_199 : vector<16xf32>
        %get3A_201 = arith.index_cast %scan3A_186 : i32 to index
        %get3A_202 = arith.constant 48 : index
        %get3A_203 = tpu.vector_load %arg9[%get3A_201, %get3A_202] {strides = array<i32>} : memref<128x128xf32, #tpu.memory_space<vmem>>, vector<1x16xf32>,
        %get3A_204 = vector.shape_cast %get3A_203 : vector<1x16xf32> to vector<16xf32>
        %max3A_205 = arith.maximumf %max3A_200, %get3A_204 : vector<16xf32>
        %get3A_206 = arith.index_cast %scan3A_186 : i32 to index
        %get3A_207 = arith.constant 64 : index
        %get3A_208 = tpu.vector_load %arg9[%get3A_206, %get3A_207] {strides = array<i32>} : memref<128x128xf32, #tpu.memory_space<vmem>>, vector<1x16xf32>,
        %get3A_209 = vector.shape_cast %get3A_208 : vector<1x16xf32> to vector<16xf32>
        %max3A_210 = arith.maximumf %max3A_205, %get3A_209 : vector<16xf32>
        %get3A_211 = arith.index_cast %scan3A_186 : i32 to index
        %get3A_212 = arith.constant 80 : index
        %get3A_213 = tpu.vector_load %arg9[%get3A_211, %get3A_212] {strides = array<i32>} : memref<128x128xf32, #tpu.memory_space<vmem>>, vector<1x16xf32>,
        %get3A_214 = vector.shape_cast %get3A_213 : vector<1x16xf32> to vector<16xf32>
        %max3A_215 = arith.maximumf %max3A_210, %get3A_214 : vector<16xf32>
        %get3A_216 = arith.index_cast %scan3A_186 : i32 to index
        %get3A_217 = arith.constant 96 : index
        %get3A_218 = tpu.vector_load %arg9[%get3A_216, %get3A_217] {strides = array<i32>} : memref<128x128xf32, #tpu.memory_space<vmem>>, vector<1x16xf32>,
        %get3A_219 = vector.shape_cast %get3A_218 : vector<1x16xf32> to vector<16xf32>
        %max3A_220 = arith.maximumf %max3A_215, %get3A_219 : vector<16xf32>
        %get3A_221 = arith.index_cast %scan3A_186 : i32 to index
        %get3A_222 = arith.constant 112 : index
        %get3A_223 = tpu.vector_load %arg9[%get3A_221, %get3A_222] {strides = array<i32>} : memref<128x128xf32, #tpu.memory_space<vmem>>, vector<1x16xf32>,
        %get3A_224 = vector.shape_cast %get3A_223 : vector<1x16xf32> to vector<16xf32>
        %max3A_225 = arith.maximumf %max3A_220, %get3A_224 : vector<16xf32>
        %swap3A_226 = arith.constant 0 : index
        %swap3A_227 = tpu.vector_load %arg14[%swap3A_226] {strides = array<i32>} : memref<32xf32, #tpu.memory_space<vmem>>, vector<16xf32>,
        %swap3A_228 = vector.shape_cast %swap3A_227 : vector<16xf32> to vector<16xf32>
        %swap3A_229 = vector.shape_cast %max3A_225 : vector<16xf32> to vector<16xf32>
        tpu.vector_store %arg14[%swap3A_226], %swap3A_229 {strides = array<i32>} : memref<32xf32, #tpu.memory_space<vmem>>, vector<16xf32>,
        %get3A_230 = arith.constant 8 : index
        %get3A_231 = tpu.vector_load %arg14[%get3A_230] {strides = array<i32>} : memref<32xf32, #tpu.memory_space<vmem>>, vector<16xf32>,
        %get3A_232 = vector.shape_cast %get3A_231 : vector<16xf32> to vector<16xf32>
        %max3A_233 = arith.maximumf %max3A_225, %get3A_232 : vector<16xf32>
        %swap3A_234 = arith.constant 0 : index
        %swap3A_235 = tpu.vector_load %arg14[%swap3A_234] {strides = array<i32>} : memref<32xf32, #tpu.memory_space<vmem>>, vector<16xf32>,
        %swap3A_236 = vector.shape_cast %swap3A_235 : vector<16xf32> to vector<16xf32>
        %swap3A_237 = vector.shape_cast %max3A_233 : vector<16xf32> to vector<16xf32>
        tpu.vector_store %arg14[%swap3A_234], %swap3A_237 {strides = array<i32>} : memref<32xf32, #tpu.memory_space<vmem>>, vector<16xf32>,
        %get3A_238 = arith.constant 4 : index
        %get3A_239 = tpu.vector_load %arg14[%get3A_238] {strides = array<i32>} : memref<32xf32, #tpu.memory_space<vmem>>, vector<16xf32>,
        %get3A_240 = vector.shape_cast %get3A_239 : vector<16xf32> to vector<16xf32>
        %max3A_241 = arith.maximumf %max3A_233, %get3A_240 : vector<16xf32>
        %swap3A_242 = arith.constant 0 : index
        %swap3A_243 = tpu.vector_load %arg14[%swap3A_242] {strides = array<i32>} : memref<32xf32, #tpu.memory_space<vmem>>, vector<16xf32>,
        %swap3A_244 = vector.shape_cast %swap3A_243 : vector<16xf32> to vector<16xf32>
        %swap3A_245 = vector.shape_cast %max3A_241 : vector<16xf32> to vector<16xf32>
        tpu.vector_store %arg14[%swap3A_242], %swap3A_245 {strides = array<i32>} : memref<32xf32, #tpu.memory_space<vmem>>, vector<16xf32>,
        %get3A_246 = arith.constant 2 : index
        %get3A_247 = tpu.vector_load %arg14[%get3A_246] {strides = array<i32>} : memref<32xf32, #tpu.memory_space<vmem>>, vector<16xf32>,
        %get3A_248 = vector.shape_cast %get3A_247 : vector<16xf32> to vector<16xf32>
        %max3A_249 = arith.maximumf %max3A_241, %get3A_248 : vector<16xf32>
        %swap3A_250 = arith.constant 0 : index
        %swap3A_251 = tpu.vector_load %arg14[%swap3A_250] {strides = array<i32>} : memref<32xf32, #tpu.memory_space<vmem>>, vector<16xf32>,
        %swap3A_252 = vector.shape_cast %swap3A_251 : vector<16xf32> to vector<16xf32>
        %swap3A_253 = vector.shape_cast %max3A_249 : vector<16xf32> to vector<16xf32>
        tpu.vector_store %arg14[%swap3A_250], %swap3A_253 {strides = array<i32>} : memref<32xf32, #tpu.memory_space<vmem>>, vector<16xf32>,
        %get3A_254 = arith.constant 1 : index
        %get3A_255 = tpu.vector_load %arg14[%get3A_254] {strides = array<i32>} : memref<32xf32, #tpu.memory_space<vmem>>, vector<16xf32>,
        %get3A_256 = vector.shape_cast %get3A_255 : vector<16xf32> to vector<16xf32>
        %max3A_257 = arith.maximumf %max3A_249, %get3A_256 : vector<16xf32>
        %slice3A = vector.extract_strided_slice %max3A_257 {offsets = [0], sizes = [1], strides = [1]} : vector<16xf32> to vector<1xf32>
        %squeeze3A = vector.extract %slice3A[0] : f32 from vector<1xf32>
        %jit3A = arith.constant 16 : i32
        %eq3A = arith.constant 0 : i32
        %eq3A_258 = arith.cmpi eq, %jit3A, %eq3A : i32
        %jit3A_259 = arith.constant 1 : i32
        %select_n3A = arith.select %eq3A_258, %jit3A_259, %jit3A : i32
        %rem3A = arith.remsi %scan3A_186, %select_n3A : i32
        %ne3A = arith.constant 0 : i32
        %ne3A_260 = arith.cmpi ne, %rem3A, %ne3A : i32
        %lt3A_261 = arith.constant 0 : i32
        %lt3A_262 = arith.cmpi slt, %rem3A, %lt3A_261 : i32
        %lt3A_263 = arith.constant 0 : i32
        %lt3A_264 = arith.cmpi slt, %select_n3A, %lt3A_263 : i32
        %ne3A_265 = arith.xori %lt3A_262, %lt3A_264 : i1
        %and3A = arith.andi %ne3A_265, %ne3A_260 : i1
        %add3A_266 = arith.addi %rem3A, %select_n3A : i32
        %select_n3A_267 = arith.select %and3A, %add3A_266, %rem3A : i32
        %eq3A_268 = vector.broadcast %select_n3A_267 : i32 to vector<16xi32>
        %eq3A_269 = arith.cmpi eq, %iota3A, %eq3A_268 : vector<16xi32>
        %broadcast_in_dim3A_270 = vector.broadcast %squeeze3A : f32 to vector<16xf32>
        %select_n3A_271 = arith.select %eq3A_269, %broadcast_in_dim3A_270, %scan3A_187 : vector<16xi1>, vector<16xf32>
        %jit3A_272 = arith.constant 16 : i32
        %eq3A_273 = arith.constant 0 : i32
        %eq3A_274 = arith.cmpi eq, %jit3A_272, %eq3A_273 : i32
        %jit3A_275 = arith.constant 1 : i32
        %select_n3A_276 = arith.select %eq3A_274, %jit3A_275, %jit3A_272 : i32
        %rem3A_277 = arith.remsi %scan3A_186, %select_n3A_276 : i32
        %ne3A_278 = arith.constant 0 : i32
        %ne3A_279 = arith.cmpi ne, %rem3A_277, %ne3A_278 : i32
        %lt3A_280 = arith.constant 0 : i32
        %lt3A_281 = arith.cmpi slt, %rem3A_277, %lt3A_280 : i32
        %lt3A_282 = arith.constant 0 : i32
        %lt3A_283 = arith.cmpi slt, %select_n3A_276, %lt3A_282 : i32
        %ne3A_284 = arith.xori %lt3A_281, %lt3A_283 : i1
        %and3A_285 = arith.andi %ne3A_284, %ne3A_279 : i1
        %add3A_286 = arith.addi %rem3A_277, %select_n3A_276 : i32
        %select_n3A_287 = arith.select %and3A_285, %add3A_286, %rem3A_277 : i32
        %eq3A_288 = arith.constant 15 : i32
        %eq3A_289 = arith.cmpi eq, %select_n3A_287, %eq3A_288 : i32
        %convert_element_type3A_290 = arith.extui %eq3A_289 : i1 to i32
        %cond3A_291 = arith.constant 0 : i32
        %cond3A_292 = arith.cmpi ne, %convert_element_type3A_290, %cond3A_291 : i32
        scf.if %cond3A_292 {
          %jit3A_293 = arith.constant 16 : i32
          %div3A = arith.divsi %scan3A_186, %jit3A_293 : i32
          %sign3A = arith.constant 0 : i32
          %sign3A_294 = arith.cmpi sgt, %scan3A_186, %sign3A : i32
          %sign3A_295 = arith.extui %sign3A_294 : i1 to i32
          %sign3A_296 = arith.constant 0 : i32
          %sign3A_297 = arith.cmpi slt, %scan3A_186, %sign3A_296 : i32
          %sign3A_298 = arith.extui %sign3A_297 : i1 to i32
          %sign3A_299 = arith.subi %sign3A_295, %sign3A_298 : i32
          %sign3A_300 = arith.constant 0 : i32
          %sign3A_301 = arith.cmpi sgt, %jit3A_293, %sign3A_300 : i32
          %sign3A_302 = arith.extui %sign3A_301 : i1 to i32
          %sign3A_303 = arith.constant 0 : i32
          %sign3A_304 = arith.cmpi slt, %jit3A_293, %sign3A_303 : i32
          %sign3A_305 = arith.extui %sign3A_304 : i1 to i32
          %sign3A_306 = arith.subi %sign3A_302, %sign3A_305 : i32
          %ne3A_307 = arith.cmpi ne, %sign3A_299, %sign3A_306 : i32
          %rem3A_308 = arith.remsi %scan3A_186, %jit3A_293 : i32
          %ne3A_309 = arith.constant 0 : i32
          %ne3A_310 = arith.cmpi ne, %rem3A_308, %ne3A_309 : i32
          %and3A_311 = arith.andi %ne3A_307, %ne3A_310 : i1
          %sub3A = arith.constant 1 : i32
          %sub3A_312 = arith.subi %div3A, %sub3A : i32
          %select_n3A_313 = arith.select %and3A_311, %sub3A_312, %div3A : i32
          %mul3A_314 = arith.constant 16 : i32
          %mul3A_315 = arith.muli %select_n3A_313, %mul3A_314 : i32
          %swap3A_316 = arith.index_cast %mul3A_315 : i32 to index
          %swap3A_317 = tpu.vector_load %arg11[%swap3A_316] {strides = array<i32>} : memref<128xf32, #tpu.memory_space<vmem>>, vector<16xf32>,
          %swap3A_318 = vector.shape_cast %swap3A_317 : vector<16xf32> to vector<16xf32>
          %swap3A_319 = vector.shape_cast %select_n3A_271 : vector<16xf32> to vector<16xf32>
          tpu.vector_store %arg11[%swap3A_316], %swap3A_319 {strides = array<i32>} : memref<128xf32, #tpu.memory_space<vmem>>, vector<16xf32>,
        } else {
        }
        scf.yield %select_n3A_271 : vector<16xf32>
      }
      %scan3A_87 = arith.constant 128 : i32
      %broadcast_in_dim3A_88 = arith.constant 0.000000e+00 : f32
      %broadcast_in_dim3A_89 = vector.broadcast %broadcast_in_dim3A_88 : f32 to vector<16xf32>
      %broadcast_in_dim3A_90 = arith.constant 0 : i32
      %broadcast_in_dim3A_91 = vector.broadcast %broadcast_in_dim3A_90 : i32 to vector<16xi32>
      %scan3A_92 = arith.constant 0 : i32
      %scan3A_93 = arith.constant 128 : i32
      %scan3A_94 = arith.addi %scan3A_92, %scan3A_93 : i32
      %scan3A_95 = arith.constant 1 : i32
      %scan3A_96:2 = scf.for %scan3A_186 = %scan3A_92 to %scan3A_94 step %scan3A_95 iter_args(%scan3A_187 = %broadcast_in_dim3A_89, %scan3A_188 = %broadcast_in_dim3A_91) -> (vector<16xf32>, vector<16xi32>)  : i32 {
        %get3A_189 = arith.constant 0 : index
        %get3A_190 = tpu.vector_load %arg11[%get3A_189] {strides = array<i32>} : memref<128xf32, #tpu.memory_space<vmem>>, vector<16xf32>,
        %get3A_191 = vector.shape_cast %get3A_190 : vector<16xf32> to vector<16xf32>
        %get3A_192 = arith.constant 16 : index
        %get3A_193 = tpu.vector_load %arg11[%get3A_192] {strides = array<i32>} : memref<128xf32, #tpu.memory_space<vmem>>, vector<16xf32>,
        %get3A_194 = vector.shape_cast %get3A_193 : vector<16xf32> to vector<16xf32>
        %gt3A = arith.cmpf ogt, %get3A_194, %get3A_191 : vector<16xf32>
        %add3A_195 = arith.constant 16 : i32
        %add3A_196 = vector.broadcast %add3A_195 : i32 to vector<16xi32>
        %add3A_197 = arith.addi %iota3A, %add3A_196 : vector<16xi32>
        %select_n3A = arith.select %gt3A, %add3A_197, %iota3A : vector<16xi1>, vector<16xi32>
        %max3A = arith.maximumf %get3A_191, %get3A_194 : vector<16xf32>
        %get3A_198 = arith.constant 32 : index
        %get3A_199 = tpu.vector_load %arg11[%get3A_198] {strides = array<i32>} : memref<128xf32, #tpu.memory_space<vmem>>, vector<16xf32>,
        %get3A_200 = vector.shape_cast %get3A_199 : vector<16xf32> to vector<16xf32>
        %gt3A_201 = arith.cmpf ogt, %get3A_200, %max3A : vector<16xf32>
        %add3A_202 = arith.constant 32 : i32
        %add3A_203 = vector.broadcast %add3A_202 : i32 to vector<16xi32>
        %add3A_204 = arith.addi %iota3A, %add3A_203 : vector<16xi32>
        %select_n3A_205 = arith.select %gt3A_201, %add3A_204, %select_n3A : vector<16xi1>, vector<16xi32>
        %max3A_206 = arith.maximumf %max3A, %get3A_200 : vector<16xf32>
        %get3A_207 = arith.constant 48 : index
        %get3A_208 = tpu.vector_load %arg11[%get3A_207] {strides = array<i32>} : memref<128xf32, #tpu.memory_space<vmem>>, vector<16xf32>,
        %get3A_209 = vector.shape_cast %get3A_208 : vector<16xf32> to vector<16xf32>
        %gt3A_210 = arith.cmpf ogt, %get3A_209, %max3A_206 : vector<16xf32>
        %add3A_211 = arith.constant 48 : i32
        %add3A_212 = vector.broadcast %add3A_211 : i32 to vector<16xi32>
        %add3A_213 = arith.addi %iota3A, %add3A_212 : vector<16xi32>
        %select_n3A_214 = arith.select %gt3A_210, %add3A_213, %select_n3A_205 : vector<16xi1>, vector<16xi32>
        %max3A_215 = arith.maximumf %max3A_206, %get3A_209 : vector<16xf32>
        %get3A_216 = arith.constant 64 : index
        %get3A_217 = tpu.vector_load %arg11[%get3A_216] {strides = array<i32>} : memref<128xf32, #tpu.memory_space<vmem>>, vector<16xf32>,
        %get3A_218 = vector.shape_cast %get3A_217 : vector<16xf32> to vector<16xf32>
        %gt3A_219 = arith.cmpf ogt, %get3A_218, %max3A_215 : vector<16xf32>
        %add3A_220 = arith.constant 64 : i32
        %add3A_221 = vector.broadcast %add3A_220 : i32 to vector<16xi32>
        %add3A_222 = arith.addi %iota3A, %add3A_221 : vector<16xi32>
        %select_n3A_223 = arith.select %gt3A_219, %add3A_222, %select_n3A_214 : vector<16xi1>, vector<16xi32>
        %max3A_224 = arith.maximumf %max3A_215, %get3A_218 : vector<16xf32>
        %get3A_225 = arith.constant 80 : index
        %get3A_226 = tpu.vector_load %arg11[%get3A_225] {strides = array<i32>} : memref<128xf32, #tpu.memory_space<vmem>>, vector<16xf32>,
        %get3A_227 = vector.shape_cast %get3A_226 : vector<16xf32> to vector<16xf32>
        %gt3A_228 = arith.cmpf ogt, %get3A_227, %max3A_224 : vector<16xf32>
        %add3A_229 = arith.constant 80 : i32
        %add3A_230 = vector.broadcast %add3A_229 : i32 to vector<16xi32>
        %add3A_231 = arith.addi %iota3A, %add3A_230 : vector<16xi32>
        %select_n3A_232 = arith.select %gt3A_228, %add3A_231, %select_n3A_223 : vector<16xi1>, vector<16xi32>
        %max3A_233 = arith.maximumf %max3A_224, %get3A_227 : vector<16xf32>
        %get3A_234 = arith.constant 96 : index
        %get3A_235 = tpu.vector_load %arg11[%get3A_234] {strides = array<i32>} : memref<128xf32, #tpu.memory_space<vmem>>, vector<16xf32>,
        %get3A_236 = vector.shape_cast %get3A_235 : vector<16xf32> to vector<16xf32>
        %gt3A_237 = arith.cmpf ogt, %get3A_236, %max3A_233 : vector<16xf32>
        %add3A_238 = arith.constant 96 : i32
        %add3A_239 = vector.broadcast %add3A_238 : i32 to vector<16xi32>
        %add3A_240 = arith.addi %iota3A, %add3A_239 : vector<16xi32>
        %select_n3A_241 = arith.select %gt3A_237, %add3A_240, %select_n3A_232 : vector<16xi1>, vector<16xi32>
        %max3A_242 = arith.maximumf %max3A_233, %get3A_236 : vector<16xf32>
        %get3A_243 = arith.constant 112 : index
        %get3A_244 = tpu.vector_load %arg11[%get3A_243] {strides = array<i32>} : memref<128xf32, #tpu.memory_space<vmem>>, vector<16xf32>,
        %get3A_245 = vector.shape_cast %get3A_244 : vector<16xf32> to vector<16xf32>
        %gt3A_246 = arith.cmpf ogt, %get3A_245, %max3A_242 : vector<16xf32>
        %add3A_247 = arith.constant 112 : i32
        %add3A_248 = vector.broadcast %add3A_247 : i32 to vector<16xi32>
        %add3A_249 = arith.addi %iota3A, %add3A_248 : vector<16xi32>
        %select_n3A_250 = arith.select %gt3A_246, %add3A_249, %select_n3A_241 : vector<16xi1>, vector<16xi32>
        %max3A_251 = arith.maximumf %max3A_242, %get3A_245 : vector<16xf32>
        %swap3A_252 = arith.constant 0 : index
        %swap3A_253 = tpu.vector_load %arg14[%swap3A_252] {strides = array<i32>} : memref<32xf32, #tpu.memory_space<vmem>>, vector<16xf32>,
        %swap3A_254 = vector.shape_cast %swap3A_253 : vector<16xf32> to vector<16xf32>
        %swap3A_255 = vector.shape_cast %max3A_251 : vector<16xf32> to vector<16xf32>
        tpu.vector_store %arg14[%swap3A_252], %swap3A_255 {strides = array<i32>} : memref<32xf32, #tpu.memory_space<vmem>>, vector<16xf32>,
        %swap3A_256 = arith.constant 0 : index
        %swap3A_257 = tpu.vector_load %arg15[%swap3A_256] {strides = array<i32>} : memref<32xi32, #tpu.memory_space<vmem>>, vector<16xi32>,
        %swap3A_258 = vector.shape_cast %swap3A_257 : vector<16xi32> to vector<16xi32>
        %swap3A_259 = vector.shape_cast %select_n3A_250 : vector<16xi32> to vector<16xi32>
        tpu.vector_store %arg15[%swap3A_256], %swap3A_259 {strides = array<i32>} : memref<32xi32, #tpu.memory_space<vmem>>, vector<16xi32>,
        %get3A_260 = arith.constant 8 : index
        %get3A_261 = tpu.vector_load %arg14[%get3A_260] {strides = array<i32>} : memref<32xf32, #tpu.memory_space<vmem>>, vector<16xf32>,
        %get3A_262 = vector.shape_cast %get3A_261 : vector<16xf32> to vector<16xf32>
        %get3A_263 = arith.constant 8 : index
        %get3A_264 = tpu.vector_load %arg15[%get3A_263] {strides = array<i32>} : memref<32xi32, #tpu.memory_space<vmem>>, vector<16xi32>,
        %get3A_265 = vector.shape_cast %get3A_264 : vector<16xi32> to vector<16xi32>
        %gt3A_266 = arith.cmpf ogt, %get3A_262, %max3A_251 : vector<16xf32>
        %eq3A = arith.cmpf oeq, %get3A_262, %max3A_251 : vector<16xf32>
        %min3A = arith.minsi %select_n3A_250, %get3A_265 : vector<16xi32>
        %select_n3A_267 = arith.select %eq3A, %min3A, %select_n3A_250 : vector<16xi1>, vector<16xi32>
        %select_n3A_268 = arith.select %gt3A_266, %get3A_265, %select_n3A_267 : vector<16xi1>, vector<16xi32>
        %max3A_269 = arith.maximumf %max3A_251, %get3A_262 : vector<16xf32>
        %swap3A_270 = arith.constant 0 : index
        %swap3A_271 = tpu.vector_load %arg14[%swap3A_270] {strides = array<i32>} : memref<32xf32, #tpu.memory_space<vmem>>, vector<16xf32>,
        %swap3A_272 = vector.shape_cast %swap3A_271 : vector<16xf32> to vector<16xf32>
        %swap3A_273 = vector.shape_cast %max3A_269 : vector<16xf32> to vector<16xf32>
        tpu.vector_store %arg14[%swap3A_270], %swap3A_273 {strides = array<i32>} : memref<32xf32, #tpu.memory_space<vmem>>, vector<16xf32>,
        %swap3A_274 = arith.constant 0 : index
        %swap3A_275 = tpu.vector_load %arg15[%swap3A_274] {strides = array<i32>} : memref<32xi32, #tpu.memory_space<vmem>>, vector<16xi32>,
        %swap3A_276 = vector.shape_cast %swap3A_275 : vector<16xi32> to vector<16xi32>
        %swap3A_277 = vector.shape_cast %select_n3A_268 : vector<16xi32> to vector<16xi32>
        tpu.vector_store %arg15[%swap3A_274], %swap3A_277 {strides = array<i32>} : memref<32xi32, #tpu.memory_space<vmem>>, vector<16xi32>,
        %get3A_278 = arith.constant 4 : index
        %get3A_279 = tpu.vector_load %arg14[%get3A_278] {strides = array<i32>} : memref<32xf32, #tpu.memory_space<vmem>>, vector<16xf32>,
        %get3A_280 = vector.shape_cast %get3A_279 : vector<16xf32> to vector<16xf32>
        %get3A_281 = arith.constant 4 : index
        %get3A_282 = tpu.vector_load %arg15[%get3A_281] {strides = array<i32>} : memref<32xi32, #tpu.memory_space<vmem>>, vector<16xi32>,
        %get3A_283 = vector.shape_cast %get3A_282 : vector<16xi32> to vector<16xi32>
        %gt3A_284 = arith.cmpf ogt, %get3A_280, %max3A_269 : vector<16xf32>
        %eq3A_285 = arith.cmpf oeq, %get3A_280, %max3A_269 : vector<16xf32>
        %min3A_286 = arith.minsi %select_n3A_268, %get3A_283 : vector<16xi32>
        %select_n3A_287 = arith.select %eq3A_285, %min3A_286, %select_n3A_268 : vector<16xi1>, vector<16xi32>
        %select_n3A_288 = arith.select %gt3A_284, %get3A_283, %select_n3A_287 : vector<16xi1>, vector<16xi32>
        %max3A_289 = arith.maximumf %max3A_269, %get3A_280 : vector<16xf32>
        %swap3A_290 = arith.constant 0 : index
        %swap3A_291 = tpu.vector_load %arg14[%swap3A_290] {strides = array<i32>} : memref<32xf32, #tpu.memory_space<vmem>>, vector<16xf32>,
        %swap3A_292 = vector.shape_cast %swap3A_291 : vector<16xf32> to vector<16xf32>
        %swap3A_293 = vector.shape_cast %max3A_289 : vector<16xf32> to vector<16xf32>
        tpu.vector_store %arg14[%swap3A_290], %swap3A_293 {strides = array<i32>} : memref<32xf32, #tpu.memory_space<vmem>>, vector<16xf32>,
        %swap3A_294 = arith.constant 0 : index
        %swap3A_295 = tpu.vector_load %arg15[%swap3A_294] {strides = array<i32>} : memref<32xi32, #tpu.memory_space<vmem>>, vector<16xi32>,
        %swap3A_296 = vector.shape_cast %swap3A_295 : vector<16xi32> to vector<16xi32>
        %swap3A_297 = vector.shape_cast %select_n3A_288 : vector<16xi32> to vector<16xi32>
        tpu.vector_store %arg15[%swap3A_294], %swap3A_297 {strides = array<i32>} : memref<32xi32, #tpu.memory_space<vmem>>, vector<16xi32>,
        %get3A_298 = arith.constant 2 : index
        %get3A_299 = tpu.vector_load %arg14[%get3A_298] {strides = array<i32>} : memref<32xf32, #tpu.memory_space<vmem>>, vector<16xf32>,
        %get3A_300 = vector.shape_cast %get3A_299 : vector<16xf32> to vector<16xf32>
        %get3A_301 = arith.constant 2 : index
        %get3A_302 = tpu.vector_load %arg15[%get3A_301] {strides = array<i32>} : memref<32xi32, #tpu.memory_space<vmem>>, vector<16xi32>,
        %get3A_303 = vector.shape_cast %get3A_302 : vector<16xi32> to vector<16xi32>
        %gt3A_304 = arith.cmpf ogt, %get3A_300, %max3A_289 : vector<16xf32>
        %eq3A_305 = arith.cmpf oeq, %get3A_300, %max3A_289 : vector<16xf32>
        %min3A_306 = arith.minsi %select_n3A_288, %get3A_303 : vector<16xi32>
        %select_n3A_307 = arith.select %eq3A_305, %min3A_306, %select_n3A_288 : vector<16xi1>, vector<16xi32>
        %select_n3A_308 = arith.select %gt3A_304, %get3A_303, %select_n3A_307 : vector<16xi1>, vector<16xi32>
        %max3A_309 = arith.maximumf %max3A_289, %get3A_300 : vector<16xf32>
        %swap3A_310 = arith.constant 0 : index
        %swap3A_311 = tpu.vector_load %arg14[%swap3A_310] {strides = array<i32>} : memref<32xf32, #tpu.memory_space<vmem>>, vector<16xf32>,
        %swap3A_312 = vector.shape_cast %swap3A_311 : vector<16xf32> to vector<16xf32>
        %swap3A_313 = vector.shape_cast %max3A_309 : vector<16xf32> to vector<16xf32>
        tpu.vector_store %arg14[%swap3A_310], %swap3A_313 {strides = array<i32>} : memref<32xf32, #tpu.memory_space<vmem>>, vector<16xf32>,
        %swap3A_314 = arith.constant 0 : index
        %swap3A_315 = tpu.vector_load %arg15[%swap3A_314] {strides = array<i32>} : memref<32xi32, #tpu.memory_space<vmem>>, vector<16xi32>,
        %swap3A_316 = vector.shape_cast %swap3A_315 : vector<16xi32> to vector<16xi32>
        %swap3A_317 = vector.shape_cast %select_n3A_308 : vector<16xi32> to vector<16xi32>
        tpu.vector_store %arg15[%swap3A_314], %swap3A_317 {strides = array<i32>} : memref<32xi32, #tpu.memory_space<vmem>>, vector<16xi32>,
        %get3A_318 = arith.constant 1 : index
        %get3A_319 = tpu.vector_load %arg14[%get3A_318] {strides = array<i32>} : memref<32xf32, #tpu.memory_space<vmem>>, vector<16xf32>,
        %get3A_320 = vector.shape_cast %get3A_319 : vector<16xf32> to vector<16xf32>
        %get3A_321 = arith.constant 1 : index
        %get3A_322 = tpu.vector_load %arg15[%get3A_321] {strides = array<i32>} : memref<32xi32, #tpu.memory_space<vmem>>, vector<16xi32>,
        %get3A_323 = vector.shape_cast %get3A_322 : vector<16xi32> to vector<16xi32>
        %gt3A_324 = arith.cmpf ogt, %get3A_320, %max3A_309 : vector<16xf32>
        %eq3A_325 = arith.cmpf oeq, %get3A_320, %max3A_309 : vector<16xf32>
        %min3A_326 = arith.minsi %select_n3A_308, %get3A_323 : vector<16xi32>
        %select_n3A_327 = arith.select %eq3A_325, %min3A_326, %select_n3A_308 : vector<16xi1>, vector<16xi32>
        %select_n3A_328 = arith.select %gt3A_324, %get3A_323, %select_n3A_327 : vector<16xi1>, vector<16xi32>
        %max3A_329 = arith.maximumf %max3A_309, %get3A_320 : vector<16xf32>
        %slice3A = vector.extract_strided_slice %max3A_329 {offsets = [0], sizes = [1], strides = [1]} : vector<16xf32> to vector<1xf32>
        %squeeze3A = vector.extract %slice3A[0] : f32 from vector<1xf32>
        %slice3A_330 = vector.extract_strided_slice %select_n3A_328 {offsets = [0], sizes = [1], strides = [1]} : vector<16xi32> to vector<1xi32>
        %squeeze3A_331 = vector.extract %slice3A_330[0] : i32 from vector<1xi32>
        %broadcast_in_dim3A_332 = vector.broadcast %squeeze3A : f32 to vector<16xf32>
        %broadcast_in_dim3A_333 = arith.constant -3.000000e+38 : f32
        %broadcast_in_dim3A_334 = vector.broadcast %broadcast_in_dim3A_333 : f32 to vector<16xf32>
        %broadcast_in_dim3A_335 = arith.constant 99999 : i32
        %broadcast_in_dim3A_336 = vector.broadcast %broadcast_in_dim3A_335 : i32 to vector<16xi32>
        %get3A_337 = arith.index_cast %squeeze3A_331 : i32 to index
        %get3A_338 = arith.constant 0 : index
        %get3A_339 = tpu.vector_load %arg9[%get3A_337, %get3A_338] {strides = array<i32>} : memref<128x128xf32, #tpu.memory_space<vmem>>, vector<1x16xf32>,
        %get3A_340 = vector.shape_cast %get3A_339 : vector<1x16xf32> to vector<16xf32>
        %ge3A = arith.cmpf oge, %get3A_340, %broadcast_in_dim3A_332 : vector<16xf32>
        %add3A_341 = arith.constant 0 : i32
        %add3A_342 = vector.broadcast %add3A_341 : i32 to vector<16xi32>
        %add3A_343 = arith.addi %iota3A, %add3A_342 : vector<16xi32>
        %jit3A = arith.constant 99999 : i32
        %broadcast_in_dim3A_344 = vector.broadcast %jit3A : i32 to vector<16xi32>
        %select_n3A_345 = arith.select %ge3A, %add3A_343, %broadcast_in_dim3A_344 : vector<16xi1>, vector<16xi32>
        %min3A_346 = arith.minsi %broadcast_in_dim3A_336, %select_n3A_345 : vector<16xi32>
        %select_n3A_347 = arith.select %ge3A, %broadcast_in_dim3A_334, %get3A_340 : vector<16xi1>, vector<16xf32>
        %max3A_348 = arith.maximumf %broadcast_in_dim3A_334, %select_n3A_347 : vector<16xf32>
        %get3A_349 = arith.index_cast %squeeze3A_331 : i32 to index
        %get3A_350 = arith.constant 16 : index
        %get3A_351 = tpu.vector_load %arg9[%get3A_349, %get3A_350] {strides = array<i32>} : memref<128x128xf32, #tpu.memory_space<vmem>>, vector<1x16xf32>,
        %get3A_352 = vector.shape_cast %get3A_351 : vector<1x16xf32> to vector<16xf32>
        %ge3A_353 = arith.cmpf oge, %get3A_352, %broadcast_in_dim3A_332 : vector<16xf32>
        %add3A_354 = arith.constant 16 : i32
        %add3A_355 = vector.broadcast %add3A_354 : i32 to vector<16xi32>
        %add3A_356 = arith.addi %iota3A, %add3A_355 : vector<16xi32>
        %jit3A_357 = arith.constant 99999 : i32
        %broadcast_in_dim3A_358 = vector.broadcast %jit3A_357 : i32 to vector<16xi32>
        %select_n3A_359 = arith.select %ge3A_353, %add3A_356, %broadcast_in_dim3A_358 : vector<16xi1>, vector<16xi32>
        %min3A_360 = arith.minsi %min3A_346, %select_n3A_359 : vector<16xi32>
        %select_n3A_361 = arith.select %ge3A_353, %broadcast_in_dim3A_334, %get3A_352 : vector<16xi1>, vector<16xf32>
        %max3A_362 = arith.maximumf %max3A_348, %select_n3A_361 : vector<16xf32>
        %get3A_363 = arith.index_cast %squeeze3A_331 : i32 to index
        %get3A_364 = arith.constant 32 : index
        %get3A_365 = tpu.vector_load %arg9[%get3A_363, %get3A_364] {strides = array<i32>} : memref<128x128xf32, #tpu.memory_space<vmem>>, vector<1x16xf32>,
        %get3A_366 = vector.shape_cast %get3A_365 : vector<1x16xf32> to vector<16xf32>
        %ge3A_367 = arith.cmpf oge, %get3A_366, %broadcast_in_dim3A_332 : vector<16xf32>
        %add3A_368 = arith.constant 32 : i32
        %add3A_369 = vector.broadcast %add3A_368 : i32 to vector<16xi32>
        %add3A_370 = arith.addi %iota3A, %add3A_369 : vector<16xi32>
        %jit3A_371 = arith.constant 99999 : i32
        %broadcast_in_dim3A_372 = vector.broadcast %jit3A_371 : i32 to vector<16xi32>
        %select_n3A_373 = arith.select %ge3A_367, %add3A_370, %broadcast_in_dim3A_372 : vector<16xi1>, vector<16xi32>
        %min3A_374 = arith.minsi %min3A_360, %select_n3A_373 : vector<16xi32>
        %select_n3A_375 = arith.select %ge3A_367, %broadcast_in_dim3A_334, %get3A_366 : vector<16xi1>, vector<16xf32>
        %max3A_376 = arith.maximumf %max3A_362, %select_n3A_375 : vector<16xf32>
        %get3A_377 = arith.index_cast %squeeze3A_331 : i32 to index
        %get3A_378 = arith.constant 48 : index
        %get3A_379 = tpu.vector_load %arg9[%get3A_377, %get3A_378] {strides = array<i32>} : memref<128x128xf32, #tpu.memory_space<vmem>>, vector<1x16xf32>,
        %get3A_380 = vector.shape_cast %get3A_379 : vector<1x16xf32> to vector<16xf32>
        %ge3A_381 = arith.cmpf oge, %get3A_380, %broadcast_in_dim3A_332 : vector<16xf32>
        %add3A_382 = arith.constant 48 : i32
        %add3A_383 = vector.broadcast %add3A_382 : i32 to vector<16xi32>
        %add3A_384 = arith.addi %iota3A, %add3A_383 : vector<16xi32>
        %jit3A_385 = arith.constant 99999 : i32
        %broadcast_in_dim3A_386 = vector.broadcast %jit3A_385 : i32 to vector<16xi32>
        %select_n3A_387 = arith.select %ge3A_381, %add3A_384, %broadcast_in_dim3A_386 : vector<16xi1>, vector<16xi32>
        %min3A_388 = arith.minsi %min3A_374, %select_n3A_387 : vector<16xi32>
        %select_n3A_389 = arith.select %ge3A_381, %broadcast_in_dim3A_334, %get3A_380 : vector<16xi1>, vector<16xf32>
        %max3A_390 = arith.maximumf %max3A_376, %select_n3A_389 : vector<16xf32>
        %get3A_391 = arith.index_cast %squeeze3A_331 : i32 to index
        %get3A_392 = arith.constant 64 : index
        %get3A_393 = tpu.vector_load %arg9[%get3A_391, %get3A_392] {strides = array<i32>} : memref<128x128xf32, #tpu.memory_space<vmem>>, vector<1x16xf32>,
        %get3A_394 = vector.shape_cast %get3A_393 : vector<1x16xf32> to vector<16xf32>
        %ge3A_395 = arith.cmpf oge, %get3A_394, %broadcast_in_dim3A_332 : vector<16xf32>
        %add3A_396 = arith.constant 64 : i32
        %add3A_397 = vector.broadcast %add3A_396 : i32 to vector<16xi32>
        %add3A_398 = arith.addi %iota3A, %add3A_397 : vector<16xi32>
        %jit3A_399 = arith.constant 99999 : i32
        %broadcast_in_dim3A_400 = vector.broadcast %jit3A_399 : i32 to vector<16xi32>
        %select_n3A_401 = arith.select %ge3A_395, %add3A_398, %broadcast_in_dim3A_400 : vector<16xi1>, vector<16xi32>
        %min3A_402 = arith.minsi %min3A_388, %select_n3A_401 : vector<16xi32>
        %select_n3A_403 = arith.select %ge3A_395, %broadcast_in_dim3A_334, %get3A_394 : vector<16xi1>, vector<16xf32>
        %max3A_404 = arith.maximumf %max3A_390, %select_n3A_403 : vector<16xf32>
        %get3A_405 = arith.index_cast %squeeze3A_331 : i32 to index
        %get3A_406 = arith.constant 80 : index
        %get3A_407 = tpu.vector_load %arg9[%get3A_405, %get3A_406] {strides = array<i32>} : memref<128x128xf32, #tpu.memory_space<vmem>>, vector<1x16xf32>,
        %get3A_408 = vector.shape_cast %get3A_407 : vector<1x16xf32> to vector<16xf32>
        %ge3A_409 = arith.cmpf oge, %get3A_408, %broadcast_in_dim3A_332 : vector<16xf32>
        %add3A_410 = arith.constant 80 : i32
        %add3A_411 = vector.broadcast %add3A_410 : i32 to vector<16xi32>
        %add3A_412 = arith.addi %iota3A, %add3A_411 : vector<16xi32>
        %jit3A_413 = arith.constant 99999 : i32
        %broadcast_in_dim3A_414 = vector.broadcast %jit3A_413 : i32 to vector<16xi32>
        %select_n3A_415 = arith.select %ge3A_409, %add3A_412, %broadcast_in_dim3A_414 : vector<16xi1>, vector<16xi32>
        %min3A_416 = arith.minsi %min3A_402, %select_n3A_415 : vector<16xi32>
        %select_n3A_417 = arith.select %ge3A_409, %broadcast_in_dim3A_334, %get3A_408 : vector<16xi1>, vector<16xf32>
        %max3A_418 = arith.maximumf %max3A_404, %select_n3A_417 : vector<16xf32>
        %get3A_419 = arith.index_cast %squeeze3A_331 : i32 to index
        %get3A_420 = arith.constant 96 : index
        %get3A_421 = tpu.vector_load %arg9[%get3A_419, %get3A_420] {strides = array<i32>} : memref<128x128xf32, #tpu.memory_space<vmem>>, vector<1x16xf32>,
        %get3A_422 = vector.shape_cast %get3A_421 : vector<1x16xf32> to vector<16xf32>
        %ge3A_423 = arith.cmpf oge, %get3A_422, %broadcast_in_dim3A_332 : vector<16xf32>
        %add3A_424 = arith.constant 96 : i32
        %add3A_425 = vector.broadcast %add3A_424 : i32 to vector<16xi32>
        %add3A_426 = arith.addi %iota3A, %add3A_425 : vector<16xi32>
        %jit3A_427 = arith.constant 99999 : i32
        %broadcast_in_dim3A_428 = vector.broadcast %jit3A_427 : i32 to vector<16xi32>
        %select_n3A_429 = arith.select %ge3A_423, %add3A_426, %broadcast_in_dim3A_428 : vector<16xi1>, vector<16xi32>
        %min3A_430 = arith.minsi %min3A_416, %select_n3A_429 : vector<16xi32>
        %select_n3A_431 = arith.select %ge3A_423, %broadcast_in_dim3A_334, %get3A_422 : vector<16xi1>, vector<16xf32>
        %max3A_432 = arith.maximumf %max3A_418, %select_n3A_431 : vector<16xf32>
        %get3A_433 = arith.index_cast %squeeze3A_331 : i32 to index
        %get3A_434 = arith.constant 112 : index
        %get3A_435 = tpu.vector_load %arg9[%get3A_433, %get3A_434] {strides = array<i32>} : memref<128x128xf32, #tpu.memory_space<vmem>>, vector<1x16xf32>,
        %get3A_436 = vector.shape_cast %get3A_435 : vector<1x16xf32> to vector<16xf32>
        %ge3A_437 = arith.cmpf oge, %get3A_436, %broadcast_in_dim3A_332 : vector<16xf32>
        %add3A_438 = arith.constant 112 : i32
        %add3A_439 = vector.broadcast %add3A_438 : i32 to vector<16xi32>
        %add3A_440 = arith.addi %iota3A, %add3A_439 : vector<16xi32>
        %jit3A_441 = arith.constant 99999 : i32
        %broadcast_in_dim3A_442 = vector.broadcast %jit3A_441 : i32 to vector<16xi32>
        %select_n3A_443 = arith.select %ge3A_437, %add3A_440, %broadcast_in_dim3A_442 : vector<16xi1>, vector<16xi32>
        %min3A_444 = arith.minsi %min3A_430, %select_n3A_443 : vector<16xi32>
        %select_n3A_445 = arith.select %ge3A_437, %broadcast_in_dim3A_334, %get3A_436 : vector<16xi1>, vector<16xf32>
        %max3A_446 = arith.maximumf %max3A_432, %select_n3A_445 : vector<16xf32>
        %swap3A_447 = arith.constant 0 : index
        %swap3A_448 = tpu.vector_load %arg15[%swap3A_447] {strides = array<i32>} : memref<32xi32, #tpu.memory_space<vmem>>, vector<16xi32>,
        %swap3A_449 = vector.shape_cast %swap3A_448 : vector<16xi32> to vector<16xi32>
        %swap3A_450 = vector.shape_cast %min3A_444 : vector<16xi32> to vector<16xi32>
        tpu.vector_store %arg15[%swap3A_447], %swap3A_450 {strides = array<i32>} : memref<32xi32, #tpu.memory_space<vmem>>, vector<16xi32>,
        %get3A_451 = arith.constant 8 : index
        %get3A_452 = tpu.vector_load %arg15[%get3A_451] {strides = array<i32>} : memref<32xi32, #tpu.memory_space<vmem>>, vector<16xi32>,
        %get3A_453 = vector.shape_cast %get3A_452 : vector<16xi32> to vector<16xi32>
        %min3A_454 = arith.minsi %min3A_444, %get3A_453 : vector<16xi32>
        %swap3A_455 = arith.constant 0 : index
        %swap3A_456 = tpu.vector_load %arg15[%swap3A_455] {strides = array<i32>} : memref<32xi32, #tpu.memory_space<vmem>>, vector<16xi32>,
        %swap3A_457 = vector.shape_cast %swap3A_456 : vector<16xi32> to vector<16xi32>
        %swap3A_458 = vector.shape_cast %min3A_454 : vector<16xi32> to vector<16xi32>
        tpu.vector_store %arg15[%swap3A_455], %swap3A_458 {strides = array<i32>} : memref<32xi32, #tpu.memory_space<vmem>>, vector<16xi32>,
        %get3A_459 = arith.constant 4 : index
        %get3A_460 = tpu.vector_load %arg15[%get3A_459] {strides = array<i32>} : memref<32xi32, #tpu.memory_space<vmem>>, vector<16xi32>,
        %get3A_461 = vector.shape_cast %get3A_460 : vector<16xi32> to vector<16xi32>
        %min3A_462 = arith.minsi %min3A_454, %get3A_461 : vector<16xi32>
        %swap3A_463 = arith.constant 0 : index
        %swap3A_464 = tpu.vector_load %arg15[%swap3A_463] {strides = array<i32>} : memref<32xi32, #tpu.memory_space<vmem>>, vector<16xi32>,
        %swap3A_465 = vector.shape_cast %swap3A_464 : vector<16xi32> to vector<16xi32>
        %swap3A_466 = vector.shape_cast %min3A_462 : vector<16xi32> to vector<16xi32>
        tpu.vector_store %arg15[%swap3A_463], %swap3A_466 {strides = array<i32>} : memref<32xi32, #tpu.memory_space<vmem>>, vector<16xi32>,
        %get3A_467 = arith.constant 2 : index
        %get3A_468 = tpu.vector_load %arg15[%get3A_467] {strides = array<i32>} : memref<32xi32, #tpu.memory_space<vmem>>, vector<16xi32>,
        %get3A_469 = vector.shape_cast %get3A_468 : vector<16xi32> to vector<16xi32>
        %min3A_470 = arith.minsi %min3A_462, %get3A_469 : vector<16xi32>
        %swap3A_471 = arith.constant 0 : index
        %swap3A_472 = tpu.vector_load %arg15[%swap3A_471] {strides = array<i32>} : memref<32xi32, #tpu.memory_space<vmem>>, vector<16xi32>,
        %swap3A_473 = vector.shape_cast %swap3A_472 : vector<16xi32> to vector<16xi32>
        %swap3A_474 = vector.shape_cast %min3A_470 : vector<16xi32> to vector<16xi32>
        tpu.vector_store %arg15[%swap3A_471], %swap3A_474 {strides = array<i32>} : memref<32xi32, #tpu.memory_space<vmem>>, vector<16xi32>,
        %get3A_475 = arith.constant 1 : index
        %get3A_476 = tpu.vector_load %arg15[%get3A_475] {strides = array<i32>} : memref<32xi32, #tpu.memory_space<vmem>>, vector<16xi32>,
        %get3A_477 = vector.shape_cast %get3A_476 : vector<16xi32> to vector<16xi32>
        %min3A_478 = arith.minsi %min3A_470, %get3A_477 : vector<16xi32>
        %slice3A_479 = vector.extract_strided_slice %min3A_478 {offsets = [0], sizes = [1], strides = [1]} : vector<16xi32> to vector<1xi32>
        %squeeze3A_480 = vector.extract %slice3A_479[0] : i32 from vector<1xi32>
        %swap3A_481 = arith.constant 0 : index
        %swap3A_482 = tpu.vector_load %arg14[%swap3A_481] {strides = array<i32>} : memref<32xf32, #tpu.memory_space<vmem>>, vector<16xf32>,
        %swap3A_483 = vector.shape_cast %swap3A_482 : vector<16xf32> to vector<16xf32>
        %swap3A_484 = vector.shape_cast %max3A_446 : vector<16xf32> to vector<16xf32>
        tpu.vector_store %arg14[%swap3A_481], %swap3A_484 {strides = array<i32>} : memref<32xf32, #tpu.memory_space<vmem>>, vector<16xf32>,
        %get3A_485 = arith.constant 8 : index
        %get3A_486 = tpu.vector_load %arg14[%get3A_485] {strides = array<i32>} : memref<32xf32, #tpu.memory_space<vmem>>, vector<16xf32>,
        %get3A_487 = vector.shape_cast %get3A_486 : vector<16xf32> to vector<16xf32>
        %max3A_488 = arith.maximumf %max3A_446, %get3A_487 : vector<16xf32>
        %swap3A_489 = arith.constant 0 : index
        %swap3A_490 = tpu.vector_load %arg14[%swap3A_489] {strides = array<i32>} : memref<32xf32, #tpu.memory_space<vmem>>, vector<16xf32>,
        %swap3A_491 = vector.shape_cast %swap3A_490 : vector<16xf32> to vector<16xf32>
        %swap3A_492 = vector.shape_cast %max3A_488 : vector<16xf32> to vector<16xf32>
        tpu.vector_store %arg14[%swap3A_489], %swap3A_492 {strides = array<i32>} : memref<32xf32, #tpu.memory_space<vmem>>, vector<16xf32>,
        %get3A_493 = arith.constant 4 : index
        %get3A_494 = tpu.vector_load %arg14[%get3A_493] {strides = array<i32>} : memref<32xf32, #tpu.memory_space<vmem>>, vector<16xf32>,
        %get3A_495 = vector.shape_cast %get3A_494 : vector<16xf32> to vector<16xf32>
        %max3A_496 = arith.maximumf %max3A_488, %get3A_495 : vector<16xf32>
        %swap3A_497 = arith.constant 0 : index
        %swap3A_498 = tpu.vector_load %arg14[%swap3A_497] {strides = array<i32>} : memref<32xf32, #tpu.memory_space<vmem>>, vector<16xf32>,
        %swap3A_499 = vector.shape_cast %swap3A_498 : vector<16xf32> to vector<16xf32>
        %swap3A_500 = vector.shape_cast %max3A_496 : vector<16xf32> to vector<16xf32>
        tpu.vector_store %arg14[%swap3A_497], %swap3A_500 {strides = array<i32>} : memref<32xf32, #tpu.memory_space<vmem>>, vector<16xf32>,
        %get3A_501 = arith.constant 2 : index
        %get3A_502 = tpu.vector_load %arg14[%get3A_501] {strides = array<i32>} : memref<32xf32, #tpu.memory_space<vmem>>, vector<16xf32>,
        %get3A_503 = vector.shape_cast %get3A_502 : vector<16xf32> to vector<16xf32>
        %max3A_504 = arith.maximumf %max3A_496, %get3A_503 : vector<16xf32>
        %swap3A_505 = arith.constant 0 : index
        %swap3A_506 = tpu.vector_load %arg14[%swap3A_505] {strides = array<i32>} : memref<32xf32, #tpu.memory_space<vmem>>, vector<16xf32>,
        %swap3A_507 = vector.shape_cast %swap3A_506 : vector<16xf32> to vector<16xf32>
        %swap3A_508 = vector.shape_cast %max3A_504 : vector<16xf32> to vector<16xf32>
        tpu.vector_store %arg14[%swap3A_505], %swap3A_508 {strides = array<i32>} : memref<32xf32, #tpu.memory_space<vmem>>, vector<16xf32>,
        %get3A_509 = arith.constant 1 : index
        %get3A_510 = tpu.vector_load %arg14[%get3A_509] {strides = array<i32>} : memref<32xf32, #tpu.memory_space<vmem>>, vector<16xf32>,
        %get3A_511 = vector.shape_cast %get3A_510 : vector<16xf32> to vector<16xf32>
        %max3A_512 = arith.maximumf %max3A_504, %get3A_511 : vector<16xf32>
        %slice3A_513 = vector.extract_strided_slice %max3A_512 {offsets = [0], sizes = [1], strides = [1]} : vector<16xf32> to vector<1xf32>
        %squeeze3A_514 = vector.extract %slice3A_513[0] : f32 from vector<1xf32>
        %get3A_515 = arith.index_cast %squeeze3A_331 : i32 to index
        %get3A_516 = tpu.vector_load %arg8[%get3A_515] {strides = array<i32>} : memref<144xi32, #tpu.memory_space<vmem>>, vector<16xi32>,
        %get3A_517 = vector.shape_cast %get3A_516 : vector<16xi32> to vector<16xi32>
        %slice3A_518 = vector.extract_strided_slice %get3A_517 {offsets = [0], sizes = [1], strides = [1]} : vector<16xi32> to vector<1xi32>
        %squeeze3A_519 = vector.extract %slice3A_518[0] : i32 from vector<1xi32>
        %mul3A_520 = arith.constant 784 : i32
        %mul3A_521 = arith.muli %add3A_17, %mul3A_520 : i32
        %sub3A = arith.subi %squeeze3A_519, %mul3A_521 : i32
        %mul3A_522 = arith.constant 128 : i32
        %mul3A_523 = arith.muli %sub3A, %mul3A_522 : i32
        %add3A_524 = arith.addi %mul3A_523, %squeeze3A_480 : i32
        %jit3A_525 = arith.constant 16 : i32
        %eq3A_526 = arith.constant 0 : i32
        %eq3A_527 = arith.cmpi eq, %jit3A_525, %eq3A_526 : i32
        %jit3A_528 = arith.constant 1 : i32
        %select_n3A_529 = arith.select %eq3A_527, %jit3A_528, %jit3A_525 : i32
        %rem3A = arith.remsi %scan3A_186, %select_n3A_529 : i32
        %ne3A = arith.constant 0 : i32
        %ne3A_530 = arith.cmpi ne, %rem3A, %ne3A : i32
        %lt3A_531 = arith.constant 0 : i32
        %lt3A_532 = arith.cmpi slt, %rem3A, %lt3A_531 : i32
        %lt3A_533 = arith.constant 0 : i32
        %lt3A_534 = arith.cmpi slt, %select_n3A_529, %lt3A_533 : i32
        %ne3A_535 = arith.xori %lt3A_532, %lt3A_534 : i1
        %and3A = arith.andi %ne3A_535, %ne3A_530 : i1
        %add3A_536 = arith.addi %rem3A, %select_n3A_529 : i32
        %select_n3A_537 = arith.select %and3A, %add3A_536, %rem3A : i32
        %eq3A_538 = vector.broadcast %select_n3A_537 : i32 to vector<16xi32>
        %eq3A_539 = arith.cmpi eq, %iota3A, %eq3A_538 : vector<16xi32>
        %broadcast_in_dim3A_540 = vector.broadcast %squeeze3A : f32 to vector<16xf32>
        %select_n3A_541 = arith.select %eq3A_539, %broadcast_in_dim3A_540, %scan3A_187 : vector<16xi1>, vector<16xf32>
        %jit3A_542 = arith.constant 16 : i32
        %eq3A_543 = arith.constant 0 : i32
        %eq3A_544 = arith.cmpi eq, %jit3A_542, %eq3A_543 : i32
        %jit3A_545 = arith.constant 1 : i32
        %select_n3A_546 = arith.select %eq3A_544, %jit3A_545, %jit3A_542 : i32
        %rem3A_547 = arith.remsi %scan3A_186, %select_n3A_546 : i32
        %ne3A_548 = arith.constant 0 : i32
        %ne3A_549 = arith.cmpi ne, %rem3A_547, %ne3A_548 : i32
        %lt3A_550 = arith.constant 0 : i32
        %lt3A_551 = arith.cmpi slt, %rem3A_547, %lt3A_550 : i32
        %lt3A_552 = arith.constant 0 : i32
        %lt3A_553 = arith.cmpi slt, %select_n3A_546, %lt3A_552 : i32
        %ne3A_554 = arith.xori %lt3A_551, %lt3A_553 : i1
        %and3A_555 = arith.andi %ne3A_554, %ne3A_549 : i1
        %add3A_556 = arith.addi %rem3A_547, %select_n3A_546 : i32
        %select_n3A_557 = arith.select %and3A_555, %add3A_556, %rem3A_547 : i32
        %eq3A_558 = vector.broadcast %select_n3A_557 : i32 to vector<16xi32>
        %eq3A_559 = arith.cmpi eq, %iota3A, %eq3A_558 : vector<16xi32>
        %broadcast_in_dim3A_560 = vector.broadcast %add3A_524 : i32 to vector<16xi32>
        %select_n3A_561 = arith.select %eq3A_559, %broadcast_in_dim3A_560, %scan3A_188 : vector<16xi1>, vector<16xi32>
        %jit3A_562 = arith.constant 16 : i32
        %eq3A_563 = arith.constant 0 : i32
        %eq3A_564 = arith.cmpi eq, %jit3A_562, %eq3A_563 : i32
        %jit3A_565 = arith.constant 1 : i32
        %select_n3A_566 = arith.select %eq3A_564, %jit3A_565, %jit3A_562 : i32
        %rem3A_567 = arith.remsi %scan3A_186, %select_n3A_566 : i32
        %ne3A_568 = arith.constant 0 : i32
        %ne3A_569 = arith.cmpi ne, %rem3A_567, %ne3A_568 : i32
        %lt3A_570 = arith.constant 0 : i32
        %lt3A_571 = arith.cmpi slt, %rem3A_567, %lt3A_570 : i32
        %lt3A_572 = arith.constant 0 : i32
        %lt3A_573 = arith.cmpi slt, %select_n3A_566, %lt3A_572 : i32
        %ne3A_574 = arith.xori %lt3A_571, %lt3A_573 : i1
        %and3A_575 = arith.andi %ne3A_574, %ne3A_569 : i1
        %add3A_576 = arith.addi %rem3A_567, %select_n3A_566 : i32
        %select_n3A_577 = arith.select %and3A_575, %add3A_576, %rem3A_567 : i32
        %eq3A_578 = arith.constant 15 : i32
        %eq3A_579 = arith.cmpi eq, %select_n3A_577, %eq3A_578 : i32
        %convert_element_type3A_580 = arith.extui %eq3A_579 : i1 to i32
        %cond3A_581 = arith.constant 0 : i32
        %cond3A_582 = arith.cmpi ne, %convert_element_type3A_580, %cond3A_581 : i32
        scf.if %cond3A_582 {
          %jit3A_660 = arith.constant 16 : i32
          %div3A_661 = arith.divsi %scan3A_186, %jit3A_660 : i32
          %sign3A_662 = arith.constant 0 : i32
          %sign3A_663 = arith.cmpi sgt, %scan3A_186, %sign3A_662 : i32
          %sign3A_664 = arith.extui %sign3A_663 : i1 to i32
          %sign3A_665 = arith.constant 0 : i32
          %sign3A_666 = arith.cmpi slt, %scan3A_186, %sign3A_665 : i32
          %sign3A_667 = arith.extui %sign3A_666 : i1 to i32
          %sign3A_668 = arith.subi %sign3A_664, %sign3A_667 : i32
          %sign3A_669 = arith.constant 0 : i32
          %sign3A_670 = arith.cmpi sgt, %jit3A_660, %sign3A_669 : i32
          %sign3A_671 = arith.extui %sign3A_670 : i1 to i32
          %sign3A_672 = arith.constant 0 : i32
          %sign3A_673 = arith.cmpi slt, %jit3A_660, %sign3A_672 : i32
          %sign3A_674 = arith.extui %sign3A_673 : i1 to i32
          %sign3A_675 = arith.subi %sign3A_671, %sign3A_674 : i32
          %ne3A_676 = arith.cmpi ne, %sign3A_668, %sign3A_675 : i32
          %rem3A_677 = arith.remsi %scan3A_186, %jit3A_660 : i32
          %ne3A_678 = arith.constant 0 : i32
          %ne3A_679 = arith.cmpi ne, %rem3A_677, %ne3A_678 : i32
          %and3A_680 = arith.andi %ne3A_676, %ne3A_679 : i1
          %sub3A_681 = arith.constant 1 : i32
          %sub3A_682 = arith.subi %div3A_661, %sub3A_681 : i32
          %select_n3A_683 = arith.select %and3A_680, %sub3A_682, %div3A_661 : i32
          %mul3A_684 = arith.constant 16 : i32
          %mul3A_685 = arith.muli %select_n3A_683, %mul3A_684 : i32
          %swap3A_686 = arith.index_cast %mul3A_685 : i32 to index
          %swap3A_687 = tpu.vector_load %arg12[%swap3A_686] {strides = array<i32>} : memref<128xf32, #tpu.memory_space<vmem>>, vector<16xf32>,
          %swap3A_688 = vector.shape_cast %swap3A_687 : vector<16xf32> to vector<16xf32>
          %swap3A_689 = vector.shape_cast %select_n3A_541 : vector<16xf32> to vector<16xf32>
          tpu.vector_store %arg12[%swap3A_686], %swap3A_689 {strides = array<i32>} : memref<128xf32, #tpu.memory_space<vmem>>, vector<16xf32>,
          %jit3A_690 = arith.constant 16 : i32
          %div3A_691 = arith.divsi %scan3A_186, %jit3A_690 : i32
          %sign3A_692 = arith.constant 0 : i32
          %sign3A_693 = arith.cmpi sgt, %scan3A_186, %sign3A_692 : i32
          %sign3A_694 = arith.extui %sign3A_693 : i1 to i32
          %sign3A_695 = arith.constant 0 : i32
          %sign3A_696 = arith.cmpi slt, %scan3A_186, %sign3A_695 : i32
          %sign3A_697 = arith.extui %sign3A_696 : i1 to i32
          %sign3A_698 = arith.subi %sign3A_694, %sign3A_697 : i32
          %sign3A_699 = arith.constant 0 : i32
          %sign3A_700 = arith.cmpi sgt, %jit3A_690, %sign3A_699 : i32
          %sign3A_701 = arith.extui %sign3A_700 : i1 to i32
          %sign3A_702 = arith.constant 0 : i32
          %sign3A_703 = arith.cmpi slt, %jit3A_690, %sign3A_702 : i32
          %sign3A_704 = arith.extui %sign3A_703 : i1 to i32
          %sign3A_705 = arith.subi %sign3A_701, %sign3A_704 : i32
          %ne3A_706 = arith.cmpi ne, %sign3A_698, %sign3A_705 : i32
          %rem3A_707 = arith.remsi %scan3A_186, %jit3A_690 : i32
          %ne3A_708 = arith.constant 0 : i32
          %ne3A_709 = arith.cmpi ne, %rem3A_707, %ne3A_708 : i32
          %and3A_710 = arith.andi %ne3A_706, %ne3A_709 : i1
          %sub3A_711 = arith.constant 1 : i32
          %sub3A_712 = arith.subi %div3A_691, %sub3A_711 : i32
          %select_n3A_713 = arith.select %and3A_710, %sub3A_712, %div3A_691 : i32
          %mul3A_714 = arith.constant 16 : i32
          %mul3A_715 = arith.muli %select_n3A_713, %mul3A_714 : i32
          %swap3A_716 = arith.index_cast %mul3A_715 : i32 to index
          %swap3A_717 = tpu.vector_load %arg13[%swap3A_716] {strides = array<i32>} : memref<128xi32, #tpu.memory_space<vmem>>, vector<16xi32>,
          %swap3A_718 = vector.shape_cast %swap3A_717 : vector<16xi32> to vector<16xi32>
          %swap3A_719 = vector.shape_cast %select_n3A_561 : vector<16xi32> to vector<16xi32>
          tpu.vector_store %arg13[%swap3A_716], %swap3A_719 {strides = array<i32>} : memref<128xi32, #tpu.memory_space<vmem>>, vector<16xi32>,
        } else {
        }
        %jit3A_583 = arith.constant 16 : i32
        %div3A = arith.divsi %squeeze3A_480, %jit3A_583 : i32
        %sign3A = arith.constant 0 : i32
        %sign3A_584 = arith.cmpi sgt, %squeeze3A_480, %sign3A : i32
        %sign3A_585 = arith.extui %sign3A_584 : i1 to i32
        %sign3A_586 = arith.constant 0 : i32
        %sign3A_587 = arith.cmpi slt, %squeeze3A_480, %sign3A_586 : i32
        %sign3A_588 = arith.extui %sign3A_587 : i1 to i32
        %sign3A_589 = arith.subi %sign3A_585, %sign3A_588 : i32
        %sign3A_590 = arith.constant 0 : i32
        %sign3A_591 = arith.cmpi sgt, %jit3A_583, %sign3A_590 : i32
        %sign3A_592 = arith.extui %sign3A_591 : i1 to i32
        %sign3A_593 = arith.constant 0 : i32
        %sign3A_594 = arith.cmpi slt, %jit3A_583, %sign3A_593 : i32
        %sign3A_595 = arith.extui %sign3A_594 : i1 to i32
        %sign3A_596 = arith.subi %sign3A_592, %sign3A_595 : i32
        %ne3A_597 = arith.cmpi ne, %sign3A_589, %sign3A_596 : i32
        %rem3A_598 = arith.remsi %squeeze3A_480, %jit3A_583 : i32
        %ne3A_599 = arith.constant 0 : i32
        %ne3A_600 = arith.cmpi ne, %rem3A_598, %ne3A_599 : i32
        %and3A_601 = arith.andi %ne3A_597, %ne3A_600 : i1
        %sub3A_602 = arith.constant 1 : i32
        %sub3A_603 = arith.subi %div3A, %sub3A_602 : i32
        %select_n3A_604 = arith.select %and3A_601, %sub3A_603, %div3A : i32
        %mul3A_605 = arith.constant 16 : i32
        %mul3A_606 = arith.muli %select_n3A_604, %mul3A_605 : i32
        %get3A_607 = arith.index_cast %squeeze3A_331 : i32 to index
        %get3A_608 = arith.index_cast %mul3A_606 : i32 to index
        %get3A_609 = tpu.vector_load %arg9[%get3A_607, %get3A_608] {strides = array<i32>} : memref<128x128xf32, #tpu.memory_space<vmem>>, vector<1x16xf32>,
        %get3A_610 = vector.shape_cast %get3A_609 : vector<1x16xf32> to vector<16xf32>
        %sub3A_611 = arith.subi %squeeze3A_480, %mul3A_606 : i32
        %eq3A_612 = vector.broadcast %sub3A_611 : i32 to vector<16xi32>
        %eq3A_613 = arith.cmpi eq, %iota3A, %eq3A_612 : vector<16xi32>
        %jit3A_614 = arith.constant -3.000000e+38 : f32
        %broadcast_in_dim3A_615 = vector.broadcast %jit3A_614 : f32 to vector<16xf32>
        %select_n3A_616 = arith.select %eq3A_613, %broadcast_in_dim3A_615, %get3A_610 : vector<16xi1>, vector<16xf32>
        %swap3A_617 = arith.index_cast %squeeze3A_331 : i32 to index
        %swap3A_618 = arith.index_cast %mul3A_606 : i32 to index
        %swap3A_619 = tpu.vector_load %arg9[%swap3A_617, %swap3A_618] {strides = array<i32>} : memref<128x128xf32, #tpu.memory_space<vmem>>, vector<1x16xf32>,
        %swap3A_620 = vector.shape_cast %swap3A_619 : vector<1x16xf32> to vector<16xf32>
        %swap3A_621 = vector.shape_cast %select_n3A_616 : vector<16xf32> to vector<1x16xf32>
        tpu.vector_store %arg9[%swap3A_617, %swap3A_618], %swap3A_621 {strides = array<i32>} : memref<128x128xf32, #tpu.memory_space<vmem>>, vector<1x16xf32>,
        %jit3A_622 = arith.constant 16 : i32
        %div3A_623 = arith.divsi %squeeze3A_331, %jit3A_622 : i32
        %sign3A_624 = arith.constant 0 : i32
        %sign3A_625 = arith.cmpi sgt, %squeeze3A_331, %sign3A_624 : i32
        %sign3A_626 = arith.extui %sign3A_625 : i1 to i32
        %sign3A_627 = arith.constant 0 : i32
        %sign3A_628 = arith.cmpi slt, %squeeze3A_331, %sign3A_627 : i32
        %sign3A_629 = arith.extui %sign3A_628 : i1 to i32
        %sign3A_630 = arith.subi %sign3A_626, %sign3A_629 : i32
        %sign3A_631 = arith.constant 0 : i32
        %sign3A_632 = arith.cmpi sgt, %jit3A_622, %sign3A_631 : i32
        %sign3A_633 = arith.extui %sign3A_632 : i1 to i32
        %sign3A_634 = arith.constant 0 : i32
        %sign3A_635 = arith.cmpi slt, %jit3A_622, %sign3A_634 : i32
        %sign3A_636 = arith.extui %sign3A_635 : i1 to i32
        %sign3A_637 = arith.subi %sign3A_633, %sign3A_636 : i32
        %ne3A_638 = arith.cmpi ne, %sign3A_630, %sign3A_637 : i32
        %rem3A_639 = arith.remsi %squeeze3A_331, %jit3A_622 : i32
        %ne3A_640 = arith.constant 0 : i32
        %ne3A_641 = arith.cmpi ne, %rem3A_639, %ne3A_640 : i32
        %and3A_642 = arith.andi %ne3A_638, %ne3A_641 : i1
        %sub3A_643 = arith.constant 1 : i32
        %sub3A_644 = arith.subi %div3A_623, %sub3A_643 : i32
        %select_n3A_645 = arith.select %and3A_642, %sub3A_644, %div3A_623 : i32
        %mul3A_646 = arith.constant 16 : i32
        %mul3A_647 = arith.muli %select_n3A_645, %mul3A_646 : i32
        %get3A_648 = arith.index_cast %mul3A_647 : i32 to index
        %get3A_649 = tpu.vector_load %arg11[%get3A_648] {strides = array<i32>} : memref<128xf32, #tpu.memory_space<vmem>>, vector<16xf32>,
        %get3A_650 = vector.shape_cast %get3A_649 : vector<16xf32> to vector<16xf32>
        %sub3A_651 = arith.subi %squeeze3A_331, %mul3A_647 : i32
        %eq3A_652 = vector.broadcast %sub3A_651 : i32 to vector<16xi32>
        %eq3A_653 = arith.cmpi eq, %iota3A, %eq3A_652 : vector<16xi32>
        %broadcast_in_dim3A_654 = vector.broadcast %squeeze3A_514 : f32 to vector<16xf32>
        %select_n3A_655 = arith.select %eq3A_653, %broadcast_in_dim3A_654, %get3A_650 : vector<16xi1>, vector<16xf32>
        %swap3A_656 = arith.index_cast %mul3A_647 : i32 to index
        %swap3A_657 = tpu.vector_load %arg11[%swap3A_656] {strides = array<i32>} : memref<128xf32, #tpu.memory_space<vmem>>, vector<16xf32>,
        %swap3A_658 = vector.shape_cast %swap3A_657 : vector<16xf32> to vector<16xf32>
        %swap3A_659 = vector.shape_cast %select_n3A_655 : vector<16xf32> to vector<16xf32>
        tpu.vector_store %arg11[%swap3A_656], %swap3A_659 {strides = array<i32>} : memref<128xf32, #tpu.memory_space<vmem>>, vector<16xf32>,
        scf.yield %select_n3A_541, %select_n3A_561 : vector<16xf32>, vector<16xi32>
      }
      %scan3A_97 = arith.constant 128 : i32
      %mul3A_98 = arith.constant 128 : i32
      %mul3A_99 = arith.muli %add3A_17, %mul3A_98 : i32
      "tpu.region"() ({
        %run_scoped3A = tpu.sem_alloc : memref<!tpu.dma_semaphore, #tpu.memory_space<semaphore_mem>>
        %dma_start3A_186 = tpu.memref_slice %arg4[%mul3A_99] : memref<262144xf32, #tpu.memory_space<hbm>> -> memref<128xf32, #tpu.memory_space<hbm>>
        %dma_start3A_187 = tpu.memref_slice %arg4[%mul3A_99] : memref<262144xf32, #tpu.memory_space<hbm>> -> memref<128xf32, #tpu.memory_space<hbm>>
        tpu.enqueue_dma source(%arg12 : memref<128xf32, #tpu.memory_space<vmem>>) target(%dma_start3A_187 : memref<128xf32, #tpu.memory_space<hbm>>) target_semaphore(%run_scoped3A : memref<!tpu.dma_semaphore, #tpu.memory_space<semaphore_mem>>)
        %dma_wait3A_188 = tpu.memref_slice %arg4[%mul3A_99] : memref<262144xf32, #tpu.memory_space<hbm>> -> memref<128xf32, #tpu.memory_space<hbm>>
        %dma_wait3A_189 = tpu.memref_slice %arg4[%mul3A_99] : memref<262144xf32, #tpu.memory_space<hbm>> -> memref<128xf32, #tpu.memory_space<hbm>>
        tpu.wait_dma2 semaphore(%run_scoped3A : memref<!tpu.dma_semaphore, #tpu.memory_space<semaphore_mem>>) src(%arg12 : memref<128xf32, #tpu.memory_space<vmem>>) dst(%dma_wait3A_189 : memref<128xf32, #tpu.memory_space<hbm>>)
        tpu.yield
      }) : () -> ()
      %mul3A_100 = arith.constant 128 : i32
      %mul3A_101 = arith.muli %add3A_17, %mul3A_100 : i32
      "tpu.region"() ({
        %run_scoped3A = tpu.sem_alloc : memref<!tpu.dma_semaphore, #tpu.memory_space<semaphore_mem>>
        %dma_start3A_186 = tpu.memref_slice %arg5[%mul3A_101] : memref<262144xi32, #tpu.memory_space<hbm>> -> memref<128xi32, #tpu.memory_space<hbm>>
        %dma_start3A_187 = tpu.memref_slice %arg5[%mul3A_101] : memref<262144xi32, #tpu.memory_space<hbm>> -> memref<128xi32, #tpu.memory_space<hbm>>
        tpu.enqueue_dma source(%arg13 : memref<128xi32, #tpu.memory_space<vmem>>) target(%dma_start3A_187 : memref<128xi32, #tpu.memory_space<hbm>>) target_semaphore(%run_scoped3A : memref<!tpu.dma_semaphore, #tpu.memory_space<semaphore_mem>>)
        %dma_wait3A_188 = tpu.memref_slice %arg5[%mul3A_101] : memref<262144xi32, #tpu.memory_space<hbm>> -> memref<128xi32, #tpu.memory_space<hbm>>
        %dma_wait3A_189 = tpu.memref_slice %arg5[%mul3A_101] : memref<262144xi32, #tpu.memory_space<hbm>> -> memref<128xi32, #tpu.memory_space<hbm>>
        tpu.wait_dma2 semaphore(%run_scoped3A : memref<!tpu.dma_semaphore, #tpu.memory_space<semaphore_mem>>) src(%arg13 : memref<128xi32, #tpu.memory_space<vmem>>) dst(%dma_wait3A_189 : memref<128xi32, #tpu.memory_space<hbm>>)
        tpu.yield
      }) : () -> ()
      %lt3A = arith.constant 31 : i32
      %lt3A_102 = arith.cmpi slt, %scan3A_13, %lt3A : i32
      %convert_element_type3A = arith.extui %lt3A_102 : i1 to i32
      %cond3A = arith.constant 0 : i32
      %cond3A_103 = arith.cmpi ne, %convert_element_type3A, %cond3A : i32
      scf.if %cond3A_103 {
        %add3A_186 = arith.constant 2 : i32
        %add3A_187 = arith.addi %add3A_17, %add3A_186 : i32
        %mul3A_188 = arith.constant 128 : i32
        %mul3A_189 = arith.muli %add3A_187, %mul3A_188 : i32
        "tpu.region"() ({
          %run_scoped3A = tpu.sem_alloc : memref<!tpu.dma_semaphore, #tpu.memory_space<semaphore_mem>>
          %dma_start3A_193 = tpu.memref_slice %arg3[%mul3A_189] : memref<262144xi32, #tpu.memory_space<hbm>> -> memref<128xi32, #tpu.memory_space<hbm>>
          %dma_start3A_194 = tpu.memref_slice %arg3[%mul3A_189] : memref<262144xi32, #tpu.memory_space<hbm>> -> memref<128xi32, #tpu.memory_space<hbm>>
          tpu.enqueue_dma source(%dma_start3A_194 : memref<128xi32, #tpu.memory_space<hbm>>) target(%arg6 : memref<128xi32, #tpu.memory_space<vmem>>) target_semaphore(%run_scoped3A : memref<!tpu.dma_semaphore, #tpu.memory_space<semaphore_mem>>)
          %dma_wait3A_195 = tpu.memref_slice %arg3[%mul3A_189] : memref<262144xi32, #tpu.memory_space<hbm>> -> memref<128xi32, #tpu.memory_space<hbm>>
          %dma_wait3A_196 = tpu.memref_slice %arg3[%mul3A_189] : memref<262144xi32, #tpu.memory_space<hbm>> -> memref<128xi32, #tpu.memory_space<hbm>>
          tpu.wait_dma2 semaphore(%run_scoped3A : memref<!tpu.dma_semaphore, #tpu.memory_space<semaphore_mem>>) src(%dma_wait3A_196 : memref<128xi32, #tpu.memory_space<hbm>>) dst(%arg6 : memref<128xi32, #tpu.memory_space<vmem>>)
          tpu.yield
        }) : () -> ()
        %dma_start3A_190 = arith.constant 0 : i32
        %dma_start3A_191 = arith.constant 0 : i32
        %dma_start3A_192 = tpu.memref_slice %arg2[%dma_start3A_190, %dma_start3A_191] : memref<1605632x128xf32, #tpu.memory_space<hbm>> -> memref<1605632x128xf32, #tpu.memory_space<hbm>>
        tpu.enqueue_indirect_dma source(%dma_start3A_192 : memref<1605632x128xf32, #tpu.memory_space<hbm>>) target(%arg9 : memref<128x128xf32, #tpu.memory_space<vmem>>) offsets(%arg6 : memref<128xi32, #tpu.memory_space<vmem>>) semaphore(%arg16 : memref<!tpu.dma_semaphore, #tpu.memory_space<semaphore_mem>>)
      } else {
      }
      %dma_wait3A_104 = arith.constant 0 : i32
      %dma_wait3A_105 = arith.constant 0 : i32
      %dma_wait3A_106 = tpu.memref_slice %arg2[%dma_wait3A_104, %dma_wait3A_105] : memref<1605632x128xf32, #tpu.memory_space<hbm>> -> memref<1605632x128xf32, #tpu.memory_space<hbm>>
      tpu.wait_indirect_dma semaphore(%arg17 : memref<!tpu.dma_semaphore, #tpu.memory_space<semaphore_mem>>) src(%dma_wait3A_106 : memref<1605632x128xf32, #tpu.memory_space<hbm>>) dst(%arg10 : memref<128x128xf32, #tpu.memory_space<vmem>>)
      %get3A_107 = arith.constant 0 : index
      %get3A_108 = tpu.vector_load %arg7[%get3A_107] {strides = array<i32>} : memref<128xi32, #tpu.memory_space<vmem>>, vector<16xi32>,
      %get3A_109 = vector.shape_cast %get3A_108 : vector<16xi32> to vector<16xi32>
      %swap3A_110 = arith.constant 0 : index
      %swap3A_111 = tpu.vector_load %arg8[%swap3A_110] {strides = array<i32>} : memref<144xi32, #tpu.memory_space<vmem>>, vector<16xi32>,
      %swap3A_112 = vector.shape_cast %swap3A_111 : vector<16xi32> to vector<16xi32>
      %swap3A_113 = vector.shape_cast %get3A_109 : vector<16xi32> to vector<16xi32>
      tpu.vector_store %arg8[%swap3A_110], %swap3A_113 {strides = array<i32>} : memref<144xi32, #tpu.memory_space<vmem>>, vector<16xi32>,
      %get3A_114 = arith.constant 16 : index
      %get3A_115 = tpu.vector_load %arg7[%get3A_114] {strides = array<i32>} : memref<128xi32, #tpu.memory_space<vmem>>, vector<16xi32>,
      %get3A_116 = vector.shape_cast %get3A_115 : vector<16xi32> to vector<16xi32>
      %swap3A_117 = arith.constant 16 : index
      %swap3A_118 = tpu.vector_load %arg8[%swap3A_117] {strides = array<i32>} : memref<144xi32, #tpu.memory_space<vmem>>, vector<16xi32>,
      %swap3A_119 = vector.shape_cast %swap3A_118 : vector<16xi32> to vector<16xi32>
      %swap3A_120 = vector.shape_cast %get3A_116 : vector<16xi32> to vector<16xi32>
      tpu.vector_store %arg8[%swap3A_117], %swap3A_120 {strides = array<i32>} : memref<144xi32, #tpu.memory_space<vmem>>, vector<16xi32>,
      %get3A_121 = arith.constant 32 : index
      %get3A_122 = tpu.vector_load %arg7[%get3A_121] {strides = array<i32>} : memref<128xi32, #tpu.memory_space<vmem>>, vector<16xi32>,
      %get3A_123 = vector.shape_cast %get3A_122 : vector<16xi32> to vector<16xi32>
      %swap3A_124 = arith.constant 32 : index
      %swap3A_125 = tpu.vector_load %arg8[%swap3A_124] {strides = array<i32>} : memref<144xi32, #tpu.memory_space<vmem>>, vector<16xi32>,
      %swap3A_126 = vector.shape_cast %swap3A_125 : vector<16xi32> to vector<16xi32>
      %swap3A_127 = vector.shape_cast %get3A_123 : vector<16xi32> to vector<16xi32>
      tpu.vector_store %arg8[%swap3A_124], %swap3A_127 {strides = array<i32>} : memref<144xi32, #tpu.memory_space<vmem>>, vector<16xi32>,
      %get3A_128 = arith.constant 48 : index
      %get3A_129 = tpu.vector_load %arg7[%get3A_128] {strides = array<i32>} : memref<128xi32, #tpu.memory_space<vmem>>, vector<16xi32>,
      %get3A_130 = vector.shape_cast %get3A_129 : vector<16xi32> to vector<16xi32>
      %swap3A_131 = arith.constant 48 : index
      %swap3A_132 = tpu.vector_load %arg8[%swap3A_131] {strides = array<i32>} : memref<144xi32, #tpu.memory_space<vmem>>, vector<16xi32>,
      %swap3A_133 = vector.shape_cast %swap3A_132 : vector<16xi32> to vector<16xi32>
      %swap3A_134 = vector.shape_cast %get3A_130 : vector<16xi32> to vector<16xi32>
      tpu.vector_store %arg8[%swap3A_131], %swap3A_134 {strides = array<i32>} : memref<144xi32, #tpu.memory_space<vmem>>, vector<16xi32>,
      %get3A_135 = arith.constant 64 : index
      %get3A_136 = tpu.vector_load %arg7[%get3A_135] {strides = array<i32>} : memref<128xi32, #tpu.memory_space<vmem>>, vector<16xi32>,
      %get3A_137 = vector.shape_cast %get3A_136 : vector<16xi32> to vector<16xi32>
      %swap3A_138 = arith.constant 64 : index
      %swap3A_139 = tpu.vector_load %arg8[%swap3A_138] {strides = array<i32>} : memref<144xi32, #tpu.memory_space<vmem>>, vector<16xi32>,
      %swap3A_140 = vector.shape_cast %swap3A_139 : vector<16xi32> to vector<16xi32>
      %swap3A_141 = vector.shape_cast %get3A_137 : vector<16xi32> to vector<16xi32>
      tpu.vector_store %arg8[%swap3A_138], %swap3A_141 {strides = array<i32>} : memref<144xi32, #tpu.memory_space<vmem>>, vector<16xi32>,
      %get3A_142 = arith.constant 80 : index
      %get3A_143 = tpu.vector_load %arg7[%get3A_142] {strides = array<i32>} : memref<128xi32, #tpu.memory_space<vmem>>, vector<16xi32>,
      %get3A_144 = vector.shape_cast %get3A_143 : vector<16xi32> to vector<16xi32>
      %swap3A_145 = arith.constant 80 : index
      %swap3A_146 = tpu.vector_load %arg8[%swap3A_145] {strides = array<i32>} : memref<144xi32, #tpu.memory_space<vmem>>, vector<16xi32>,
      %swap3A_147 = vector.shape_cast %swap3A_146 : vector<16xi32> to vector<16xi32>
      %swap3A_148 = vector.shape_cast %get3A_144 : vector<16xi32> to vector<16xi32>
      tpu.vector_store %arg8[%swap3A_145], %swap3A_148 {strides = array<i32>} : memref<144xi32, #tpu.memory_space<vmem>>, vector<16xi32>,
      %get3A_149 = arith.constant 96 : index
      %get3A_150 = tpu.vector_load %arg7[%get3A_149] {strides = array<i32>} : memref<128xi32, #tpu.memory_space<vmem>>, vector<16xi32>,
      %get3A_151 = vector.shape_cast %get3A_150 : vector<16xi32> to vector<16xi32>
      %swap3A_152 = arith.constant 96 : index
      %swap3A_153 = tpu.vector_load %arg8[%swap3A_152] {strides = array<i32>} : memref<144xi32, #tpu.memory_space<vmem>>, vector<16xi32>,
      %swap3A_154 = vector.shape_cast %swap3A_153 : vector<16xi32> to vector<16xi32>
      %swap3A_155 = vector.shape_cast %get3A_151 : vector<16xi32> to vector<16xi32>
      tpu.vector_store %arg8[%swap3A_152], %swap3A_155 {strides = array<i32>} : memref<144xi32, #tpu.memory_space<vmem>>, vector<16xi32>,
      %get3A_156 = arith.constant 112 : index
      %get3A_157 = tpu.vector_load %arg7[%get3A_156] {strides = array<i32>} : memref<128xi32, #tpu.memory_space<vmem>>, vector<16xi32>,
      %get3A_158 = vector.shape_cast %get3A_157 : vector<16xi32> to vector<16xi32>
      %swap3A_159 = arith.constant 112 : index
      %swap3A_160 = tpu.vector_load %arg8[%swap3A_159] {strides = array<i32>} : memref<144xi32, #tpu.memory_space<vmem>>, vector<16xi32>,
      %swap3A_161 = vector.shape_cast %swap3A_160 : vector<16xi32> to vector<16xi32>
      %swap3A_162 = vector.shape_cast %get3A_158 : vector<16xi32> to vector<16xi32>
      tpu.vector_store %arg8[%swap3A_159], %swap3A_162 {strides = array<i32>} : memref<144xi32, #tpu.memory_space<vmem>>, vector<16xi32>,
      %broadcast_in_dim3A_163 = arith.constant 0.000000e+00 : f32
      %broadcast_in_dim3A_164 = vector.broadcast %broadcast_in_dim3A_163 : f32 to vector<16xf32>
      %scan3A_165 = arith.constant 0 : i32
      %scan3A_166 = arith.constant 128 : i32
      %scan3A_167 = arith.addi %scan3A_165, %scan3A_166 : i32
      %scan3A_168 = arith.constant 1 : i32
      %scan3A_169 = scf.for %scan3A_186 = %scan3A_165 to %scan3A_167 step %scan3A_168 iter_args(%scan3A_187 = %broadcast_in_dim3A_164) -> (vector<16xf32>)  : i32 {
        %get3A_188 = arith.index_cast %scan3A_186 : i32 to index
        %get3A_189 = arith.constant 0 : index
        %get3A_190 = tpu.vector_load %arg10[%get3A_188, %get3A_189] {strides = array<i32>} : memref<128x128xf32, #tpu.memory_space<vmem>>, vector<1x16xf32>,
        %get3A_191 = vector.shape_cast %get3A_190 : vector<1x16xf32> to vector<16xf32>
        %get3A_192 = arith.index_cast %scan3A_186 : i32 to index
        %get3A_193 = arith.constant 16 : index
        %get3A_194 = tpu.vector_load %arg10[%get3A_192, %get3A_193] {strides = array<i32>} : memref<128x128xf32, #tpu.memory_space<vmem>>, vector<1x16xf32>,
        %get3A_195 = vector.shape_cast %get3A_194 : vector<1x16xf32> to vector<16xf32>
        %max3A = arith.maximumf %get3A_191, %get3A_195 : vector<16xf32>
        %get3A_196 = arith.index_cast %scan3A_186 : i32 to index
        %get3A_197 = arith.constant 32 : index
        %get3A_198 = tpu.vector_load %arg10[%get3A_196, %get3A_197] {strides = array<i32>} : memref<128x128xf32, #tpu.memory_space<vmem>>, vector<1x16xf32>,
        %get3A_199 = vector.shape_cast %get3A_198 : vector<1x16xf32> to vector<16xf32>
        %max3A_200 = arith.maximumf %max3A, %get3A_199 : vector<16xf32>
        %get3A_201 = arith.index_cast %scan3A_186 : i32 to index
        %get3A_202 = arith.constant 48 : index
        %get3A_203 = tpu.vector_load %arg10[%get3A_201, %get3A_202] {strides = array<i32>} : memref<128x128xf32, #tpu.memory_space<vmem>>, vector<1x16xf32>,
        %get3A_204 = vector.shape_cast %get3A_203 : vector<1x16xf32> to vector<16xf32>
        %max3A_205 = arith.maximumf %max3A_200, %get3A_204 : vector<16xf32>
        %get3A_206 = arith.index_cast %scan3A_186 : i32 to index
        %get3A_207 = arith.constant 64 : index
        %get3A_208 = tpu.vector_load %arg10[%get3A_206, %get3A_207] {strides = array<i32>} : memref<128x128xf32, #tpu.memory_space<vmem>>, vector<1x16xf32>,
        %get3A_209 = vector.shape_cast %get3A_208 : vector<1x16xf32> to vector<16xf32>
        %max3A_210 = arith.maximumf %max3A_205, %get3A_209 : vector<16xf32>
        %get3A_211 = arith.index_cast %scan3A_186 : i32 to index
        %get3A_212 = arith.constant 80 : index
        %get3A_213 = tpu.vector_load %arg10[%get3A_211, %get3A_212] {strides = array<i32>} : memref<128x128xf32, #tpu.memory_space<vmem>>, vector<1x16xf32>,
        %get3A_214 = vector.shape_cast %get3A_213 : vector<1x16xf32> to vector<16xf32>
        %max3A_215 = arith.maximumf %max3A_210, %get3A_214 : vector<16xf32>
        %get3A_216 = arith.index_cast %scan3A_186 : i32 to index
        %get3A_217 = arith.constant 96 : index
        %get3A_218 = tpu.vector_load %arg10[%get3A_216, %get3A_217] {strides = array<i32>} : memref<128x128xf32, #tpu.memory_space<vmem>>, vector<1x16xf32>,
        %get3A_219 = vector.shape_cast %get3A_218 : vector<1x16xf32> to vector<16xf32>
        %max3A_220 = arith.maximumf %max3A_215, %get3A_219 : vector<16xf32>
        %get3A_221 = arith.index_cast %scan3A_186 : i32 to index
        %get3A_222 = arith.constant 112 : index
        %get3A_223 = tpu.vector_load %arg10[%get3A_221, %get3A_222] {strides = array<i32>} : memref<128x128xf32, #tpu.memory_space<vmem>>, vector<1x16xf32>,
        %get3A_224 = vector.shape_cast %get3A_223 : vector<1x16xf32> to vector<16xf32>
        %max3A_225 = arith.maximumf %max3A_220, %get3A_224 : vector<16xf32>
        %swap3A_226 = arith.constant 0 : index
        %swap3A_227 = tpu.vector_load %arg14[%swap3A_226] {strides = array<i32>} : memref<32xf32, #tpu.memory_space<vmem>>, vector<16xf32>,
        %swap3A_228 = vector.shape_cast %swap3A_227 : vector<16xf32> to vector<16xf32>
        %swap3A_229 = vector.shape_cast %max3A_225 : vector<16xf32> to vector<16xf32>
        tpu.vector_store %arg14[%swap3A_226], %swap3A_229 {strides = array<i32>} : memref<32xf32, #tpu.memory_space<vmem>>, vector<16xf32>,
        %get3A_230 = arith.constant 8 : index
        %get3A_231 = tpu.vector_load %arg14[%get3A_230] {strides = array<i32>} : memref<32xf32, #tpu.memory_space<vmem>>, vector<16xf32>,
        %get3A_232 = vector.shape_cast %get3A_231 : vector<16xf32> to vector<16xf32>
        %max3A_233 = arith.maximumf %max3A_225, %get3A_232 : vector<16xf32>
        %swap3A_234 = arith.constant 0 : index
        %swap3A_235 = tpu.vector_load %arg14[%swap3A_234] {strides = array<i32>} : memref<32xf32, #tpu.memory_space<vmem>>, vector<16xf32>,
        %swap3A_236 = vector.shape_cast %swap3A_235 : vector<16xf32> to vector<16xf32>
        %swap3A_237 = vector.shape_cast %max3A_233 : vector<16xf32> to vector<16xf32>
        tpu.vector_store %arg14[%swap3A_234], %swap3A_237 {strides = array<i32>} : memref<32xf32, #tpu.memory_space<vmem>>, vector<16xf32>,
        %get3A_238 = arith.constant 4 : index
        %get3A_239 = tpu.vector_load %arg14[%get3A_238] {strides = array<i32>} : memref<32xf32, #tpu.memory_space<vmem>>, vector<16xf32>,
        %get3A_240 = vector.shape_cast %get3A_239 : vector<16xf32> to vector<16xf32>
        %max3A_241 = arith.maximumf %max3A_233, %get3A_240 : vector<16xf32>
        %swap3A_242 = arith.constant 0 : index
        %swap3A_243 = tpu.vector_load %arg14[%swap3A_242] {strides = array<i32>} : memref<32xf32, #tpu.memory_space<vmem>>, vector<16xf32>,
        %swap3A_244 = vector.shape_cast %swap3A_243 : vector<16xf32> to vector<16xf32>
        %swap3A_245 = vector.shape_cast %max3A_241 : vector<16xf32> to vector<16xf32>
        tpu.vector_store %arg14[%swap3A_242], %swap3A_245 {strides = array<i32>} : memref<32xf32, #tpu.memory_space<vmem>>, vector<16xf32>,
        %get3A_246 = arith.constant 2 : index
        %get3A_247 = tpu.vector_load %arg14[%get3A_246] {strides = array<i32>} : memref<32xf32, #tpu.memory_space<vmem>>, vector<16xf32>,
        %get3A_248 = vector.shape_cast %get3A_247 : vector<16xf32> to vector<16xf32>
        %max3A_249 = arith.maximumf %max3A_241, %get3A_248 : vector<16xf32>
        %swap3A_250 = arith.constant 0 : index
        %swap3A_251 = tpu.vector_load %arg14[%swap3A_250] {strides = array<i32>} : memref<32xf32, #tpu.memory_space<vmem>>, vector<16xf32>,
        %swap3A_252 = vector.shape_cast %swap3A_251 : vector<16xf32> to vector<16xf32>
        %swap3A_253 = vector.shape_cast %max3A_249 : vector<16xf32> to vector<16xf32>
        tpu.vector_store %arg14[%swap3A_250], %swap3A_253 {strides = array<i32>} : memref<32xf32, #tpu.memory_space<vmem>>, vector<16xf32>,
        %get3A_254 = arith.constant 1 : index
        %get3A_255 = tpu.vector_load %arg14[%get3A_254] {strides = array<i32>} : memref<32xf32, #tpu.memory_space<vmem>>, vector<16xf32>,
        %get3A_256 = vector.shape_cast %get3A_255 : vector<16xf32> to vector<16xf32>
        %max3A_257 = arith.maximumf %max3A_249, %get3A_256 : vector<16xf32>
        %slice3A = vector.extract_strided_slice %max3A_257 {offsets = [0], sizes = [1], strides = [1]} : vector<16xf32> to vector<1xf32>
        %squeeze3A = vector.extract %slice3A[0] : f32 from vector<1xf32>
        %jit3A = arith.constant 16 : i32
        %eq3A = arith.constant 0 : i32
        %eq3A_258 = arith.cmpi eq, %jit3A, %eq3A : i32
        %jit3A_259 = arith.constant 1 : i32
        %select_n3A = arith.select %eq3A_258, %jit3A_259, %jit3A : i32
        %rem3A = arith.remsi %scan3A_186, %select_n3A : i32
        %ne3A = arith.constant 0 : i32
        %ne3A_260 = arith.cmpi ne, %rem3A, %ne3A : i32
        %lt3A_261 = arith.constant 0 : i32
        %lt3A_262 = arith.cmpi slt, %rem3A, %lt3A_261 : i32
        %lt3A_263 = arith.constant 0 : i32
        %lt3A_264 = arith.cmpi slt, %select_n3A, %lt3A_263 : i32
        %ne3A_265 = arith.xori %lt3A_262, %lt3A_264 : i1
        %and3A = arith.andi %ne3A_265, %ne3A_260 : i1
        %add3A_266 = arith.addi %rem3A, %select_n3A : i32
        %select_n3A_267 = arith.select %and3A, %add3A_266, %rem3A : i32
        %eq3A_268 = vector.broadcast %select_n3A_267 : i32 to vector<16xi32>
        %eq3A_269 = arith.cmpi eq, %iota3A, %eq3A_268 : vector<16xi32>
        %broadcast_in_dim3A_270 = vector.broadcast %squeeze3A : f32 to vector<16xf32>
        %select_n3A_271 = arith.select %eq3A_269, %broadcast_in_dim3A_270, %scan3A_187 : vector<16xi1>, vector<16xf32>
        %jit3A_272 = arith.constant 16 : i32
        %eq3A_273 = arith.constant 0 : i32
        %eq3A_274 = arith.cmpi eq, %jit3A_272, %eq3A_273 : i32
        %jit3A_275 = arith.constant 1 : i32
        %select_n3A_276 = arith.select %eq3A_274, %jit3A_275, %jit3A_272 : i32
        %rem3A_277 = arith.remsi %scan3A_186, %select_n3A_276 : i32
        %ne3A_278 = arith.constant 0 : i32
        %ne3A_279 = arith.cmpi ne, %rem3A_277, %ne3A_278 : i32
        %lt3A_280 = arith.constant 0 : i32
        %lt3A_281 = arith.cmpi slt, %rem3A_277, %lt3A_280 : i32
        %lt3A_282 = arith.constant 0 : i32
        %lt3A_283 = arith.cmpi slt, %select_n3A_276, %lt3A_282 : i32
        %ne3A_284 = arith.xori %lt3A_281, %lt3A_283 : i1
        %and3A_285 = arith.andi %ne3A_284, %ne3A_279 : i1
        %add3A_286 = arith.addi %rem3A_277, %select_n3A_276 : i32
        %select_n3A_287 = arith.select %and3A_285, %add3A_286, %rem3A_277 : i32
        %eq3A_288 = arith.constant 15 : i32
        %eq3A_289 = arith.cmpi eq, %select_n3A_287, %eq3A_288 : i32
        %convert_element_type3A_290 = arith.extui %eq3A_289 : i1 to i32
        %cond3A_291 = arith.constant 0 : i32
        %cond3A_292 = arith.cmpi ne, %convert_element_type3A_290, %cond3A_291 : i32
        scf.if %cond3A_292 {
          %jit3A_293 = arith.constant 16 : i32
          %div3A = arith.divsi %scan3A_186, %jit3A_293 : i32
          %sign3A = arith.constant 0 : i32
          %sign3A_294 = arith.cmpi sgt, %scan3A_186, %sign3A : i32
          %sign3A_295 = arith.extui %sign3A_294 : i1 to i32
          %sign3A_296 = arith.constant 0 : i32
          %sign3A_297 = arith.cmpi slt, %scan3A_186, %sign3A_296 : i32
          %sign3A_298 = arith.extui %sign3A_297 : i1 to i32
          %sign3A_299 = arith.subi %sign3A_295, %sign3A_298 : i32
          %sign3A_300 = arith.constant 0 : i32
          %sign3A_301 = arith.cmpi sgt, %jit3A_293, %sign3A_300 : i32
          %sign3A_302 = arith.extui %sign3A_301 : i1 to i32
          %sign3A_303 = arith.constant 0 : i32
          %sign3A_304 = arith.cmpi slt, %jit3A_293, %sign3A_303 : i32
          %sign3A_305 = arith.extui %sign3A_304 : i1 to i32
          %sign3A_306 = arith.subi %sign3A_302, %sign3A_305 : i32
          %ne3A_307 = arith.cmpi ne, %sign3A_299, %sign3A_306 : i32
          %rem3A_308 = arith.remsi %scan3A_186, %jit3A_293 : i32
          %ne3A_309 = arith.constant 0 : i32
          %ne3A_310 = arith.cmpi ne, %rem3A_308, %ne3A_309 : i32
          %and3A_311 = arith.andi %ne3A_307, %ne3A_310 : i1
          %sub3A = arith.constant 1 : i32
          %sub3A_312 = arith.subi %div3A, %sub3A : i32
          %select_n3A_313 = arith.select %and3A_311, %sub3A_312, %div3A : i32
          %mul3A_314 = arith.constant 16 : i32
          %mul3A_315 = arith.muli %select_n3A_313, %mul3A_314 : i32
          %swap3A_316 = arith.index_cast %mul3A_315 : i32 to index
          %swap3A_317 = tpu.vector_load %arg11[%swap3A_316] {strides = array<i32>} : memref<128xf32, #tpu.memory_space<vmem>>, vector<16xf32>,
          %swap3A_318 = vector.shape_cast %swap3A_317 : vector<16xf32> to vector<16xf32>
          %swap3A_319 = vector.shape_cast %select_n3A_271 : vector<16xf32> to vector<16xf32>
          tpu.vector_store %arg11[%swap3A_316], %swap3A_319 {strides = array<i32>} : memref<128xf32, #tpu.memory_space<vmem>>, vector<16xf32>,
        } else {
        }
        scf.yield %select_n3A_271 : vector<16xf32>
      }
      %scan3A_170 = arith.constant 128 : i32
      %broadcast_in_dim3A_171 = arith.constant 0.000000e+00 : f32
      %broadcast_in_dim3A_172 = vector.broadcast %broadcast_in_dim3A_171 : f32 to vector<16xf32>
      %broadcast_in_dim3A_173 = arith.constant 0 : i32
      %broadcast_in_dim3A_174 = vector.broadcast %broadcast_in_dim3A_173 : i32 to vector<16xi32>
      %scan3A_175 = arith.constant 0 : i32
      %scan3A_176 = arith.constant 128 : i32
      %scan3A_177 = arith.addi %scan3A_175, %scan3A_176 : i32
      %scan3A_178 = arith.constant 1 : i32
      %scan3A_179:2 = scf.for %scan3A_186 = %scan3A_175 to %scan3A_177 step %scan3A_178 iter_args(%scan3A_187 = %broadcast_in_dim3A_172, %scan3A_188 = %broadcast_in_dim3A_174) -> (vector<16xf32>, vector<16xi32>)  : i32 {
        %get3A_189 = arith.constant 0 : index
        %get3A_190 = tpu.vector_load %arg11[%get3A_189] {strides = array<i32>} : memref<128xf32, #tpu.memory_space<vmem>>, vector<16xf32>,
        %get3A_191 = vector.shape_cast %get3A_190 : vector<16xf32> to vector<16xf32>
        %get3A_192 = arith.constant 16 : index
        %get3A_193 = tpu.vector_load %arg11[%get3A_192] {strides = array<i32>} : memref<128xf32, #tpu.memory_space<vmem>>, vector<16xf32>,
        %get3A_194 = vector.shape_cast %get3A_193 : vector<16xf32> to vector<16xf32>
        %gt3A = arith.cmpf ogt, %get3A_194, %get3A_191 : vector<16xf32>
        %add3A_195 = arith.constant 16 : i32
        %add3A_196 = vector.broadcast %add3A_195 : i32 to vector<16xi32>
        %add3A_197 = arith.addi %iota3A, %add3A_196 : vector<16xi32>
        %select_n3A = arith.select %gt3A, %add3A_197, %iota3A : vector<16xi1>, vector<16xi32>
        %max3A = arith.maximumf %get3A_191, %get3A_194 : vector<16xf32>
        %get3A_198 = arith.constant 32 : index
        %get3A_199 = tpu.vector_load %arg11[%get3A_198] {strides = array<i32>} : memref<128xf32, #tpu.memory_space<vmem>>, vector<16xf32>,
        %get3A_200 = vector.shape_cast %get3A_199 : vector<16xf32> to vector<16xf32>
        %gt3A_201 = arith.cmpf ogt, %get3A_200, %max3A : vector<16xf32>
        %add3A_202 = arith.constant 32 : i32
        %add3A_203 = vector.broadcast %add3A_202 : i32 to vector<16xi32>
        %add3A_204 = arith.addi %iota3A, %add3A_203 : vector<16xi32>
        %select_n3A_205 = arith.select %gt3A_201, %add3A_204, %select_n3A : vector<16xi1>, vector<16xi32>
        %max3A_206 = arith.maximumf %max3A, %get3A_200 : vector<16xf32>
        %get3A_207 = arith.constant 48 : index
        %get3A_208 = tpu.vector_load %arg11[%get3A_207] {strides = array<i32>} : memref<128xf32, #tpu.memory_space<vmem>>, vector<16xf32>,
        %get3A_209 = vector.shape_cast %get3A_208 : vector<16xf32> to vector<16xf32>
        %gt3A_210 = arith.cmpf ogt, %get3A_209, %max3A_206 : vector<16xf32>
        %add3A_211 = arith.constant 48 : i32
        %add3A_212 = vector.broadcast %add3A_211 : i32 to vector<16xi32>
        %add3A_213 = arith.addi %iota3A, %add3A_212 : vector<16xi32>
        %select_n3A_214 = arith.select %gt3A_210, %add3A_213, %select_n3A_205 : vector<16xi1>, vector<16xi32>
        %max3A_215 = arith.maximumf %max3A_206, %get3A_209 : vector<16xf32>
        %get3A_216 = arith.constant 64 : index
        %get3A_217 = tpu.vector_load %arg11[%get3A_216] {strides = array<i32>} : memref<128xf32, #tpu.memory_space<vmem>>, vector<16xf32>,
        %get3A_218 = vector.shape_cast %get3A_217 : vector<16xf32> to vector<16xf32>
        %gt3A_219 = arith.cmpf ogt, %get3A_218, %max3A_215 : vector<16xf32>
        %add3A_220 = arith.constant 64 : i32
        %add3A_221 = vector.broadcast %add3A_220 : i32 to vector<16xi32>
        %add3A_222 = arith.addi %iota3A, %add3A_221 : vector<16xi32>
        %select_n3A_223 = arith.select %gt3A_219, %add3A_222, %select_n3A_214 : vector<16xi1>, vector<16xi32>
        %max3A_224 = arith.maximumf %max3A_215, %get3A_218 : vector<16xf32>
        %get3A_225 = arith.constant 80 : index
        %get3A_226 = tpu.vector_load %arg11[%get3A_225] {strides = array<i32>} : memref<128xf32, #tpu.memory_space<vmem>>, vector<16xf32>,
        %get3A_227 = vector.shape_cast %get3A_226 : vector<16xf32> to vector<16xf32>
        %gt3A_228 = arith.cmpf ogt, %get3A_227, %max3A_224 : vector<16xf32>
        %add3A_229 = arith.constant 80 : i32
        %add3A_230 = vector.broadcast %add3A_229 : i32 to vector<16xi32>
        %add3A_231 = arith.addi %iota3A, %add3A_230 : vector<16xi32>
        %select_n3A_232 = arith.select %gt3A_228, %add3A_231, %select_n3A_223 : vector<16xi1>, vector<16xi32>
        %max3A_233 = arith.maximumf %max3A_224, %get3A_227 : vector<16xf32>
        %get3A_234 = arith.constant 96 : index
        %get3A_235 = tpu.vector_load %arg11[%get3A_234] {strides = array<i32>} : memref<128xf32, #tpu.memory_space<vmem>>, vector<16xf32>,
        %get3A_236 = vector.shape_cast %get3A_235 : vector<16xf32> to vector<16xf32>
        %gt3A_237 = arith.cmpf ogt, %get3A_236, %max3A_233 : vector<16xf32>
        %add3A_238 = arith.constant 96 : i32
        %add3A_239 = vector.broadcast %add3A_238 : i32 to vector<16xi32>
        %add3A_240 = arith.addi %iota3A, %add3A_239 : vector<16xi32>
        %select_n3A_241 = arith.select %gt3A_237, %add3A_240, %select_n3A_232 : vector<16xi1>, vector<16xi32>
        %max3A_242 = arith.maximumf %max3A_233, %get3A_236 : vector<16xf32>
        %get3A_243 = arith.constant 112 : index
        %get3A_244 = tpu.vector_load %arg11[%get3A_243] {strides = array<i32>} : memref<128xf32, #tpu.memory_space<vmem>>, vector<16xf32>,
        %get3A_245 = vector.shape_cast %get3A_244 : vector<16xf32> to vector<16xf32>
        %gt3A_246 = arith.cmpf ogt, %get3A_245, %max3A_242 : vector<16xf32>
        %add3A_247 = arith.constant 112 : i32
        %add3A_248 = vector.broadcast %add3A_247 : i32 to vector<16xi32>
        %add3A_249 = arith.addi %iota3A, %add3A_248 : vector<16xi32>
        %select_n3A_250 = arith.select %gt3A_246, %add3A_249, %select_n3A_241 : vector<16xi1>, vector<16xi32>
        %max3A_251 = arith.maximumf %max3A_242, %get3A_245 : vector<16xf32>
        %swap3A_252 = arith.constant 0 : index
        %swap3A_253 = tpu.vector_load %arg14[%swap3A_252] {strides = array<i32>} : memref<32xf32, #tpu.memory_space<vmem>>, vector<16xf32>,
        %swap3A_254 = vector.shape_cast %swap3A_253 : vector<16xf32> to vector<16xf32>
        %swap3A_255 = vector.shape_cast %max3A_251 : vector<16xf32> to vector<16xf32>
        tpu.vector_store %arg14[%swap3A_252], %swap3A_255 {strides = array<i32>} : memref<32xf32, #tpu.memory_space<vmem>>, vector<16xf32>,
        %swap3A_256 = arith.constant 0 : index
        %swap3A_257 = tpu.vector_load %arg15[%swap3A_256] {strides = array<i32>} : memref<32xi32, #tpu.memory_space<vmem>>, vector<16xi32>,
        %swap3A_258 = vector.shape_cast %swap3A_257 : vector<16xi32> to vector<16xi32>
        %swap3A_259 = vector.shape_cast %select_n3A_250 : vector<16xi32> to vector<16xi32>
        tpu.vector_store %arg15[%swap3A_256], %swap3A_259 {strides = array<i32>} : memref<32xi32, #tpu.memory_space<vmem>>, vector<16xi32>,
        %get3A_260 = arith.constant 8 : index
        %get3A_261 = tpu.vector_load %arg14[%get3A_260] {strides = array<i32>} : memref<32xf32, #tpu.memory_space<vmem>>, vector<16xf32>,
        %get3A_262 = vector.shape_cast %get3A_261 : vector<16xf32> to vector<16xf32>
        %get3A_263 = arith.constant 8 : index
        %get3A_264 = tpu.vector_load %arg15[%get3A_263] {strides = array<i32>} : memref<32xi32, #tpu.memory_space<vmem>>, vector<16xi32>,
        %get3A_265 = vector.shape_cast %get3A_264 : vector<16xi32> to vector<16xi32>
        %gt3A_266 = arith.cmpf ogt, %get3A_262, %max3A_251 : vector<16xf32>
        %eq3A = arith.cmpf oeq, %get3A_262, %max3A_251 : vector<16xf32>
        %min3A = arith.minsi %select_n3A_250, %get3A_265 : vector<16xi32>
        %select_n3A_267 = arith.select %eq3A, %min3A, %select_n3A_250 : vector<16xi1>, vector<16xi32>
        %select_n3A_268 = arith.select %gt3A_266, %get3A_265, %select_n3A_267 : vector<16xi1>, vector<16xi32>
        %max3A_269 = arith.maximumf %max3A_251, %get3A_262 : vector<16xf32>
        %swap3A_270 = arith.constant 0 : index
        %swap3A_271 = tpu.vector_load %arg14[%swap3A_270] {strides = array<i32>} : memref<32xf32, #tpu.memory_space<vmem>>, vector<16xf32>,
        %swap3A_272 = vector.shape_cast %swap3A_271 : vector<16xf32> to vector<16xf32>
        %swap3A_273 = vector.shape_cast %max3A_269 : vector<16xf32> to vector<16xf32>
        tpu.vector_store %arg14[%swap3A_270], %swap3A_273 {strides = array<i32>} : memref<32xf32, #tpu.memory_space<vmem>>, vector<16xf32>,
        %swap3A_274 = arith.constant 0 : index
        %swap3A_275 = tpu.vector_load %arg15[%swap3A_274] {strides = array<i32>} : memref<32xi32, #tpu.memory_space<vmem>>, vector<16xi32>,
        %swap3A_276 = vector.shape_cast %swap3A_275 : vector<16xi32> to vector<16xi32>
        %swap3A_277 = vector.shape_cast %select_n3A_268 : vector<16xi32> to vector<16xi32>
        tpu.vector_store %arg15[%swap3A_274], %swap3A_277 {strides = array<i32>} : memref<32xi32, #tpu.memory_space<vmem>>, vector<16xi32>,
        %get3A_278 = arith.constant 4 : index
        %get3A_279 = tpu.vector_load %arg14[%get3A_278] {strides = array<i32>} : memref<32xf32, #tpu.memory_space<vmem>>, vector<16xf32>,
        %get3A_280 = vector.shape_cast %get3A_279 : vector<16xf32> to vector<16xf32>
        %get3A_281 = arith.constant 4 : index
        %get3A_282 = tpu.vector_load %arg15[%get3A_281] {strides = array<i32>} : memref<32xi32, #tpu.memory_space<vmem>>, vector<16xi32>,
        %get3A_283 = vector.shape_cast %get3A_282 : vector<16xi32> to vector<16xi32>
        %gt3A_284 = arith.cmpf ogt, %get3A_280, %max3A_269 : vector<16xf32>
        %eq3A_285 = arith.cmpf oeq, %get3A_280, %max3A_269 : vector<16xf32>
        %min3A_286 = arith.minsi %select_n3A_268, %get3A_283 : vector<16xi32>
        %select_n3A_287 = arith.select %eq3A_285, %min3A_286, %select_n3A_268 : vector<16xi1>, vector<16xi32>
        %select_n3A_288 = arith.select %gt3A_284, %get3A_283, %select_n3A_287 : vector<16xi1>, vector<16xi32>
        %max3A_289 = arith.maximumf %max3A_269, %get3A_280 : vector<16xf32>
        %swap3A_290 = arith.constant 0 : index
        %swap3A_291 = tpu.vector_load %arg14[%swap3A_290] {strides = array<i32>} : memref<32xf32, #tpu.memory_space<vmem>>, vector<16xf32>,
        %swap3A_292 = vector.shape_cast %swap3A_291 : vector<16xf32> to vector<16xf32>
        %swap3A_293 = vector.shape_cast %max3A_289 : vector<16xf32> to vector<16xf32>
        tpu.vector_store %arg14[%swap3A_290], %swap3A_293 {strides = array<i32>} : memref<32xf32, #tpu.memory_space<vmem>>, vector<16xf32>,
        %swap3A_294 = arith.constant 0 : index
        %swap3A_295 = tpu.vector_load %arg15[%swap3A_294] {strides = array<i32>} : memref<32xi32, #tpu.memory_space<vmem>>, vector<16xi32>,
        %swap3A_296 = vector.shape_cast %swap3A_295 : vector<16xi32> to vector<16xi32>
        %swap3A_297 = vector.shape_cast %select_n3A_288 : vector<16xi32> to vector<16xi32>
        tpu.vector_store %arg15[%swap3A_294], %swap3A_297 {strides = array<i32>} : memref<32xi32, #tpu.memory_space<vmem>>, vector<16xi32>,
        %get3A_298 = arith.constant 2 : index
        %get3A_299 = tpu.vector_load %arg14[%get3A_298] {strides = array<i32>} : memref<32xf32, #tpu.memory_space<vmem>>, vector<16xf32>,
        %get3A_300 = vector.shape_cast %get3A_299 : vector<16xf32> to vector<16xf32>
        %get3A_301 = arith.constant 2 : index
        %get3A_302 = tpu.vector_load %arg15[%get3A_301] {strides = array<i32>} : memref<32xi32, #tpu.memory_space<vmem>>, vector<16xi32>,
        %get3A_303 = vector.shape_cast %get3A_302 : vector<16xi32> to vector<16xi32>
        %gt3A_304 = arith.cmpf ogt, %get3A_300, %max3A_289 : vector<16xf32>
        %eq3A_305 = arith.cmpf oeq, %get3A_300, %max3A_289 : vector<16xf32>
        %min3A_306 = arith.minsi %select_n3A_288, %get3A_303 : vector<16xi32>
        %select_n3A_307 = arith.select %eq3A_305, %min3A_306, %select_n3A_288 : vector<16xi1>, vector<16xi32>
        %select_n3A_308 = arith.select %gt3A_304, %get3A_303, %select_n3A_307 : vector<16xi1>, vector<16xi32>
        %max3A_309 = arith.maximumf %max3A_289, %get3A_300 : vector<16xf32>
        %swap3A_310 = arith.constant 0 : index
        %swap3A_311 = tpu.vector_load %arg14[%swap3A_310] {strides = array<i32>} : memref<32xf32, #tpu.memory_space<vmem>>, vector<16xf32>,
        %swap3A_312 = vector.shape_cast %swap3A_311 : vector<16xf32> to vector<16xf32>
        %swap3A_313 = vector.shape_cast %max3A_309 : vector<16xf32> to vector<16xf32>
        tpu.vector_store %arg14[%swap3A_310], %swap3A_313 {strides = array<i32>} : memref<32xf32, #tpu.memory_space<vmem>>, vector<16xf32>,
        %swap3A_314 = arith.constant 0 : index
        %swap3A_315 = tpu.vector_load %arg15[%swap3A_314] {strides = array<i32>} : memref<32xi32, #tpu.memory_space<vmem>>, vector<16xi32>,
        %swap3A_316 = vector.shape_cast %swap3A_315 : vector<16xi32> to vector<16xi32>
        %swap3A_317 = vector.shape_cast %select_n3A_308 : vector<16xi32> to vector<16xi32>
        tpu.vector_store %arg15[%swap3A_314], %swap3A_317 {strides = array<i32>} : memref<32xi32, #tpu.memory_space<vmem>>, vector<16xi32>,
        %get3A_318 = arith.constant 1 : index
        %get3A_319 = tpu.vector_load %arg14[%get3A_318] {strides = array<i32>} : memref<32xf32, #tpu.memory_space<vmem>>, vector<16xf32>,
        %get3A_320 = vector.shape_cast %get3A_319 : vector<16xf32> to vector<16xf32>
        %get3A_321 = arith.constant 1 : index
        %get3A_322 = tpu.vector_load %arg15[%get3A_321] {strides = array<i32>} : memref<32xi32, #tpu.memory_space<vmem>>, vector<16xi32>,
        %get3A_323 = vector.shape_cast %get3A_322 : vector<16xi32> to vector<16xi32>
        %gt3A_324 = arith.cmpf ogt, %get3A_320, %max3A_309 : vector<16xf32>
        %eq3A_325 = arith.cmpf oeq, %get3A_320, %max3A_309 : vector<16xf32>
        %min3A_326 = arith.minsi %select_n3A_308, %get3A_323 : vector<16xi32>
        %select_n3A_327 = arith.select %eq3A_325, %min3A_326, %select_n3A_308 : vector<16xi1>, vector<16xi32>
        %select_n3A_328 = arith.select %gt3A_324, %get3A_323, %select_n3A_327 : vector<16xi1>, vector<16xi32>
        %max3A_329 = arith.maximumf %max3A_309, %get3A_320 : vector<16xf32>
        %slice3A = vector.extract_strided_slice %max3A_329 {offsets = [0], sizes = [1], strides = [1]} : vector<16xf32> to vector<1xf32>
        %squeeze3A = vector.extract %slice3A[0] : f32 from vector<1xf32>
        %slice3A_330 = vector.extract_strided_slice %select_n3A_328 {offsets = [0], sizes = [1], strides = [1]} : vector<16xi32> to vector<1xi32>
        %squeeze3A_331 = vector.extract %slice3A_330[0] : i32 from vector<1xi32>
        %broadcast_in_dim3A_332 = vector.broadcast %squeeze3A : f32 to vector<16xf32>
        %broadcast_in_dim3A_333 = arith.constant -3.000000e+38 : f32
        %broadcast_in_dim3A_334 = vector.broadcast %broadcast_in_dim3A_333 : f32 to vector<16xf32>
        %broadcast_in_dim3A_335 = arith.constant 99999 : i32
        %broadcast_in_dim3A_336 = vector.broadcast %broadcast_in_dim3A_335 : i32 to vector<16xi32>
        %get3A_337 = arith.index_cast %squeeze3A_331 : i32 to index
        %get3A_338 = arith.constant 0 : index
        %get3A_339 = tpu.vector_load %arg10[%get3A_337, %get3A_338] {strides = array<i32>} : memref<128x128xf32, #tpu.memory_space<vmem>>, vector<1x16xf32>,
        %get3A_340 = vector.shape_cast %get3A_339 : vector<1x16xf32> to vector<16xf32>
        %ge3A = arith.cmpf oge, %get3A_340, %broadcast_in_dim3A_332 : vector<16xf32>
        %add3A_341 = arith.constant 0 : i32
        %add3A_342 = vector.broadcast %add3A_341 : i32 to vector<16xi32>
        %add3A_343 = arith.addi %iota3A, %add3A_342 : vector<16xi32>
        %jit3A = arith.constant 99999 : i32
        %broadcast_in_dim3A_344 = vector.broadcast %jit3A : i32 to vector<16xi32>
        %select_n3A_345 = arith.select %ge3A, %add3A_343, %broadcast_in_dim3A_344 : vector<16xi1>, vector<16xi32>
        %min3A_346 = arith.minsi %broadcast_in_dim3A_336, %select_n3A_345 : vector<16xi32>
        %select_n3A_347 = arith.select %ge3A, %broadcast_in_dim3A_334, %get3A_340 : vector<16xi1>, vector<16xf32>
        %max3A_348 = arith.maximumf %broadcast_in_dim3A_334, %select_n3A_347 : vector<16xf32>
        %get3A_349 = arith.index_cast %squeeze3A_331 : i32 to index
        %get3A_350 = arith.constant 16 : index
        %get3A_351 = tpu.vector_load %arg10[%get3A_349, %get3A_350] {strides = array<i32>} : memref<128x128xf32, #tpu.memory_space<vmem>>, vector<1x16xf32>,
        %get3A_352 = vector.shape_cast %get3A_351 : vector<1x16xf32> to vector<16xf32>
        %ge3A_353 = arith.cmpf oge, %get3A_352, %broadcast_in_dim3A_332 : vector<16xf32>
        %add3A_354 = arith.constant 16 : i32
        %add3A_355 = vector.broadcast %add3A_354 : i32 to vector<16xi32>
        %add3A_356 = arith.addi %iota3A, %add3A_355 : vector<16xi32>
        %jit3A_357 = arith.constant 99999 : i32
        %broadcast_in_dim3A_358 = vector.broadcast %jit3A_357 : i32 to vector<16xi32>
        %select_n3A_359 = arith.select %ge3A_353, %add3A_356, %broadcast_in_dim3A_358 : vector<16xi1>, vector<16xi32>
        %min3A_360 = arith.minsi %min3A_346, %select_n3A_359 : vector<16xi32>
        %select_n3A_361 = arith.select %ge3A_353, %broadcast_in_dim3A_334, %get3A_352 : vector<16xi1>, vector<16xf32>
        %max3A_362 = arith.maximumf %max3A_348, %select_n3A_361 : vector<16xf32>
        %get3A_363 = arith.index_cast %squeeze3A_331 : i32 to index
        %get3A_364 = arith.constant 32 : index
        %get3A_365 = tpu.vector_load %arg10[%get3A_363, %get3A_364] {strides = array<i32>} : memref<128x128xf32, #tpu.memory_space<vmem>>, vector<1x16xf32>,
        %get3A_366 = vector.shape_cast %get3A_365 : vector<1x16xf32> to vector<16xf32>
        %ge3A_367 = arith.cmpf oge, %get3A_366, %broadcast_in_dim3A_332 : vector<16xf32>
        %add3A_368 = arith.constant 32 : i32
        %add3A_369 = vector.broadcast %add3A_368 : i32 to vector<16xi32>
        %add3A_370 = arith.addi %iota3A, %add3A_369 : vector<16xi32>
        %jit3A_371 = arith.constant 99999 : i32
        %broadcast_in_dim3A_372 = vector.broadcast %jit3A_371 : i32 to vector<16xi32>
        %select_n3A_373 = arith.select %ge3A_367, %add3A_370, %broadcast_in_dim3A_372 : vector<16xi1>, vector<16xi32>
        %min3A_374 = arith.minsi %min3A_360, %select_n3A_373 : vector<16xi32>
        %select_n3A_375 = arith.select %ge3A_367, %broadcast_in_dim3A_334, %get3A_366 : vector<16xi1>, vector<16xf32>
        %max3A_376 = arith.maximumf %max3A_362, %select_n3A_375 : vector<16xf32>
        %get3A_377 = arith.index_cast %squeeze3A_331 : i32 to index
        %get3A_378 = arith.constant 48 : index
        %get3A_379 = tpu.vector_load %arg10[%get3A_377, %get3A_378] {strides = array<i32>} : memref<128x128xf32, #tpu.memory_space<vmem>>, vector<1x16xf32>,
        %get3A_380 = vector.shape_cast %get3A_379 : vector<1x16xf32> to vector<16xf32>
        %ge3A_381 = arith.cmpf oge, %get3A_380, %broadcast_in_dim3A_332 : vector<16xf32>
        %add3A_382 = arith.constant 48 : i32
        %add3A_383 = vector.broadcast %add3A_382 : i32 to vector<16xi32>
        %add3A_384 = arith.addi %iota3A, %add3A_383 : vector<16xi32>
        %jit3A_385 = arith.constant 99999 : i32
        %broadcast_in_dim3A_386 = vector.broadcast %jit3A_385 : i32 to vector<16xi32>
        %select_n3A_387 = arith.select %ge3A_381, %add3A_384, %broadcast_in_dim3A_386 : vector<16xi1>, vector<16xi32>
        %min3A_388 = arith.minsi %min3A_374, %select_n3A_387 : vector<16xi32>
        %select_n3A_389 = arith.select %ge3A_381, %broadcast_in_dim3A_334, %get3A_380 : vector<16xi1>, vector<16xf32>
        %max3A_390 = arith.maximumf %max3A_376, %select_n3A_389 : vector<16xf32>
        %get3A_391 = arith.index_cast %squeeze3A_331 : i32 to index
        %get3A_392 = arith.constant 64 : index
        %get3A_393 = tpu.vector_load %arg10[%get3A_391, %get3A_392] {strides = array<i32>} : memref<128x128xf32, #tpu.memory_space<vmem>>, vector<1x16xf32>,
        %get3A_394 = vector.shape_cast %get3A_393 : vector<1x16xf32> to vector<16xf32>
        %ge3A_395 = arith.cmpf oge, %get3A_394, %broadcast_in_dim3A_332 : vector<16xf32>
        %add3A_396 = arith.constant 64 : i32
        %add3A_397 = vector.broadcast %add3A_396 : i32 to vector<16xi32>
        %add3A_398 = arith.addi %iota3A, %add3A_397 : vector<16xi32>
        %jit3A_399 = arith.constant 99999 : i32
        %broadcast_in_dim3A_400 = vector.broadcast %jit3A_399 : i32 to vector<16xi32>
        %select_n3A_401 = arith.select %ge3A_395, %add3A_398, %broadcast_in_dim3A_400 : vector<16xi1>, vector<16xi32>
        %min3A_402 = arith.minsi %min3A_388, %select_n3A_401 : vector<16xi32>
        %select_n3A_403 = arith.select %ge3A_395, %broadcast_in_dim3A_334, %get3A_394 : vector<16xi1>, vector<16xf32>
        %max3A_404 = arith.maximumf %max3A_390, %select_n3A_403 : vector<16xf32>
        %get3A_405 = arith.index_cast %squeeze3A_331 : i32 to index
        %get3A_406 = arith.constant 80 : index
        %get3A_407 = tpu.vector_load %arg10[%get3A_405, %get3A_406] {strides = array<i32>} : memref<128x128xf32, #tpu.memory_space<vmem>>, vector<1x16xf32>,
        %get3A_408 = vector.shape_cast %get3A_407 : vector<1x16xf32> to vector<16xf32>
        %ge3A_409 = arith.cmpf oge, %get3A_408, %broadcast_in_dim3A_332 : vector<16xf32>
        %add3A_410 = arith.constant 80 : i32
        %add3A_411 = vector.broadcast %add3A_410 : i32 to vector<16xi32>
        %add3A_412 = arith.addi %iota3A, %add3A_411 : vector<16xi32>
        %jit3A_413 = arith.constant 99999 : i32
        %broadcast_in_dim3A_414 = vector.broadcast %jit3A_413 : i32 to vector<16xi32>
        %select_n3A_415 = arith.select %ge3A_409, %add3A_412, %broadcast_in_dim3A_414 : vector<16xi1>, vector<16xi32>
        %min3A_416 = arith.minsi %min3A_402, %select_n3A_415 : vector<16xi32>
        %select_n3A_417 = arith.select %ge3A_409, %broadcast_in_dim3A_334, %get3A_408 : vector<16xi1>, vector<16xf32>
        %max3A_418 = arith.maximumf %max3A_404, %select_n3A_417 : vector<16xf32>
        %get3A_419 = arith.index_cast %squeeze3A_331 : i32 to index
        %get3A_420 = arith.constant 96 : index
        %get3A_421 = tpu.vector_load %arg10[%get3A_419, %get3A_420] {strides = array<i32>} : memref<128x128xf32, #tpu.memory_space<vmem>>, vector<1x16xf32>,
        %get3A_422 = vector.shape_cast %get3A_421 : vector<1x16xf32> to vector<16xf32>
        %ge3A_423 = arith.cmpf oge, %get3A_422, %broadcast_in_dim3A_332 : vector<16xf32>
        %add3A_424 = arith.constant 96 : i32
        %add3A_425 = vector.broadcast %add3A_424 : i32 to vector<16xi32>
        %add3A_426 = arith.addi %iota3A, %add3A_425 : vector<16xi32>
        %jit3A_427 = arith.constant 99999 : i32
        %broadcast_in_dim3A_428 = vector.broadcast %jit3A_427 : i32 to vector<16xi32>
        %select_n3A_429 = arith.select %ge3A_423, %add3A_426, %broadcast_in_dim3A_428 : vector<16xi1>, vector<16xi32>
        %min3A_430 = arith.minsi %min3A_416, %select_n3A_429 : vector<16xi32>
        %select_n3A_431 = arith.select %ge3A_423, %broadcast_in_dim3A_334, %get3A_422 : vector<16xi1>, vector<16xf32>
        %max3A_432 = arith.maximumf %max3A_418, %select_n3A_431 : vector<16xf32>
        %get3A_433 = arith.index_cast %squeeze3A_331 : i32 to index
        %get3A_434 = arith.constant 112 : index
        %get3A_435 = tpu.vector_load %arg10[%get3A_433, %get3A_434] {strides = array<i32>} : memref<128x128xf32, #tpu.memory_space<vmem>>, vector<1x16xf32>,
        %get3A_436 = vector.shape_cast %get3A_435 : vector<1x16xf32> to vector<16xf32>
        %ge3A_437 = arith.cmpf oge, %get3A_436, %broadcast_in_dim3A_332 : vector<16xf32>
        %add3A_438 = arith.constant 112 : i32
        %add3A_439 = vector.broadcast %add3A_438 : i32 to vector<16xi32>
        %add3A_440 = arith.addi %iota3A, %add3A_439 : vector<16xi32>
        %jit3A_441 = arith.constant 99999 : i32
        %broadcast_in_dim3A_442 = vector.broadcast %jit3A_441 : i32 to vector<16xi32>
        %select_n3A_443 = arith.select %ge3A_437, %add3A_440, %broadcast_in_dim3A_442 : vector<16xi1>, vector<16xi32>
        %min3A_444 = arith.minsi %min3A_430, %select_n3A_443 : vector<16xi32>
        %select_n3A_445 = arith.select %ge3A_437, %broadcast_in_dim3A_334, %get3A_436 : vector<16xi1>, vector<16xf32>
        %max3A_446 = arith.maximumf %max3A_432, %select_n3A_445 : vector<16xf32>
        %swap3A_447 = arith.constant 0 : index
        %swap3A_448 = tpu.vector_load %arg15[%swap3A_447] {strides = array<i32>} : memref<32xi32, #tpu.memory_space<vmem>>, vector<16xi32>,
        %swap3A_449 = vector.shape_cast %swap3A_448 : vector<16xi32> to vector<16xi32>
        %swap3A_450 = vector.shape_cast %min3A_444 : vector<16xi32> to vector<16xi32>
        tpu.vector_store %arg15[%swap3A_447], %swap3A_450 {strides = array<i32>} : memref<32xi32, #tpu.memory_space<vmem>>, vector<16xi32>,
        %get3A_451 = arith.constant 8 : index
        %get3A_452 = tpu.vector_load %arg15[%get3A_451] {strides = array<i32>} : memref<32xi32, #tpu.memory_space<vmem>>, vector<16xi32>,
        %get3A_453 = vector.shape_cast %get3A_452 : vector<16xi32> to vector<16xi32>
        %min3A_454 = arith.minsi %min3A_444, %get3A_453 : vector<16xi32>
        %swap3A_455 = arith.constant 0 : index
        %swap3A_456 = tpu.vector_load %arg15[%swap3A_455] {strides = array<i32>} : memref<32xi32, #tpu.memory_space<vmem>>, vector<16xi32>,
        %swap3A_457 = vector.shape_cast %swap3A_456 : vector<16xi32> to vector<16xi32>
        %swap3A_458 = vector.shape_cast %min3A_454 : vector<16xi32> to vector<16xi32>
        tpu.vector_store %arg15[%swap3A_455], %swap3A_458 {strides = array<i32>} : memref<32xi32, #tpu.memory_space<vmem>>, vector<16xi32>,
        %get3A_459 = arith.constant 4 : index
        %get3A_460 = tpu.vector_load %arg15[%get3A_459] {strides = array<i32>} : memref<32xi32, #tpu.memory_space<vmem>>, vector<16xi32>,
        %get3A_461 = vector.shape_cast %get3A_460 : vector<16xi32> to vector<16xi32>
        %min3A_462 = arith.minsi %min3A_454, %get3A_461 : vector<16xi32>
        %swap3A_463 = arith.constant 0 : index
        %swap3A_464 = tpu.vector_load %arg15[%swap3A_463] {strides = array<i32>} : memref<32xi32, #tpu.memory_space<vmem>>, vector<16xi32>,
        %swap3A_465 = vector.shape_cast %swap3A_464 : vector<16xi32> to vector<16xi32>
        %swap3A_466 = vector.shape_cast %min3A_462 : vector<16xi32> to vector<16xi32>
        tpu.vector_store %arg15[%swap3A_463], %swap3A_466 {strides = array<i32>} : memref<32xi32, #tpu.memory_space<vmem>>, vector<16xi32>,
        %get3A_467 = arith.constant 2 : index
        %get3A_468 = tpu.vector_load %arg15[%get3A_467] {strides = array<i32>} : memref<32xi32, #tpu.memory_space<vmem>>, vector<16xi32>,
        %get3A_469 = vector.shape_cast %get3A_468 : vector<16xi32> to vector<16xi32>
        %min3A_470 = arith.minsi %min3A_462, %get3A_469 : vector<16xi32>
        %swap3A_471 = arith.constant 0 : index
        %swap3A_472 = tpu.vector_load %arg15[%swap3A_471] {strides = array<i32>} : memref<32xi32, #tpu.memory_space<vmem>>, vector<16xi32>,
        %swap3A_473 = vector.shape_cast %swap3A_472 : vector<16xi32> to vector<16xi32>
        %swap3A_474 = vector.shape_cast %min3A_470 : vector<16xi32> to vector<16xi32>
        tpu.vector_store %arg15[%swap3A_471], %swap3A_474 {strides = array<i32>} : memref<32xi32, #tpu.memory_space<vmem>>, vector<16xi32>,
        %get3A_475 = arith.constant 1 : index
        %get3A_476 = tpu.vector_load %arg15[%get3A_475] {strides = array<i32>} : memref<32xi32, #tpu.memory_space<vmem>>, vector<16xi32>,
        %get3A_477 = vector.shape_cast %get3A_476 : vector<16xi32> to vector<16xi32>
        %min3A_478 = arith.minsi %min3A_470, %get3A_477 : vector<16xi32>
        %slice3A_479 = vector.extract_strided_slice %min3A_478 {offsets = [0], sizes = [1], strides = [1]} : vector<16xi32> to vector<1xi32>
        %squeeze3A_480 = vector.extract %slice3A_479[0] : i32 from vector<1xi32>
        %swap3A_481 = arith.constant 0 : index
        %swap3A_482 = tpu.vector_load %arg14[%swap3A_481] {strides = array<i32>} : memref<32xf32, #tpu.memory_space<vmem>>, vector<16xf32>,
        %swap3A_483 = vector.shape_cast %swap3A_482 : vector<16xf32> to vector<16xf32>
        %swap3A_484 = vector.shape_cast %max3A_446 : vector<16xf32> to vector<16xf32>
        tpu.vector_store %arg14[%swap3A_481], %swap3A_484 {strides = array<i32>} : memref<32xf32, #tpu.memory_space<vmem>>, vector<16xf32>,
        %get3A_485 = arith.constant 8 : index
        %get3A_486 = tpu.vector_load %arg14[%get3A_485] {strides = array<i32>} : memref<32xf32, #tpu.memory_space<vmem>>, vector<16xf32>,
        %get3A_487 = vector.shape_cast %get3A_486 : vector<16xf32> to vector<16xf32>
        %max3A_488 = arith.maximumf %max3A_446, %get3A_487 : vector<16xf32>
        %swap3A_489 = arith.constant 0 : index
        %swap3A_490 = tpu.vector_load %arg14[%swap3A_489] {strides = array<i32>} : memref<32xf32, #tpu.memory_space<vmem>>, vector<16xf32>,
        %swap3A_491 = vector.shape_cast %swap3A_490 : vector<16xf32> to vector<16xf32>
        %swap3A_492 = vector.shape_cast %max3A_488 : vector<16xf32> to vector<16xf32>
        tpu.vector_store %arg14[%swap3A_489], %swap3A_492 {strides = array<i32>} : memref<32xf32, #tpu.memory_space<vmem>>, vector<16xf32>,
        %get3A_493 = arith.constant 4 : index
        %get3A_494 = tpu.vector_load %arg14[%get3A_493] {strides = array<i32>} : memref<32xf32, #tpu.memory_space<vmem>>, vector<16xf32>,
        %get3A_495 = vector.shape_cast %get3A_494 : vector<16xf32> to vector<16xf32>
        %max3A_496 = arith.maximumf %max3A_488, %get3A_495 : vector<16xf32>
        %swap3A_497 = arith.constant 0 : index
        %swap3A_498 = tpu.vector_load %arg14[%swap3A_497] {strides = array<i32>} : memref<32xf32, #tpu.memory_space<vmem>>, vector<16xf32>,
        %swap3A_499 = vector.shape_cast %swap3A_498 : vector<16xf32> to vector<16xf32>
        %swap3A_500 = vector.shape_cast %max3A_496 : vector<16xf32> to vector<16xf32>
        tpu.vector_store %arg14[%swap3A_497], %swap3A_500 {strides = array<i32>} : memref<32xf32, #tpu.memory_space<vmem>>, vector<16xf32>,
        %get3A_501 = arith.constant 2 : index
        %get3A_502 = tpu.vector_load %arg14[%get3A_501] {strides = array<i32>} : memref<32xf32, #tpu.memory_space<vmem>>, vector<16xf32>,
        %get3A_503 = vector.shape_cast %get3A_502 : vector<16xf32> to vector<16xf32>
        %max3A_504 = arith.maximumf %max3A_496, %get3A_503 : vector<16xf32>
        %swap3A_505 = arith.constant 0 : index
        %swap3A_506 = tpu.vector_load %arg14[%swap3A_505] {strides = array<i32>} : memref<32xf32, #tpu.memory_space<vmem>>, vector<16xf32>,
        %swap3A_507 = vector.shape_cast %swap3A_506 : vector<16xf32> to vector<16xf32>
        %swap3A_508 = vector.shape_cast %max3A_504 : vector<16xf32> to vector<16xf32>
        tpu.vector_store %arg14[%swap3A_505], %swap3A_508 {strides = array<i32>} : memref<32xf32, #tpu.memory_space<vmem>>, vector<16xf32>,
        %get3A_509 = arith.constant 1 : index
        %get3A_510 = tpu.vector_load %arg14[%get3A_509] {strides = array<i32>} : memref<32xf32, #tpu.memory_space<vmem>>, vector<16xf32>,
        %get3A_511 = vector.shape_cast %get3A_510 : vector<16xf32> to vector<16xf32>
        %max3A_512 = arith.maximumf %max3A_504, %get3A_511 : vector<16xf32>
        %slice3A_513 = vector.extract_strided_slice %max3A_512 {offsets = [0], sizes = [1], strides = [1]} : vector<16xf32> to vector<1xf32>
        %squeeze3A_514 = vector.extract %slice3A_513[0] : f32 from vector<1xf32>
        %get3A_515 = arith.index_cast %squeeze3A_331 : i32 to index
        %get3A_516 = tpu.vector_load %arg8[%get3A_515] {strides = array<i32>} : memref<144xi32, #tpu.memory_space<vmem>>, vector<16xi32>,
        %get3A_517 = vector.shape_cast %get3A_516 : vector<16xi32> to vector<16xi32>
        %slice3A_518 = vector.extract_strided_slice %get3A_517 {offsets = [0], sizes = [1], strides = [1]} : vector<16xi32> to vector<1xi32>
        %squeeze3A_519 = vector.extract %slice3A_518[0] : i32 from vector<1xi32>
        %mul3A_520 = arith.constant 784 : i32
        %mul3A_521 = arith.muli %add3A_19, %mul3A_520 : i32
        %sub3A = arith.subi %squeeze3A_519, %mul3A_521 : i32
        %mul3A_522 = arith.constant 128 : i32
        %mul3A_523 = arith.muli %sub3A, %mul3A_522 : i32
        %add3A_524 = arith.addi %mul3A_523, %squeeze3A_480 : i32
        %jit3A_525 = arith.constant 16 : i32
        %eq3A_526 = arith.constant 0 : i32
        %eq3A_527 = arith.cmpi eq, %jit3A_525, %eq3A_526 : i32
        %jit3A_528 = arith.constant 1 : i32
        %select_n3A_529 = arith.select %eq3A_527, %jit3A_528, %jit3A_525 : i32
        %rem3A = arith.remsi %scan3A_186, %select_n3A_529 : i32
        %ne3A = arith.constant 0 : i32
        %ne3A_530 = arith.cmpi ne, %rem3A, %ne3A : i32
        %lt3A_531 = arith.constant 0 : i32
        %lt3A_532 = arith.cmpi slt, %rem3A, %lt3A_531 : i32
        %lt3A_533 = arith.constant 0 : i32
        %lt3A_534 = arith.cmpi slt, %select_n3A_529, %lt3A_533 : i32
        %ne3A_535 = arith.xori %lt3A_532, %lt3A_534 : i1
        %and3A = arith.andi %ne3A_535, %ne3A_530 : i1
        %add3A_536 = arith.addi %rem3A, %select_n3A_529 : i32
        %select_n3A_537 = arith.select %and3A, %add3A_536, %rem3A : i32
        %eq3A_538 = vector.broadcast %select_n3A_537 : i32 to vector<16xi32>
        %eq3A_539 = arith.cmpi eq, %iota3A, %eq3A_538 : vector<16xi32>
        %broadcast_in_dim3A_540 = vector.broadcast %squeeze3A : f32 to vector<16xf32>
        %select_n3A_541 = arith.select %eq3A_539, %broadcast_in_dim3A_540, %scan3A_187 : vector<16xi1>, vector<16xf32>
        %jit3A_542 = arith.constant 16 : i32
        %eq3A_543 = arith.constant 0 : i32
        %eq3A_544 = arith.cmpi eq, %jit3A_542, %eq3A_543 : i32
        %jit3A_545 = arith.constant 1 : i32
        %select_n3A_546 = arith.select %eq3A_544, %jit3A_545, %jit3A_542 : i32
        %rem3A_547 = arith.remsi %scan3A_186, %select_n3A_546 : i32
        %ne3A_548 = arith.constant 0 : i32
        %ne3A_549 = arith.cmpi ne, %rem3A_547, %ne3A_548 : i32
        %lt3A_550 = arith.constant 0 : i32
        %lt3A_551 = arith.cmpi slt, %rem3A_547, %lt3A_550 : i32
        %lt3A_552 = arith.constant 0 : i32
        %lt3A_553 = arith.cmpi slt, %select_n3A_546, %lt3A_552 : i32
        %ne3A_554 = arith.xori %lt3A_551, %lt3A_553 : i1
        %and3A_555 = arith.andi %ne3A_554, %ne3A_549 : i1
        %add3A_556 = arith.addi %rem3A_547, %select_n3A_546 : i32
        %select_n3A_557 = arith.select %and3A_555, %add3A_556, %rem3A_547 : i32
        %eq3A_558 = vector.broadcast %select_n3A_557 : i32 to vector<16xi32>
        %eq3A_559 = arith.cmpi eq, %iota3A, %eq3A_558 : vector<16xi32>
        %broadcast_in_dim3A_560 = vector.broadcast %add3A_524 : i32 to vector<16xi32>
        %select_n3A_561 = arith.select %eq3A_559, %broadcast_in_dim3A_560, %scan3A_188 : vector<16xi1>, vector<16xi32>
        %jit3A_562 = arith.constant 16 : i32
        %eq3A_563 = arith.constant 0 : i32
        %eq3A_564 = arith.cmpi eq, %jit3A_562, %eq3A_563 : i32
        %jit3A_565 = arith.constant 1 : i32
        %select_n3A_566 = arith.select %eq3A_564, %jit3A_565, %jit3A_562 : i32
        %rem3A_567 = arith.remsi %scan3A_186, %select_n3A_566 : i32
        %ne3A_568 = arith.constant 0 : i32
        %ne3A_569 = arith.cmpi ne, %rem3A_567, %ne3A_568 : i32
        %lt3A_570 = arith.constant 0 : i32
        %lt3A_571 = arith.cmpi slt, %rem3A_567, %lt3A_570 : i32
        %lt3A_572 = arith.constant 0 : i32
        %lt3A_573 = arith.cmpi slt, %select_n3A_566, %lt3A_572 : i32
        %ne3A_574 = arith.xori %lt3A_571, %lt3A_573 : i1
        %and3A_575 = arith.andi %ne3A_574, %ne3A_569 : i1
        %add3A_576 = arith.addi %rem3A_567, %select_n3A_566 : i32
        %select_n3A_577 = arith.select %and3A_575, %add3A_576, %rem3A_567 : i32
        %eq3A_578 = arith.constant 15 : i32
        %eq3A_579 = arith.cmpi eq, %select_n3A_577, %eq3A_578 : i32
        %convert_element_type3A_580 = arith.extui %eq3A_579 : i1 to i32
        %cond3A_581 = arith.constant 0 : i32
        %cond3A_582 = arith.cmpi ne, %convert_element_type3A_580, %cond3A_581 : i32
        scf.if %cond3A_582 {
          %jit3A_660 = arith.constant 16 : i32
          %div3A_661 = arith.divsi %scan3A_186, %jit3A_660 : i32
          %sign3A_662 = arith.constant 0 : i32
          %sign3A_663 = arith.cmpi sgt, %scan3A_186, %sign3A_662 : i32
          %sign3A_664 = arith.extui %sign3A_663 : i1 to i32
          %sign3A_665 = arith.constant 0 : i32
          %sign3A_666 = arith.cmpi slt, %scan3A_186, %sign3A_665 : i32
          %sign3A_667 = arith.extui %sign3A_666 : i1 to i32
          %sign3A_668 = arith.subi %sign3A_664, %sign3A_667 : i32
          %sign3A_669 = arith.constant 0 : i32
          %sign3A_670 = arith.cmpi sgt, %jit3A_660, %sign3A_669 : i32
          %sign3A_671 = arith.extui %sign3A_670 : i1 to i32
          %sign3A_672 = arith.constant 0 : i32
          %sign3A_673 = arith.cmpi slt, %jit3A_660, %sign3A_672 : i32
          %sign3A_674 = arith.extui %sign3A_673 : i1 to i32
          %sign3A_675 = arith.subi %sign3A_671, %sign3A_674 : i32
          %ne3A_676 = arith.cmpi ne, %sign3A_668, %sign3A_675 : i32
          %rem3A_677 = arith.remsi %scan3A_186, %jit3A_660 : i32
          %ne3A_678 = arith.constant 0 : i32
          %ne3A_679 = arith.cmpi ne, %rem3A_677, %ne3A_678 : i32
          %and3A_680 = arith.andi %ne3A_676, %ne3A_679 : i1
          %sub3A_681 = arith.constant 1 : i32
          %sub3A_682 = arith.subi %div3A_661, %sub3A_681 : i32
          %select_n3A_683 = arith.select %and3A_680, %sub3A_682, %div3A_661 : i32
          %mul3A_684 = arith.constant 16 : i32
          %mul3A_685 = arith.muli %select_n3A_683, %mul3A_684 : i32
          %swap3A_686 = arith.index_cast %mul3A_685 : i32 to index
          %swap3A_687 = tpu.vector_load %arg12[%swap3A_686] {strides = array<i32>} : memref<128xf32, #tpu.memory_space<vmem>>, vector<16xf32>,
          %swap3A_688 = vector.shape_cast %swap3A_687 : vector<16xf32> to vector<16xf32>
          %swap3A_689 = vector.shape_cast %select_n3A_541 : vector<16xf32> to vector<16xf32>
          tpu.vector_store %arg12[%swap3A_686], %swap3A_689 {strides = array<i32>} : memref<128xf32, #tpu.memory_space<vmem>>, vector<16xf32>,
          %jit3A_690 = arith.constant 16 : i32
          %div3A_691 = arith.divsi %scan3A_186, %jit3A_690 : i32
          %sign3A_692 = arith.constant 0 : i32
          %sign3A_693 = arith.cmpi sgt, %scan3A_186, %sign3A_692 : i32
          %sign3A_694 = arith.extui %sign3A_693 : i1 to i32
          %sign3A_695 = arith.constant 0 : i32
          %sign3A_696 = arith.cmpi slt, %scan3A_186, %sign3A_695 : i32
          %sign3A_697 = arith.extui %sign3A_696 : i1 to i32
          %sign3A_698 = arith.subi %sign3A_694, %sign3A_697 : i32
          %sign3A_699 = arith.constant 0 : i32
          %sign3A_700 = arith.cmpi sgt, %jit3A_690, %sign3A_699 : i32
          %sign3A_701 = arith.extui %sign3A_700 : i1 to i32
          %sign3A_702 = arith.constant 0 : i32
          %sign3A_703 = arith.cmpi slt, %jit3A_690, %sign3A_702 : i32
          %sign3A_704 = arith.extui %sign3A_703 : i1 to i32
          %sign3A_705 = arith.subi %sign3A_701, %sign3A_704 : i32
          %ne3A_706 = arith.cmpi ne, %sign3A_698, %sign3A_705 : i32
          %rem3A_707 = arith.remsi %scan3A_186, %jit3A_690 : i32
          %ne3A_708 = arith.constant 0 : i32
          %ne3A_709 = arith.cmpi ne, %rem3A_707, %ne3A_708 : i32
          %and3A_710 = arith.andi %ne3A_706, %ne3A_709 : i1
          %sub3A_711 = arith.constant 1 : i32
          %sub3A_712 = arith.subi %div3A_691, %sub3A_711 : i32
          %select_n3A_713 = arith.select %and3A_710, %sub3A_712, %div3A_691 : i32
          %mul3A_714 = arith.constant 16 : i32
          %mul3A_715 = arith.muli %select_n3A_713, %mul3A_714 : i32
          %swap3A_716 = arith.index_cast %mul3A_715 : i32 to index
          %swap3A_717 = tpu.vector_load %arg13[%swap3A_716] {strides = array<i32>} : memref<128xi32, #tpu.memory_space<vmem>>, vector<16xi32>,
          %swap3A_718 = vector.shape_cast %swap3A_717 : vector<16xi32> to vector<16xi32>
          %swap3A_719 = vector.shape_cast %select_n3A_561 : vector<16xi32> to vector<16xi32>
          tpu.vector_store %arg13[%swap3A_716], %swap3A_719 {strides = array<i32>} : memref<128xi32, #tpu.memory_space<vmem>>, vector<16xi32>,
        } else {
        }
        %jit3A_583 = arith.constant 16 : i32
        %div3A = arith.divsi %squeeze3A_480, %jit3A_583 : i32
        %sign3A = arith.constant 0 : i32
        %sign3A_584 = arith.cmpi sgt, %squeeze3A_480, %sign3A : i32
        %sign3A_585 = arith.extui %sign3A_584 : i1 to i32
        %sign3A_586 = arith.constant 0 : i32
        %sign3A_587 = arith.cmpi slt, %squeeze3A_480, %sign3A_586 : i32
        %sign3A_588 = arith.extui %sign3A_587 : i1 to i32
        %sign3A_589 = arith.subi %sign3A_585, %sign3A_588 : i32
        %sign3A_590 = arith.constant 0 : i32
        %sign3A_591 = arith.cmpi sgt, %jit3A_583, %sign3A_590 : i32
        %sign3A_592 = arith.extui %sign3A_591 : i1 to i32
        %sign3A_593 = arith.constant 0 : i32
        %sign3A_594 = arith.cmpi slt, %jit3A_583, %sign3A_593 : i32
        %sign3A_595 = arith.extui %sign3A_594 : i1 to i32
        %sign3A_596 = arith.subi %sign3A_592, %sign3A_595 : i32
        %ne3A_597 = arith.cmpi ne, %sign3A_589, %sign3A_596 : i32
        %rem3A_598 = arith.remsi %squeeze3A_480, %jit3A_583 : i32
        %ne3A_599 = arith.constant 0 : i32
        %ne3A_600 = arith.cmpi ne, %rem3A_598, %ne3A_599 : i32
        %and3A_601 = arith.andi %ne3A_597, %ne3A_600 : i1
        %sub3A_602 = arith.constant 1 : i32
        %sub3A_603 = arith.subi %div3A, %sub3A_602 : i32
        %select_n3A_604 = arith.select %and3A_601, %sub3A_603, %div3A : i32
        %mul3A_605 = arith.constant 16 : i32
        %mul3A_606 = arith.muli %select_n3A_604, %mul3A_605 : i32
        %get3A_607 = arith.index_cast %squeeze3A_331 : i32 to index
        %get3A_608 = arith.index_cast %mul3A_606 : i32 to index
        %get3A_609 = tpu.vector_load %arg10[%get3A_607, %get3A_608] {strides = array<i32>} : memref<128x128xf32, #tpu.memory_space<vmem>>, vector<1x16xf32>,
        %get3A_610 = vector.shape_cast %get3A_609 : vector<1x16xf32> to vector<16xf32>
        %sub3A_611 = arith.subi %squeeze3A_480, %mul3A_606 : i32
        %eq3A_612 = vector.broadcast %sub3A_611 : i32 to vector<16xi32>
        %eq3A_613 = arith.cmpi eq, %iota3A, %eq3A_612 : vector<16xi32>
        %jit3A_614 = arith.constant -3.000000e+38 : f32
        %broadcast_in_dim3A_615 = vector.broadcast %jit3A_614 : f32 to vector<16xf32>
        %select_n3A_616 = arith.select %eq3A_613, %broadcast_in_dim3A_615, %get3A_610 : vector<16xi1>, vector<16xf32>
        %swap3A_617 = arith.index_cast %squeeze3A_331 : i32 to index
        %swap3A_618 = arith.index_cast %mul3A_606 : i32 to index
        %swap3A_619 = tpu.vector_load %arg10[%swap3A_617, %swap3A_618] {strides = array<i32>} : memref<128x128xf32, #tpu.memory_space<vmem>>, vector<1x16xf32>,
        %swap3A_620 = vector.shape_cast %swap3A_619 : vector<1x16xf32> to vector<16xf32>
        %swap3A_621 = vector.shape_cast %select_n3A_616 : vector<16xf32> to vector<1x16xf32>
        tpu.vector_store %arg10[%swap3A_617, %swap3A_618], %swap3A_621 {strides = array<i32>} : memref<128x128xf32, #tpu.memory_space<vmem>>, vector<1x16xf32>,
        %jit3A_622 = arith.constant 16 : i32
        %div3A_623 = arith.divsi %squeeze3A_331, %jit3A_622 : i32
        %sign3A_624 = arith.constant 0 : i32
        %sign3A_625 = arith.cmpi sgt, %squeeze3A_331, %sign3A_624 : i32
        %sign3A_626 = arith.extui %sign3A_625 : i1 to i32
        %sign3A_627 = arith.constant 0 : i32
        %sign3A_628 = arith.cmpi slt, %squeeze3A_331, %sign3A_627 : i32
        %sign3A_629 = arith.extui %sign3A_628 : i1 to i32
        %sign3A_630 = arith.subi %sign3A_626, %sign3A_629 : i32
        %sign3A_631 = arith.constant 0 : i32
        %sign3A_632 = arith.cmpi sgt, %jit3A_622, %sign3A_631 : i32
        %sign3A_633 = arith.extui %sign3A_632 : i1 to i32
        %sign3A_634 = arith.constant 0 : i32
        %sign3A_635 = arith.cmpi slt, %jit3A_622, %sign3A_634 : i32
        %sign3A_636 = arith.extui %sign3A_635 : i1 to i32
        %sign3A_637 = arith.subi %sign3A_633, %sign3A_636 : i32
        %ne3A_638 = arith.cmpi ne, %sign3A_630, %sign3A_637 : i32
        %rem3A_639 = arith.remsi %squeeze3A_331, %jit3A_622 : i32
        %ne3A_640 = arith.constant 0 : i32
        %ne3A_641 = arith.cmpi ne, %rem3A_639, %ne3A_640 : i32
        %and3A_642 = arith.andi %ne3A_638, %ne3A_641 : i1
        %sub3A_643 = arith.constant 1 : i32
        %sub3A_644 = arith.subi %div3A_623, %sub3A_643 : i32
        %select_n3A_645 = arith.select %and3A_642, %sub3A_644, %div3A_623 : i32
        %mul3A_646 = arith.constant 16 : i32
        %mul3A_647 = arith.muli %select_n3A_645, %mul3A_646 : i32
        %get3A_648 = arith.index_cast %mul3A_647 : i32 to index
        %get3A_649 = tpu.vector_load %arg11[%get3A_648] {strides = array<i32>} : memref<128xf32, #tpu.memory_space<vmem>>, vector<16xf32>,
        %get3A_650 = vector.shape_cast %get3A_649 : vector<16xf32> to vector<16xf32>
        %sub3A_651 = arith.subi %squeeze3A_331, %mul3A_647 : i32
        %eq3A_652 = vector.broadcast %sub3A_651 : i32 to vector<16xi32>
        %eq3A_653 = arith.cmpi eq, %iota3A, %eq3A_652 : vector<16xi32>
        %broadcast_in_dim3A_654 = vector.broadcast %squeeze3A_514 : f32 to vector<16xf32>
        %select_n3A_655 = arith.select %eq3A_653, %broadcast_in_dim3A_654, %get3A_650 : vector<16xi1>, vector<16xf32>
        %swap3A_656 = arith.index_cast %mul3A_647 : i32 to index
        %swap3A_657 = tpu.vector_load %arg11[%swap3A_656] {strides = array<i32>} : memref<128xf32, #tpu.memory_space<vmem>>, vector<16xf32>,
        %swap3A_658 = vector.shape_cast %swap3A_657 : vector<16xf32> to vector<16xf32>
        %swap3A_659 = vector.shape_cast %select_n3A_655 : vector<16xf32> to vector<16xf32>
        tpu.vector_store %arg11[%swap3A_656], %swap3A_659 {strides = array<i32>} : memref<128xf32, #tpu.memory_space<vmem>>, vector<16xf32>,
        scf.yield %select_n3A_541, %select_n3A_561 : vector<16xf32>, vector<16xi32>
      }
      %scan3A_180 = arith.constant 128 : i32
      %mul3A_181 = arith.constant 128 : i32
      %mul3A_182 = arith.muli %add3A_19, %mul3A_181 : i32
      "tpu.region"() ({
        %run_scoped3A = tpu.sem_alloc : memref<!tpu.dma_semaphore, #tpu.memory_space<semaphore_mem>>
        %dma_start3A_186 = tpu.memref_slice %arg4[%mul3A_182] : memref<262144xf32, #tpu.memory_space<hbm>> -> memref<128xf32, #tpu.memory_space<hbm>>
        %dma_start3A_187 = tpu.memref_slice %arg4[%mul3A_182] : memref<262144xf32, #tpu.memory_space<hbm>> -> memref<128xf32, #tpu.memory_space<hbm>>
        tpu.enqueue_dma source(%arg12 : memref<128xf32, #tpu.memory_space<vmem>>) target(%dma_start3A_187 : memref<128xf32, #tpu.memory_space<hbm>>) target_semaphore(%run_scoped3A : memref<!tpu.dma_semaphore, #tpu.memory_space<semaphore_mem>>)
        %dma_wait3A_188 = tpu.memref_slice %arg4[%mul3A_182] : memref<262144xf32, #tpu.memory_space<hbm>> -> memref<128xf32, #tpu.memory_space<hbm>>
        %dma_wait3A_189 = tpu.memref_slice %arg4[%mul3A_182] : memref<262144xf32, #tpu.memory_space<hbm>> -> memref<128xf32, #tpu.memory_space<hbm>>
        tpu.wait_dma2 semaphore(%run_scoped3A : memref<!tpu.dma_semaphore, #tpu.memory_space<semaphore_mem>>) src(%arg12 : memref<128xf32, #tpu.memory_space<vmem>>) dst(%dma_wait3A_189 : memref<128xf32, #tpu.memory_space<hbm>>)
        tpu.yield
      }) : () -> ()
      %mul3A_183 = arith.constant 128 : i32
      %mul3A_184 = arith.muli %add3A_19, %mul3A_183 : i32
      "tpu.region"() ({
        %run_scoped3A = tpu.sem_alloc : memref<!tpu.dma_semaphore, #tpu.memory_space<semaphore_mem>>
        %dma_start3A_186 = tpu.memref_slice %arg5[%mul3A_184] : memref<262144xi32, #tpu.memory_space<hbm>> -> memref<128xi32, #tpu.memory_space<hbm>>
        %dma_start3A_187 = tpu.memref_slice %arg5[%mul3A_184] : memref<262144xi32, #tpu.memory_space<hbm>> -> memref<128xi32, #tpu.memory_space<hbm>>
        tpu.enqueue_dma source(%arg13 : memref<128xi32, #tpu.memory_space<vmem>>) target(%dma_start3A_187 : memref<128xi32, #tpu.memory_space<hbm>>) target_semaphore(%run_scoped3A : memref<!tpu.dma_semaphore, #tpu.memory_space<semaphore_mem>>)
        %dma_wait3A_188 = tpu.memref_slice %arg5[%mul3A_184] : memref<262144xi32, #tpu.memory_space<hbm>> -> memref<128xi32, #tpu.memory_space<hbm>>
        %dma_wait3A_189 = tpu.memref_slice %arg5[%mul3A_184] : memref<262144xi32, #tpu.memory_space<hbm>> -> memref<128xi32, #tpu.memory_space<hbm>>
        tpu.wait_dma2 semaphore(%run_scoped3A : memref<!tpu.dma_semaphore, #tpu.memory_space<semaphore_mem>>) src(%arg13 : memref<128xi32, #tpu.memory_space<vmem>>) dst(%dma_wait3A_189 : memref<128xi32, #tpu.memory_space<hbm>>)
        tpu.yield
      }) : () -> ()
      %scan3A_185 = arith.constant 0 : i32
      scf.yield %scan3A_185 : i32
    }
    %scan3A_12 = arith.constant 32 : i32
    return
  }
}

#map = affine_map<(d0, d1) -> (0, 0)>
#map1 = affine_map<(d0, d1) -> (0)>
module attributes {stable_mosaic.version = 14 : i64} {
  func.func @gk(%arg0: i32, %arg1: i32, %arg2: memref<100000x1024xf32, #tpu.memory_space<hbm>>, %arg3: memref<262144xi32, #tpu.memory_space<hbm>>, %arg4: memref<262144x1024xf32, #tpu.memory_space<hbm>>, %arg5: memref<32xi32, #tpu.memory_space<vmem>>, %arg6: memref<32xi32, #tpu.memory_space<vmem>>, %arg7: memref<32x1024xf32, #tpu.memory_space<vmem>>, %arg8: memref<32x1024xf32, #tpu.memory_space<vmem>>, %arg9: memref<!tpu.dma_semaphore, #tpu.memory_space<semaphore_mem>>, %arg10: memref<!tpu.dma_semaphore, #tpu.memory_space<semaphore_mem>>) attributes {dimension_semantics = [#tpu.dimension_semantics<core_parallel>, #tpu.dimension_semantics<subcore_parallel>], iteration_bounds = array<i64: 2, 16>, scalar_prefetch = 0 : i64, scratch_operands = 6 : i64, tpu.core_type = #tpu.core_type<sc_vector_subcore>, window_params = [{transform_indices = #map}, {transform_indices = #map1}, {transform_indices = #map}]} {
    %mul3A = arith.constant 2 : i32
    %mul3A_0 = arith.muli %arg1, %mul3A : i32
    %add3A = arith.addi %mul3A_0, %arg0 : i32
    %mul3A_1 = arith.constant 8192 : i32
    %mul3A_2 = arith.muli %add3A, %mul3A_1 : i32
    "tpu.region"() ({
      %run_scoped3A = tpu.sem_alloc : memref<!tpu.dma_semaphore, #tpu.memory_space<semaphore_mem>>
      %dma_start3A_11 = tpu.memref_slice %arg3[%mul3A_2] : memref<262144xi32, #tpu.memory_space<hbm>> -> memref<32xi32, #tpu.memory_space<hbm>>
      %dma_start3A_12 = tpu.memref_slice %arg3[%mul3A_2] : memref<262144xi32, #tpu.memory_space<hbm>> -> memref<32xi32, #tpu.memory_space<hbm>>
      tpu.enqueue_dma source(%dma_start3A_12 : memref<32xi32, #tpu.memory_space<hbm>>) target(%arg5 : memref<32xi32, #tpu.memory_space<vmem>>) target_semaphore(%run_scoped3A : memref<!tpu.dma_semaphore, #tpu.memory_space<semaphore_mem>>)
      %dma_wait3A = tpu.memref_slice %arg3[%mul3A_2] : memref<262144xi32, #tpu.memory_space<hbm>> -> memref<32xi32, #tpu.memory_space<hbm>>
      %dma_wait3A_13 = tpu.memref_slice %arg3[%mul3A_2] : memref<262144xi32, #tpu.memory_space<hbm>> -> memref<32xi32, #tpu.memory_space<hbm>>
      tpu.wait_dma2 semaphore(%run_scoped3A : memref<!tpu.dma_semaphore, #tpu.memory_space<semaphore_mem>>) src(%dma_wait3A_13 : memref<32xi32, #tpu.memory_space<hbm>>) dst(%arg5 : memref<32xi32, #tpu.memory_space<vmem>>)
      tpu.yield
    }) : () -> ()
    %dma_start3A = arith.constant 0 : i32
    %dma_start3A_3 = arith.constant 0 : i32
    %dma_start3A_4 = tpu.memref_slice %arg2[%dma_start3A, %dma_start3A_3] : memref<100000x1024xf32, #tpu.memory_space<hbm>> -> memref<100000x1024xf32, #tpu.memory_space<hbm>>
    tpu.enqueue_indirect_dma source(%dma_start3A_4 : memref<100000x1024xf32, #tpu.memory_space<hbm>>) target(%arg7 : memref<32x1024xf32, #tpu.memory_space<vmem>>) offsets(%arg5 : memref<32xi32, #tpu.memory_space<vmem>>) semaphore(%arg9 : memref<!tpu.dma_semaphore, #tpu.memory_space<semaphore_mem>>)
    %scan3A = arith.constant 0 : i32
    %scan3A_5 = arith.constant 0 : i32
    %scan3A_6 = arith.constant 128 : i32
    %scan3A_7 = arith.addi %scan3A_5, %scan3A_6 : i32
    %scan3A_8 = arith.constant 1 : i32
    %scan3A_9 = scf.for %scan3A_11 = %scan3A_5 to %scan3A_7 step %scan3A_8 iter_args(%scan3A_12 = %scan3A) -> (i32)  : i32 {
      %mul3A_13 = arith.constant 2 : i32
      %mul3A_14 = arith.muli %mul3A_13, %scan3A_11 : i32
      %mul3A_15 = arith.constant 32 : i32
      %mul3A_16 = arith.muli %mul3A_14, %mul3A_15 : i32
      %add3A_17 = arith.addi %mul3A_2, %mul3A_16 : i32
      %add3A_18 = arith.constant 32 : i32
      %add3A_19 = arith.addi %add3A_17, %add3A_18 : i32
      "tpu.region"() ({
        %run_scoped3A = tpu.sem_alloc : memref<!tpu.dma_semaphore, #tpu.memory_space<semaphore_mem>>
        %dma_start3A_31 = tpu.memref_slice %arg3[%add3A_19] : memref<262144xi32, #tpu.memory_space<hbm>> -> memref<32xi32, #tpu.memory_space<hbm>>
        %dma_start3A_32 = tpu.memref_slice %arg3[%add3A_19] : memref<262144xi32, #tpu.memory_space<hbm>> -> memref<32xi32, #tpu.memory_space<hbm>>
        tpu.enqueue_dma source(%dma_start3A_32 : memref<32xi32, #tpu.memory_space<hbm>>) target(%arg6 : memref<32xi32, #tpu.memory_space<vmem>>) target_semaphore(%run_scoped3A : memref<!tpu.dma_semaphore, #tpu.memory_space<semaphore_mem>>)
        %dma_wait3A_33 = tpu.memref_slice %arg3[%add3A_19] : memref<262144xi32, #tpu.memory_space<hbm>> -> memref<32xi32, #tpu.memory_space<hbm>>
        %dma_wait3A_34 = tpu.memref_slice %arg3[%add3A_19] : memref<262144xi32, #tpu.memory_space<hbm>> -> memref<32xi32, #tpu.memory_space<hbm>>
        tpu.wait_dma2 semaphore(%run_scoped3A : memref<!tpu.dma_semaphore, #tpu.memory_space<semaphore_mem>>) src(%dma_wait3A_34 : memref<32xi32, #tpu.memory_space<hbm>>) dst(%arg6 : memref<32xi32, #tpu.memory_space<vmem>>)
        tpu.yield
      }) : () -> ()
      %dma_start3A_20 = arith.constant 0 : i32
      %dma_start3A_21 = arith.constant 0 : i32
      %dma_start3A_22 = tpu.memref_slice %arg2[%dma_start3A_20, %dma_start3A_21] : memref<100000x1024xf32, #tpu.memory_space<hbm>> -> memref<100000x1024xf32, #tpu.memory_space<hbm>>
      tpu.enqueue_indirect_dma source(%dma_start3A_22 : memref<100000x1024xf32, #tpu.memory_space<hbm>>) target(%arg8 : memref<32x1024xf32, #tpu.memory_space<vmem>>) offsets(%arg6 : memref<32xi32, #tpu.memory_space<vmem>>) semaphore(%arg10 : memref<!tpu.dma_semaphore, #tpu.memory_space<semaphore_mem>>)
      %dma_wait3A = arith.constant 0 : i32
      %dma_wait3A_23 = arith.constant 0 : i32
      %dma_wait3A_24 = tpu.memref_slice %arg2[%dma_wait3A, %dma_wait3A_23] : memref<100000x1024xf32, #tpu.memory_space<hbm>> -> memref<100000x1024xf32, #tpu.memory_space<hbm>>
      tpu.wait_indirect_dma semaphore(%arg9 : memref<!tpu.dma_semaphore, #tpu.memory_space<semaphore_mem>>) src(%dma_wait3A_24 : memref<100000x1024xf32, #tpu.memory_space<hbm>>) dst(%arg7 : memref<32x1024xf32, #tpu.memory_space<vmem>>)
      "tpu.region"() ({
        %run_scoped3A = tpu.sem_alloc : memref<!tpu.dma_semaphore, #tpu.memory_space<semaphore_mem>>
        %dma_start3A_31 = arith.constant 0 : i32
        %dma_start3A_32 = tpu.memref_slice %arg4[%add3A_17, %dma_start3A_31] : memref<262144x1024xf32, #tpu.memory_space<hbm>> -> memref<32x1024xf32, #tpu.memory_space<hbm>>
        %dma_start3A_33 = arith.constant 0 : i32
        %dma_start3A_34 = tpu.memref_slice %arg4[%add3A_17, %dma_start3A_33] : memref<262144x1024xf32, #tpu.memory_space<hbm>> -> memref<32x1024xf32, #tpu.memory_space<hbm>>
        tpu.enqueue_dma source(%arg7 : memref<32x1024xf32, #tpu.memory_space<vmem>>) target(%dma_start3A_34 : memref<32x1024xf32, #tpu.memory_space<hbm>>) target_semaphore(%run_scoped3A : memref<!tpu.dma_semaphore, #tpu.memory_space<semaphore_mem>>)
        %dma_wait3A_35 = arith.constant 0 : i32
        %dma_wait3A_36 = tpu.memref_slice %arg4[%add3A_17, %dma_wait3A_35] : memref<262144x1024xf32, #tpu.memory_space<hbm>> -> memref<32x1024xf32, #tpu.memory_space<hbm>>
        %dma_wait3A_37 = arith.constant 0 : i32
        %dma_wait3A_38 = tpu.memref_slice %arg4[%add3A_17, %dma_wait3A_37] : memref<262144x1024xf32, #tpu.memory_space<hbm>> -> memref<32x1024xf32, #tpu.memory_space<hbm>>
        tpu.wait_dma2 semaphore(%run_scoped3A : memref<!tpu.dma_semaphore, #tpu.memory_space<semaphore_mem>>) src(%arg7 : memref<32x1024xf32, #tpu.memory_space<vmem>>) dst(%dma_wait3A_38 : memref<32x1024xf32, #tpu.memory_space<hbm>>)
        tpu.yield
      }) : () -> ()
      %lt3A = arith.constant 127 : i32
      %lt3A_25 = arith.cmpi slt, %scan3A_11, %lt3A : i32
      %convert_element_type3A = arith.extui %lt3A_25 : i1 to i32
      %cond3A = arith.constant 0 : i32
      %cond3A_26 = arith.cmpi ne, %convert_element_type3A, %cond3A : i32
      scf.if %cond3A_26 {
        %add3A_31 = arith.constant 32 : i32
        %add3A_32 = arith.addi %add3A_19, %add3A_31 : i32
        "tpu.region"() ({
          %run_scoped3A = tpu.sem_alloc : memref<!tpu.dma_semaphore, #tpu.memory_space<semaphore_mem>>
          %dma_start3A_36 = tpu.memref_slice %arg3[%add3A_32] : memref<262144xi32, #tpu.memory_space<hbm>> -> memref<32xi32, #tpu.memory_space<hbm>>
          %dma_start3A_37 = tpu.memref_slice %arg3[%add3A_32] : memref<262144xi32, #tpu.memory_space<hbm>> -> memref<32xi32, #tpu.memory_space<hbm>>
          tpu.enqueue_dma source(%dma_start3A_37 : memref<32xi32, #tpu.memory_space<hbm>>) target(%arg5 : memref<32xi32, #tpu.memory_space<vmem>>) target_semaphore(%run_scoped3A : memref<!tpu.dma_semaphore, #tpu.memory_space<semaphore_mem>>)
          %dma_wait3A_38 = tpu.memref_slice %arg3[%add3A_32] : memref<262144xi32, #tpu.memory_space<hbm>> -> memref<32xi32, #tpu.memory_space<hbm>>
          %dma_wait3A_39 = tpu.memref_slice %arg3[%add3A_32] : memref<262144xi32, #tpu.memory_space<hbm>> -> memref<32xi32, #tpu.memory_space<hbm>>
          tpu.wait_dma2 semaphore(%run_scoped3A : memref<!tpu.dma_semaphore, #tpu.memory_space<semaphore_mem>>) src(%dma_wait3A_39 : memref<32xi32, #tpu.memory_space<hbm>>) dst(%arg5 : memref<32xi32, #tpu.memory_space<vmem>>)
          tpu.yield
        }) : () -> ()
        %dma_start3A_33 = arith.constant 0 : i32
        %dma_start3A_34 = arith.constant 0 : i32
        %dma_start3A_35 = tpu.memref_slice %arg2[%dma_start3A_33, %dma_start3A_34] : memref<100000x1024xf32, #tpu.memory_space<hbm>> -> memref<100000x1024xf32, #tpu.memory_space<hbm>>
        tpu.enqueue_indirect_dma source(%dma_start3A_35 : memref<100000x1024xf32, #tpu.memory_space<hbm>>) target(%arg7 : memref<32x1024xf32, #tpu.memory_space<vmem>>) offsets(%arg5 : memref<32xi32, #tpu.memory_space<vmem>>) semaphore(%arg9 : memref<!tpu.dma_semaphore, #tpu.memory_space<semaphore_mem>>)
      } else {
      }
      %dma_wait3A_27 = arith.constant 0 : i32
      %dma_wait3A_28 = arith.constant 0 : i32
      %dma_wait3A_29 = tpu.memref_slice %arg2[%dma_wait3A_27, %dma_wait3A_28] : memref<100000x1024xf32, #tpu.memory_space<hbm>> -> memref<100000x1024xf32, #tpu.memory_space<hbm>>
      tpu.wait_indirect_dma semaphore(%arg10 : memref<!tpu.dma_semaphore, #tpu.memory_space<semaphore_mem>>) src(%dma_wait3A_29 : memref<100000x1024xf32, #tpu.memory_space<hbm>>) dst(%arg8 : memref<32x1024xf32, #tpu.memory_space<vmem>>)
      "tpu.region"() ({
        %run_scoped3A = tpu.sem_alloc : memref<!tpu.dma_semaphore, #tpu.memory_space<semaphore_mem>>
        %dma_start3A_31 = arith.constant 0 : i32
        %dma_start3A_32 = tpu.memref_slice %arg4[%add3A_19, %dma_start3A_31] : memref<262144x1024xf32, #tpu.memory_space<hbm>> -> memref<32x1024xf32, #tpu.memory_space<hbm>>
        %dma_start3A_33 = arith.constant 0 : i32
        %dma_start3A_34 = tpu.memref_slice %arg4[%add3A_19, %dma_start3A_33] : memref<262144x1024xf32, #tpu.memory_space<hbm>> -> memref<32x1024xf32, #tpu.memory_space<hbm>>
        tpu.enqueue_dma source(%arg8 : memref<32x1024xf32, #tpu.memory_space<vmem>>) target(%dma_start3A_34 : memref<32x1024xf32, #tpu.memory_space<hbm>>) target_semaphore(%run_scoped3A : memref<!tpu.dma_semaphore, #tpu.memory_space<semaphore_mem>>)
        %dma_wait3A_35 = arith.constant 0 : i32
        %dma_wait3A_36 = tpu.memref_slice %arg4[%add3A_19, %dma_wait3A_35] : memref<262144x1024xf32, #tpu.memory_space<hbm>> -> memref<32x1024xf32, #tpu.memory_space<hbm>>
        %dma_wait3A_37 = arith.constant 0 : i32
        %dma_wait3A_38 = tpu.memref_slice %arg4[%add3A_19, %dma_wait3A_37] : memref<262144x1024xf32, #tpu.memory_space<hbm>> -> memref<32x1024xf32, #tpu.memory_space<hbm>>
        tpu.wait_dma2 semaphore(%run_scoped3A : memref<!tpu.dma_semaphore, #tpu.memory_space<semaphore_mem>>) src(%arg8 : memref<32x1024xf32, #tpu.memory_space<vmem>>) dst(%dma_wait3A_38 : memref<32x1024xf32, #tpu.memory_space<hbm>>)
        tpu.yield
      }) : () -> ()
      %scan3A_30 = arith.constant 0 : i32
      scf.yield %scan3A_30 : i32
    }
    %scan3A_10 = arith.constant 128 : i32
    return
  }
}

module attributes {stable_mosaic.version = 14 : i64} {
  func.func @_router_kernel(%arg0: i32, %arg1: memref<256x1024xf32, #tpu.memory_space<vmem>>, %arg2: memref<1024x128xf32, #tpu.memory_space<vmem>>, %arg3: memref<1x128xf32, #tpu.memory_space<vmem>>, %arg4: memref<128x1xf32, #tpu.memory_space<vmem>>, %arg5: memref<1x1xf32, #tpu.memory_space<vmem>>, %arg6: memref<1024x256xf32, #tpu.memory_space<vmem>>, %arg7: memref<1x256xf32, #tpu.memory_space<vmem>>, %arg8: memref<256x256xf32, #tpu.memory_space<vmem>>, %arg9: memref<256x1xf32, #tpu.memory_space<vmem>>) attributes {dimension_semantics = [#tpu.dimension_semantics<arbitrary>], iteration_bounds = array<i64: 8>, scalar_prefetch = 0 : i64, scratch_operands = 0 : i64, tpu.core_type = #tpu.core_type<tc>, window_params = [{transform_indices = @transform_0, window_bounds = array<i64: 256, 1024>}, {pipeline_mode = #tpu.pipeline_mode<synchronous>, transform_indices = @transform_1, window_bounds = array<i64: 1024, 128>}, {pipeline_mode = #tpu.pipeline_mode<synchronous>, transform_indices = @transform_2, window_bounds = array<i64: 1, 128>}, {pipeline_mode = #tpu.pipeline_mode<synchronous>, transform_indices = @transform_3, window_bounds = array<i64: 128, 1>}, {pipeline_mode = #tpu.pipeline_mode<synchronous>, transform_indices = @transform_4, window_bounds = array<i64: 1, 1>}, {pipeline_mode = #tpu.pipeline_mode<synchronous>, transform_indices = @transform_5, window_bounds = array<i64: 1024, 256>}, {pipeline_mode = #tpu.pipeline_mode<synchronous>, transform_indices = @transform_6, window_bounds = array<i64: 1, 256>}, {transform_indices = @transform_7, window_bounds = array<i64: 256, 256>}, {transform_indices = @transform_8, window_bounds = array<i64: 256, 1>}]} {
    %get3A = arith.constant 0 : index
    %get3A_0 = arith.constant 0 : index
    %get3A_1 = vector.load %arg1[%get3A, %get3A_0] : memref<256x1024xf32, #tpu.memory_space<vmem>>, vector<256x1024xf32>
    %get3A_2 = arith.constant 0 : index
    %get3A_3 = arith.constant 0 : index
    %get3A_4 = vector.load %arg2[%get3A_2, %get3A_3] : memref<1024x128xf32, #tpu.memory_space<vmem>>, vector<1024x128xf32>
    %dot_general3A = arith.constant dense<0.000000e+00> : vector<256x128xf32>
    %dot_general3A_5 = tpu.matmul %get3A_1, %get3A_4, %dot_general3A {dimension_numbers = #tpu.dot_dimension_numbers<[1], [0], [0], [1], [0, 0, 1, 1], [], []>, transpose_lhs_hint = false} : vector<256x1024xf32>, vector<1024x128xf32>, vector<256x128xf32> -> vector<256x128xf32>
    %get3A_6 = arith.constant 0 : index
    %get3A_7 = arith.constant 0 : index
    %get3A_8 = vector.load %arg3[%get3A_6, %get3A_7] : memref<1x128xf32, #tpu.memory_space<vmem>>, vector<1x128xf32>
    %add3A = vector.broadcast %get3A_8 : vector<1x128xf32> to vector<256x128xf32>
    %add3A_9 = arith.addf %dot_general3A_5, %add3A : vector<256x128xf32>
    %max3A = arith.constant 0.000000e+00 : f32
    %max3A_10 = vector.broadcast %max3A : f32 to vector<256x128xf32>
    %max3A_11 = arith.maximumf %add3A_9, %max3A_10 : vector<256x128xf32>
    %get3A_12 = arith.constant 0 : index
    %get3A_13 = arith.constant 0 : index
    %get3A_14 = vector.load %arg4[%get3A_12, %get3A_13] : memref<128x1xf32, #tpu.memory_space<vmem>>, vector<128x1xf32>
    %dot_general3A_15 = arith.constant dense<0.000000e+00> : vector<256x1xf32>
    %dot_general3A_16 = tpu.matmul %max3A_11, %get3A_14, %dot_general3A_15 {dimension_numbers = #tpu.dot_dimension_numbers<[1], [0], [0], [1], [0, 0, 1, 1], [], []>, transpose_lhs_hint = false} : vector<256x128xf32>, vector<128x1xf32>, vector<256x1xf32> -> vector<256x1xf32>
    %get3A_17 = arith.constant 0 : index
    %get3A_18 = arith.constant 0 : index
    %get3A_19 = vector.load %arg5[%get3A_17, %get3A_18] : memref<1x1xf32, #tpu.memory_space<vmem>>, vector<1x1xf32>
    %add3A_20 = vector.broadcast %get3A_19 : vector<1x1xf32> to vector<256x1xf32>
    %add3A_21 = arith.addf %dot_general3A_16, %add3A_20 : vector<256x1xf32>
    %logistic3A = arith.negf %add3A_21 : vector<256x1xf32>
    %logistic3A_22 = math.exp %logistic3A : vector<256x1xf32>
    %logistic3A_23 = arith.constant 1.000000e+00 : f32
    %logistic3A_24 = vector.broadcast %logistic3A_23 : f32 to vector<256x1xf32>
    %logistic3A_25 = arith.addf %logistic3A_24, %logistic3A_22 : vector<256x1xf32>
    %logistic3A_26 = arith.divf %logistic3A_24, %logistic3A_25 : vector<256x1xf32>
    %mul3A = arith.mulf %logistic3A_26, %logistic3A_26 : vector<256x1xf32>
    %mul3A_27 = arith.constant 9.600000e+01 : f32
    %mul3A_28 = vector.broadcast %mul3A_27 : f32 to vector<256x1xf32>
    %mul3A_29 = arith.mulf %mul3A_28, %mul3A : vector<256x1xf32>
    %add3A_30 = arith.constant 3.200000e+01 : f32
    %add3A_31 = vector.broadcast %add3A_30 : f32 to vector<256x1xf32>
    %add3A_32 = arith.addf %add3A_31, %mul3A_29 : vector<256x1xf32>
    %jit3A = arith.constant 32 : i32
    %jit3A_33 = arith.constant 128 : i32
    %convert_element_type3A = arith.sitofp %jit3A : i32 to f32
    %max3A_34 = vector.broadcast %convert_element_type3A : f32 to vector<256x1xf32>
    %max3A_35 = arith.maximumf %max3A_34, %add3A_32 : vector<256x1xf32>
    %convert_element_type3A_36 = arith.sitofp %jit3A_33 : i32 to f32
    %min3A = vector.broadcast %convert_element_type3A_36 : f32 to vector<256x1xf32>
    %min3A_37 = arith.minimumf %min3A, %max3A_35 : vector<256x1xf32>
    %round3A = math.roundeven %min3A_37 : vector<256x1xf32>
    %swap3A = arith.constant 0 : index
    %swap3A_38 = arith.constant 0 : index
    %swap3A_39 = vector.load %arg9[%swap3A, %swap3A_38] : memref<256x1xf32, #tpu.memory_space<vmem>>, vector<256x1xf32>
    tpu.vector_store %arg9[%swap3A, %swap3A_38], %round3A {strides = array<i32>} : memref<256x1xf32, #tpu.memory_space<vmem>>, vector<256x1xf32>,
    %get3A_40 = arith.constant 0 : index
    %get3A_41 = arith.constant 0 : index
    %get3A_42 = vector.load %arg6[%get3A_40, %get3A_41] : memref<1024x256xf32, #tpu.memory_space<vmem>>, vector<1024x256xf32>
    %dot_general3A_43 = arith.constant dense<0.000000e+00> : vector<256x256xf32>
    %dot_general3A_44 = tpu.matmul %get3A_1, %get3A_42, %dot_general3A_43 {dimension_numbers = #tpu.dot_dimension_numbers<[1], [0], [0], [1], [0, 0, 1, 1], [], []>, transpose_lhs_hint = false} : vector<256x1024xf32>, vector<1024x256xf32>, vector<256x256xf32> -> vector<256x256xf32>
    %get3A_45 = arith.constant 0 : index
    %get3A_46 = arith.constant 0 : index
    %get3A_47 = vector.load %arg7[%get3A_45, %get3A_46] : memref<1x256xf32, #tpu.memory_space<vmem>>, vector<1x256xf32>
    %add3A_48 = vector.broadcast %get3A_47 : vector<1x256xf32> to vector<256x256xf32>
    %add3A_49 = arith.addf %dot_general3A_44, %add3A_48 : vector<256x256xf32>
    %max3A_50 = arith.constant 0.000000e+00 : f32
    %max3A_51 = vector.broadcast %max3A_50 : f32 to vector<256x256xf32>
    %max3A_52 = arith.maximumf %add3A_49, %max3A_51 : vector<256x256xf32>
    %swap3A_53 = arith.constant 0 : index
    %swap3A_54 = arith.constant 0 : index
    %swap3A_55 = vector.load %arg8[%swap3A_53, %swap3A_54] : memref<256x256xf32, #tpu.memory_space<vmem>>, vector<256x256xf32>
    tpu.vector_store %arg8[%swap3A_53, %swap3A_54], %max3A_52 {strides = array<i32>} : memref<256x256xf32, #tpu.memory_space<vmem>>, vector<256x256xf32>,
    return
  }
  func.func @transform_0(%arg0: i32) -> (i32, i32) {
    %c0_i32 = arith.constant 0 : i32
    %c0_i32_0 = arith.constant 0 : i32
    return %arg0, %c0_i32 : i32, i32
  }
  func.func @transform_1(%arg0: i32) -> (i32, i32) {
    %c0_i32 = arith.constant 0 : i32
    %c0_i32_0 = arith.constant 0 : i32
    %c0_i32_1 = arith.constant 0 : i32
    return %c0_i32, %c0_i32_0 : i32, i32
  }
  func.func @transform_2(%arg0: i32) -> (i32, i32) {
    %c0_i32 = arith.constant 0 : i32
    %c0_i32_0 = arith.constant 0 : i32
    %c0_i32_1 = arith.constant 0 : i32
    return %c0_i32, %c0_i32_0 : i32, i32
  }
  func.func @transform_3(%arg0: i32) -> (i32, i32) {
    %c0_i32 = arith.constant 0 : i32
    %c0_i32_0 = arith.constant 0 : i32
    %c0_i32_1 = arith.constant 0 : i32
    return %c0_i32, %c0_i32_0 : i32, i32
  }
  func.func @transform_4(%arg0: i32) -> (i32, i32) {
    %c0_i32 = arith.constant 0 : i32
    %c0_i32_0 = arith.constant 0 : i32
    %c0_i32_1 = arith.constant 0 : i32
    return %c0_i32, %c0_i32_0 : i32, i32
  }
  func.func @transform_5(%arg0: i32) -> (i32, i32) {
    %c0_i32 = arith.constant 0 : i32
    %c0_i32_0 = arith.constant 0 : i32
    %c0_i32_1 = arith.constant 0 : i32
    return %c0_i32, %c0_i32_0 : i32, i32
  }
  func.func @transform_6(%arg0: i32) -> (i32, i32) {
    %c0_i32 = arith.constant 0 : i32
    %c0_i32_0 = arith.constant 0 : i32
    %c0_i32_1 = arith.constant 0 : i32
    return %c0_i32, %c0_i32_0 : i32, i32
  }
  func.func @transform_7(%arg0: i32) -> (i32, i32) {
    %c0_i32 = arith.constant 0 : i32
    %c0_i32_0 = arith.constant 0 : i32
    return %arg0, %c0_i32 : i32, i32
  }
  func.func @transform_8(%arg0: i32) -> (i32, i32) {
    %c0_i32 = arith.constant 0 : i32
    %c0_i32_0 = arith.constant 0 : i32
    return %arg0, %c0_i32 : i32, i32
  }
}

module attributes {stable_mosaic.version = 14 : i64} {
  func.func @_scores_kernel(%arg0: i32, %arg1: i32, %arg2: memref<256x256xf32, #tpu.memory_space<vmem>>, %arg3: memref<256x2048xf32, #tpu.memory_space<vmem>>, %arg4: memref<1x2048xf32, #tpu.memory_space<vmem>>, %arg5: memref<256x2048xf32, #tpu.memory_space<vmem>>, %arg6: memref<1x256x16xf32, #tpu.memory_space<vmem>>) attributes {dimension_semantics = [#tpu.dimension_semantics<arbitrary>, #tpu.dimension_semantics<arbitrary>], iteration_bounds = array<i64: 8, 49>, scalar_prefetch = 0 : i64, scratch_operands = 0 : i64, tpu.core_type = #tpu.core_type<tc>, window_params = [{transform_indices = @transform_0, window_bounds = array<i64: 256, 256>}, {transform_indices = @transform_1, window_bounds = array<i64: 256, 2048>}, {transform_indices = @transform_2, window_bounds = array<i64: 1, 2048>}, {transform_indices = @transform_3, window_bounds = array<i64: 256, 2048>}, {transform_indices = @transform_4, window_bounds = array<i64: 1, 256, 16>}]} {
    %get3A = arith.constant 0 : index
    %get3A_0 = arith.constant 0 : index
    %get3A_1 = vector.load %arg2[%get3A, %get3A_0] : memref<256x256xf32, #tpu.memory_space<vmem>>, vector<256x256xf32>
    %get3A_2 = arith.constant 0 : index
    %get3A_3 = arith.constant 0 : index
    %get3A_4 = vector.load %arg3[%get3A_2, %get3A_3] : memref<256x2048xf32, #tpu.memory_space<vmem>>, vector<256x2048xf32>
    %dot_general3A = arith.constant dense<0.000000e+00> : vector<256x2048xf32>
    %dot_general3A_5 = tpu.matmul %get3A_1, %get3A_4, %dot_general3A {dimension_numbers = #tpu.dot_dimension_numbers<[1], [0], [0], [1], [0, 0, 1, 1], [], []>, transpose_lhs_hint = false} : vector<256x256xf32>, vector<256x2048xf32>, vector<256x2048xf32> -> vector<256x2048xf32>
    %get3A_6 = arith.constant 0 : index
    %get3A_7 = arith.constant 0 : index
    %get3A_8 = vector.load %arg4[%get3A_6, %get3A_7] : memref<1x2048xf32, #tpu.memory_space<vmem>>, vector<1x2048xf32>
    %add3A = vector.broadcast %get3A_8 : vector<1x2048xf32> to vector<256x2048xf32>
    %add3A_9 = arith.addf %dot_general3A_5, %add3A : vector<256x2048xf32>
    %swap3A = arith.constant 0 : index
    %swap3A_10 = arith.constant 0 : index
    %swap3A_11 = vector.load %arg5[%swap3A, %swap3A_10] : memref<256x2048xf32, #tpu.memory_space<vmem>>, vector<256x2048xf32>
    tpu.vector_store %arg5[%swap3A, %swap3A_10], %add3A_9 {strides = array<i32>} : memref<256x2048xf32, #tpu.memory_space<vmem>>, vector<256x2048xf32>,
    %slice3A = vector.extract_strided_slice %add3A_9 {offsets = [0, 0], sizes = [256, 128], strides = [1, 1]} : vector<256x2048xf32> to vector<256x128xf32>
    %reduce_max3A = arith.constant dense<0xFF800000> : vector<256xf32>
    %reduce_max3A_12 = vector.multi_reduction <maximumf>, %slice3A, %reduce_max3A [1] : vector<256x128xf32> to vector<256xf32>
    %broadcast_in_dim3A = vector.shape_cast %reduce_max3A_12 : vector<256xf32> to vector<256x1xf32>
    %broadcast_in_dim3A_13 = vector.shape_cast %broadcast_in_dim3A : vector<256x1xf32> to vector<1x256x1xf32>
    %swap3A_14 = arith.constant 0 : index
    %swap3A_15 = arith.constant 0 : index
    %swap3A_16 = arith.constant 0 : index
    %swap3A_17 = vector.load %arg6[%swap3A_14, %swap3A_15, %swap3A_16] : memref<1x256x16xf32, #tpu.memory_space<vmem>>, vector<1x256x1xf32>
    tpu.vector_store %arg6[%swap3A_14, %swap3A_15, %swap3A_16], %broadcast_in_dim3A_13 {strides = array<i32>} : memref<1x256x16xf32, #tpu.memory_space<vmem>>, vector<1x256x1xf32>,
    %slice3A_18 = vector.extract_strided_slice %add3A_9 {offsets = [0, 128], sizes = [256, 128], strides = [1, 1]} : vector<256x2048xf32> to vector<256x128xf32>
    %reduce_max3A_19 = arith.constant dense<0xFF800000> : vector<256xf32>
    %reduce_max3A_20 = vector.multi_reduction <maximumf>, %slice3A_18, %reduce_max3A_19 [1] : vector<256x128xf32> to vector<256xf32>
    %broadcast_in_dim3A_21 = vector.shape_cast %reduce_max3A_20 : vector<256xf32> to vector<256x1xf32>
    %broadcast_in_dim3A_22 = vector.shape_cast %broadcast_in_dim3A_21 : vector<256x1xf32> to vector<1x256x1xf32>
    %swap3A_23 = arith.constant 0 : index
    %swap3A_24 = arith.constant 0 : index
    %swap3A_25 = arith.constant 1 : index
    %swap3A_26 = vector.load %arg6[%swap3A_23, %swap3A_24, %swap3A_25] : memref<1x256x16xf32, #tpu.memory_space<vmem>>, vector<1x256x1xf32>
    tpu.vector_store %arg6[%swap3A_23, %swap3A_24, %swap3A_25], %broadcast_in_dim3A_22 {strides = array<i32>} : memref<1x256x16xf32, #tpu.memory_space<vmem>>, vector<1x256x1xf32>,
    %slice3A_27 = vector.extract_strided_slice %add3A_9 {offsets = [0, 256], sizes = [256, 128], strides = [1, 1]} : vector<256x2048xf32> to vector<256x128xf32>
    %reduce_max3A_28 = arith.constant dense<0xFF800000> : vector<256xf32>
    %reduce_max3A_29 = vector.multi_reduction <maximumf>, %slice3A_27, %reduce_max3A_28 [1] : vector<256x128xf32> to vector<256xf32>
    %broadcast_in_dim3A_30 = vector.shape_cast %reduce_max3A_29 : vector<256xf32> to vector<256x1xf32>
    %broadcast_in_dim3A_31 = vector.shape_cast %broadcast_in_dim3A_30 : vector<256x1xf32> to vector<1x256x1xf32>
    %swap3A_32 = arith.constant 0 : index
    %swap3A_33 = arith.constant 0 : index
    %swap3A_34 = arith.constant 2 : index
    %swap3A_35 = vector.load %arg6[%swap3A_32, %swap3A_33, %swap3A_34] : memref<1x256x16xf32, #tpu.memory_space<vmem>>, vector<1x256x1xf32>
    tpu.vector_store %arg6[%swap3A_32, %swap3A_33, %swap3A_34], %broadcast_in_dim3A_31 {strides = array<i32>} : memref<1x256x16xf32, #tpu.memory_space<vmem>>, vector<1x256x1xf32>,
    %slice3A_36 = vector.extract_strided_slice %add3A_9 {offsets = [0, 384], sizes = [256, 128], strides = [1, 1]} : vector<256x2048xf32> to vector<256x128xf32>
    %reduce_max3A_37 = arith.constant dense<0xFF800000> : vector<256xf32>
    %reduce_max3A_38 = vector.multi_reduction <maximumf>, %slice3A_36, %reduce_max3A_37 [1] : vector<256x128xf32> to vector<256xf32>
    %broadcast_in_dim3A_39 = vector.shape_cast %reduce_max3A_38 : vector<256xf32> to vector<256x1xf32>
    %broadcast_in_dim3A_40 = vector.shape_cast %broadcast_in_dim3A_39 : vector<256x1xf32> to vector<1x256x1xf32>
    %swap3A_41 = arith.constant 0 : index
    %swap3A_42 = arith.constant 0 : index
    %swap3A_43 = arith.constant 3 : index
    %swap3A_44 = vector.load %arg6[%swap3A_41, %swap3A_42, %swap3A_43] : memref<1x256x16xf32, #tpu.memory_space<vmem>>, vector<1x256x1xf32>
    tpu.vector_store %arg6[%swap3A_41, %swap3A_42, %swap3A_43], %broadcast_in_dim3A_40 {strides = array<i32>} : memref<1x256x16xf32, #tpu.memory_space<vmem>>, vector<1x256x1xf32>,
    %slice3A_45 = vector.extract_strided_slice %add3A_9 {offsets = [0, 512], sizes = [256, 128], strides = [1, 1]} : vector<256x2048xf32> to vector<256x128xf32>
    %reduce_max3A_46 = arith.constant dense<0xFF800000> : vector<256xf32>
    %reduce_max3A_47 = vector.multi_reduction <maximumf>, %slice3A_45, %reduce_max3A_46 [1] : vector<256x128xf32> to vector<256xf32>
    %broadcast_in_dim3A_48 = vector.shape_cast %reduce_max3A_47 : vector<256xf32> to vector<256x1xf32>
    %broadcast_in_dim3A_49 = vector.shape_cast %broadcast_in_dim3A_48 : vector<256x1xf32> to vector<1x256x1xf32>
    %swap3A_50 = arith.constant 0 : index
    %swap3A_51 = arith.constant 0 : index
    %swap3A_52 = arith.constant 4 : index
    %swap3A_53 = vector.load %arg6[%swap3A_50, %swap3A_51, %swap3A_52] : memref<1x256x16xf32, #tpu.memory_space<vmem>>, vector<1x256x1xf32>
    tpu.vector_store %arg6[%swap3A_50, %swap3A_51, %swap3A_52], %broadcast_in_dim3A_49 {strides = array<i32>} : memref<1x256x16xf32, #tpu.memory_space<vmem>>, vector<1x256x1xf32>,
    %slice3A_54 = vector.extract_strided_slice %add3A_9 {offsets = [0, 640], sizes = [256, 128], strides = [1, 1]} : vector<256x2048xf32> to vector<256x128xf32>
    %reduce_max3A_55 = arith.constant dense<0xFF800000> : vector<256xf32>
    %reduce_max3A_56 = vector.multi_reduction <maximumf>, %slice3A_54, %reduce_max3A_55 [1] : vector<256x128xf32> to vector<256xf32>
    %broadcast_in_dim3A_57 = vector.shape_cast %reduce_max3A_56 : vector<256xf32> to vector<256x1xf32>
    %broadcast_in_dim3A_58 = vector.shape_cast %broadcast_in_dim3A_57 : vector<256x1xf32> to vector<1x256x1xf32>
    %swap3A_59 = arith.constant 0 : index
    %swap3A_60 = arith.constant 0 : index
    %swap3A_61 = arith.constant 5 : index
    %swap3A_62 = vector.load %arg6[%swap3A_59, %swap3A_60, %swap3A_61] : memref<1x256x16xf32, #tpu.memory_space<vmem>>, vector<1x256x1xf32>
    tpu.vector_store %arg6[%swap3A_59, %swap3A_60, %swap3A_61], %broadcast_in_dim3A_58 {strides = array<i32>} : memref<1x256x16xf32, #tpu.memory_space<vmem>>, vector<1x256x1xf32>,
    %slice3A_63 = vector.extract_strided_slice %add3A_9 {offsets = [0, 768], sizes = [256, 128], strides = [1, 1]} : vector<256x2048xf32> to vector<256x128xf32>
    %reduce_max3A_64 = arith.constant dense<0xFF800000> : vector<256xf32>
    %reduce_max3A_65 = vector.multi_reduction <maximumf>, %slice3A_63, %reduce_max3A_64 [1] : vector<256x128xf32> to vector<256xf32>
    %broadcast_in_dim3A_66 = vector.shape_cast %reduce_max3A_65 : vector<256xf32> to vector<256x1xf32>
    %broadcast_in_dim3A_67 = vector.shape_cast %broadcast_in_dim3A_66 : vector<256x1xf32> to vector<1x256x1xf32>
    %swap3A_68 = arith.constant 0 : index
    %swap3A_69 = arith.constant 0 : index
    %swap3A_70 = arith.constant 6 : index
    %swap3A_71 = vector.load %arg6[%swap3A_68, %swap3A_69, %swap3A_70] : memref<1x256x16xf32, #tpu.memory_space<vmem>>, vector<1x256x1xf32>
    tpu.vector_store %arg6[%swap3A_68, %swap3A_69, %swap3A_70], %broadcast_in_dim3A_67 {strides = array<i32>} : memref<1x256x16xf32, #tpu.memory_space<vmem>>, vector<1x256x1xf32>,
    %slice3A_72 = vector.extract_strided_slice %add3A_9 {offsets = [0, 896], sizes = [256, 128], strides = [1, 1]} : vector<256x2048xf32> to vector<256x128xf32>
    %reduce_max3A_73 = arith.constant dense<0xFF800000> : vector<256xf32>
    %reduce_max3A_74 = vector.multi_reduction <maximumf>, %slice3A_72, %reduce_max3A_73 [1] : vector<256x128xf32> to vector<256xf32>
    %broadcast_in_dim3A_75 = vector.shape_cast %reduce_max3A_74 : vector<256xf32> to vector<256x1xf32>
    %broadcast_in_dim3A_76 = vector.shape_cast %broadcast_in_dim3A_75 : vector<256x1xf32> to vector<1x256x1xf32>
    %swap3A_77 = arith.constant 0 : index
    %swap3A_78 = arith.constant 0 : index
    %swap3A_79 = arith.constant 7 : index
    %swap3A_80 = vector.load %arg6[%swap3A_77, %swap3A_78, %swap3A_79] : memref<1x256x16xf32, #tpu.memory_space<vmem>>, vector<1x256x1xf32>
    tpu.vector_store %arg6[%swap3A_77, %swap3A_78, %swap3A_79], %broadcast_in_dim3A_76 {strides = array<i32>} : memref<1x256x16xf32, #tpu.memory_space<vmem>>, vector<1x256x1xf32>,
    %slice3A_81 = vector.extract_strided_slice %add3A_9 {offsets = [0, 1024], sizes = [256, 128], strides = [1, 1]} : vector<256x2048xf32> to vector<256x128xf32>
    %reduce_max3A_82 = arith.constant dense<0xFF800000> : vector<256xf32>
    %reduce_max3A_83 = vector.multi_reduction <maximumf>, %slice3A_81, %reduce_max3A_82 [1] : vector<256x128xf32> to vector<256xf32>
    %broadcast_in_dim3A_84 = vector.shape_cast %reduce_max3A_83 : vector<256xf32> to vector<256x1xf32>
    %broadcast_in_dim3A_85 = vector.shape_cast %broadcast_in_dim3A_84 : vector<256x1xf32> to vector<1x256x1xf32>
    %swap3A_86 = arith.constant 0 : index
    %swap3A_87 = arith.constant 0 : index
    %swap3A_88 = arith.constant 8 : index
    %swap3A_89 = vector.load %arg6[%swap3A_86, %swap3A_87, %swap3A_88] : memref<1x256x16xf32, #tpu.memory_space<vmem>>, vector<1x256x1xf32>
    tpu.vector_store %arg6[%swap3A_86, %swap3A_87, %swap3A_88], %broadcast_in_dim3A_85 {strides = array<i32>} : memref<1x256x16xf32, #tpu.memory_space<vmem>>, vector<1x256x1xf32>,
    %slice3A_90 = vector.extract_strided_slice %add3A_9 {offsets = [0, 1152], sizes = [256, 128], strides = [1, 1]} : vector<256x2048xf32> to vector<256x128xf32>
    %reduce_max3A_91 = arith.constant dense<0xFF800000> : vector<256xf32>
    %reduce_max3A_92 = vector.multi_reduction <maximumf>, %slice3A_90, %reduce_max3A_91 [1] : vector<256x128xf32> to vector<256xf32>
    %broadcast_in_dim3A_93 = vector.shape_cast %reduce_max3A_92 : vector<256xf32> to vector<256x1xf32>
    %broadcast_in_dim3A_94 = vector.shape_cast %broadcast_in_dim3A_93 : vector<256x1xf32> to vector<1x256x1xf32>
    %swap3A_95 = arith.constant 0 : index
    %swap3A_96 = arith.constant 0 : index
    %swap3A_97 = arith.constant 9 : index
    %swap3A_98 = vector.load %arg6[%swap3A_95, %swap3A_96, %swap3A_97] : memref<1x256x16xf32, #tpu.memory_space<vmem>>, vector<1x256x1xf32>
    tpu.vector_store %arg6[%swap3A_95, %swap3A_96, %swap3A_97], %broadcast_in_dim3A_94 {strides = array<i32>} : memref<1x256x16xf32, #tpu.memory_space<vmem>>, vector<1x256x1xf32>,
    %slice3A_99 = vector.extract_strided_slice %add3A_9 {offsets = [0, 1280], sizes = [256, 128], strides = [1, 1]} : vector<256x2048xf32> to vector<256x128xf32>
    %reduce_max3A_100 = arith.constant dense<0xFF800000> : vector<256xf32>
    %reduce_max3A_101 = vector.multi_reduction <maximumf>, %slice3A_99, %reduce_max3A_100 [1] : vector<256x128xf32> to vector<256xf32>
    %broadcast_in_dim3A_102 = vector.shape_cast %reduce_max3A_101 : vector<256xf32> to vector<256x1xf32>
    %broadcast_in_dim3A_103 = vector.shape_cast %broadcast_in_dim3A_102 : vector<256x1xf32> to vector<1x256x1xf32>
    %swap3A_104 = arith.constant 0 : index
    %swap3A_105 = arith.constant 0 : index
    %swap3A_106 = arith.constant 10 : index
    %swap3A_107 = vector.load %arg6[%swap3A_104, %swap3A_105, %swap3A_106] : memref<1x256x16xf32, #tpu.memory_space<vmem>>, vector<1x256x1xf32>
    tpu.vector_store %arg6[%swap3A_104, %swap3A_105, %swap3A_106], %broadcast_in_dim3A_103 {strides = array<i32>} : memref<1x256x16xf32, #tpu.memory_space<vmem>>, vector<1x256x1xf32>,
    %slice3A_108 = vector.extract_strided_slice %add3A_9 {offsets = [0, 1408], sizes = [256, 128], strides = [1, 1]} : vector<256x2048xf32> to vector<256x128xf32>
    %reduce_max3A_109 = arith.constant dense<0xFF800000> : vector<256xf32>
    %reduce_max3A_110 = vector.multi_reduction <maximumf>, %slice3A_108, %reduce_max3A_109 [1] : vector<256x128xf32> to vector<256xf32>
    %broadcast_in_dim3A_111 = vector.shape_cast %reduce_max3A_110 : vector<256xf32> to vector<256x1xf32>
    %broadcast_in_dim3A_112 = vector.shape_cast %broadcast_in_dim3A_111 : vector<256x1xf32> to vector<1x256x1xf32>
    %swap3A_113 = arith.constant 0 : index
    %swap3A_114 = arith.constant 0 : index
    %swap3A_115 = arith.constant 11 : index
    %swap3A_116 = vector.load %arg6[%swap3A_113, %swap3A_114, %swap3A_115] : memref<1x256x16xf32, #tpu.memory_space<vmem>>, vector<1x256x1xf32>
    tpu.vector_store %arg6[%swap3A_113, %swap3A_114, %swap3A_115], %broadcast_in_dim3A_112 {strides = array<i32>} : memref<1x256x16xf32, #tpu.memory_space<vmem>>, vector<1x256x1xf32>,
    %slice3A_117 = vector.extract_strided_slice %add3A_9 {offsets = [0, 1536], sizes = [256, 128], strides = [1, 1]} : vector<256x2048xf32> to vector<256x128xf32>
    %reduce_max3A_118 = arith.constant dense<0xFF800000> : vector<256xf32>
    %reduce_max3A_119 = vector.multi_reduction <maximumf>, %slice3A_117, %reduce_max3A_118 [1] : vector<256x128xf32> to vector<256xf32>
    %broadcast_in_dim3A_120 = vector.shape_cast %reduce_max3A_119 : vector<256xf32> to vector<256x1xf32>
    %broadcast_in_dim3A_121 = vector.shape_cast %broadcast_in_dim3A_120 : vector<256x1xf32> to vector<1x256x1xf32>
    %swap3A_122 = arith.constant 0 : index
    %swap3A_123 = arith.constant 0 : index
    %swap3A_124 = arith.constant 12 : index
    %swap3A_125 = vector.load %arg6[%swap3A_122, %swap3A_123, %swap3A_124] : memref<1x256x16xf32, #tpu.memory_space<vmem>>, vector<1x256x1xf32>
    tpu.vector_store %arg6[%swap3A_122, %swap3A_123, %swap3A_124], %broadcast_in_dim3A_121 {strides = array<i32>} : memref<1x256x16xf32, #tpu.memory_space<vmem>>, vector<1x256x1xf32>,
    %slice3A_126 = vector.extract_strided_slice %add3A_9 {offsets = [0, 1664], sizes = [256, 128], strides = [1, 1]} : vector<256x2048xf32> to vector<256x128xf32>
    %reduce_max3A_127 = arith.constant dense<0xFF800000> : vector<256xf32>
    %reduce_max3A_128 = vector.multi_reduction <maximumf>, %slice3A_126, %reduce_max3A_127 [1] : vector<256x128xf32> to vector<256xf32>
    %broadcast_in_dim3A_129 = vector.shape_cast %reduce_max3A_128 : vector<256xf32> to vector<256x1xf32>
    %broadcast_in_dim3A_130 = vector.shape_cast %broadcast_in_dim3A_129 : vector<256x1xf32> to vector<1x256x1xf32>
    %swap3A_131 = arith.constant 0 : index
    %swap3A_132 = arith.constant 0 : index
    %swap3A_133 = arith.constant 13 : index
    %swap3A_134 = vector.load %arg6[%swap3A_131, %swap3A_132, %swap3A_133] : memref<1x256x16xf32, #tpu.memory_space<vmem>>, vector<1x256x1xf32>
    tpu.vector_store %arg6[%swap3A_131, %swap3A_132, %swap3A_133], %broadcast_in_dim3A_130 {strides = array<i32>} : memref<1x256x16xf32, #tpu.memory_space<vmem>>, vector<1x256x1xf32>,
    %slice3A_135 = vector.extract_strided_slice %add3A_9 {offsets = [0, 1792], sizes = [256, 128], strides = [1, 1]} : vector<256x2048xf32> to vector<256x128xf32>
    %reduce_max3A_136 = arith.constant dense<0xFF800000> : vector<256xf32>
    %reduce_max3A_137 = vector.multi_reduction <maximumf>, %slice3A_135, %reduce_max3A_136 [1] : vector<256x128xf32> to vector<256xf32>
    %broadcast_in_dim3A_138 = vector.shape_cast %reduce_max3A_137 : vector<256xf32> to vector<256x1xf32>
    %broadcast_in_dim3A_139 = vector.shape_cast %broadcast_in_dim3A_138 : vector<256x1xf32> to vector<1x256x1xf32>
    %swap3A_140 = arith.constant 0 : index
    %swap3A_141 = arith.constant 0 : index
    %swap3A_142 = arith.constant 14 : index
    %swap3A_143 = vector.load %arg6[%swap3A_140, %swap3A_141, %swap3A_142] : memref<1x256x16xf32, #tpu.memory_space<vmem>>, vector<1x256x1xf32>
    tpu.vector_store %arg6[%swap3A_140, %swap3A_141, %swap3A_142], %broadcast_in_dim3A_139 {strides = array<i32>} : memref<1x256x16xf32, #tpu.memory_space<vmem>>, vector<1x256x1xf32>,
    %slice3A_144 = vector.extract_strided_slice %add3A_9 {offsets = [0, 1920], sizes = [256, 128], strides = [1, 1]} : vector<256x2048xf32> to vector<256x128xf32>
    %reduce_max3A_145 = arith.constant dense<0xFF800000> : vector<256xf32>
    %reduce_max3A_146 = vector.multi_reduction <maximumf>, %slice3A_144, %reduce_max3A_145 [1] : vector<256x128xf32> to vector<256xf32>
    %broadcast_in_dim3A_147 = vector.shape_cast %reduce_max3A_146 : vector<256xf32> to vector<256x1xf32>
    %broadcast_in_dim3A_148 = vector.shape_cast %broadcast_in_dim3A_147 : vector<256x1xf32> to vector<1x256x1xf32>
    %swap3A_149 = arith.constant 0 : index
    %swap3A_150 = arith.constant 0 : index
    %swap3A_151 = arith.constant 15 : index
    %swap3A_152 = vector.load %arg6[%swap3A_149, %swap3A_150, %swap3A_151] : memref<1x256x16xf32, #tpu.memory_space<vmem>>, vector<1x256x1xf32>
    tpu.vector_store %arg6[%swap3A_149, %swap3A_150, %swap3A_151], %broadcast_in_dim3A_148 {strides = array<i32>} : memref<1x256x16xf32, #tpu.memory_space<vmem>>, vector<1x256x1xf32>,
    return
  }
  func.func @transform_0(%arg0: i32, %arg1: i32) -> (i32, i32) {
    %c0_i32 = arith.constant 0 : i32
    %c0_i32_0 = arith.constant 0 : i32
    return %arg0, %c0_i32 : i32, i32
  }
  func.func @transform_1(%arg0: i32, %arg1: i32) -> (i32, i32) {
    %c0_i32 = arith.constant 0 : i32
    %c0_i32_0 = arith.constant 0 : i32
    return %c0_i32, %arg1 : i32, i32
  }
  func.func @transform_2(%arg0: i32, %arg1: i32) -> (i32, i32) {
    %c0_i32 = arith.constant 0 : i32
    %c0_i32_0 = arith.constant 0 : i32
    return %c0_i32, %arg1 : i32, i32
  }
  func.func @transform_3(%arg0: i32, %arg1: i32) -> (i32, i32) {
    %c0_i32 = arith.constant 0 : i32
    return %arg0, %arg1 : i32, i32
  }
  func.func @transform_4(%arg0: i32, %arg1: i32) -> (i32, i32, i32) {
    %c0_i32 = arith.constant 0 : i32
    %c0_i32_0 = arith.constant 0 : i32
    return %arg1, %arg0, %c0_i32 : i32, i32, i32
  }
}

module attributes {stable_mosaic.version = 14 : i64} {
  func.func @_topblocks_kernel(%arg0: i32, %arg1: memref<256x784xf32, #tpu.memory_space<vmem>>, %arg2: memref<256x128xi32, #tpu.memory_space<vmem>>, %arg3: memref<256x784xf32, #tpu.memory_space<vmem>>) attributes {dimension_semantics = [#tpu.dimension_semantics<arbitrary>], iteration_bounds = array<i64: 8>, scalar_prefetch = 0 : i64, scratch_operands = 1 : i64, tpu.core_type = #tpu.core_type<tc>, window_params = [{transform_indices = @transform_0, window_bounds = array<i64: 256, 784>}, {transform_indices = @transform_1, window_bounds = array<i64: 256, 128>}]} {
    %get3A = arith.constant 0 : index
    %get3A_0 = arith.constant 0 : index
    %get3A_1 = vector.load %arg1[%get3A, %get3A_0] : memref<256x784xf32, #tpu.memory_space<vmem>>, vector<256x784xf32>
    %swap3A = arith.constant 0 : index
    %swap3A_2 = arith.constant 0 : index
    %swap3A_3 = vector.load %arg3[%swap3A, %swap3A_2] : memref<256x784xf32, #tpu.memory_space<vmem>>, vector<256x784xf32>
    tpu.vector_store %arg3[%swap3A, %swap3A_2], %get3A_1 {strides = array<i32>} : memref<256x784xf32, #tpu.memory_space<vmem>>, vector<256x784xf32>,
    %iota3A = tpu.iota {dimensions = array<i32: 1>} : vector<256x784xi32>
    %iota3A_4 = tpu.iota {dimensions = array<i32: 1>} : vector<256x128xi32>
    %mul3A = arith.constant 256 : i32
    %mul3A_5 = arith.muli %arg0, %mul3A : i32
    %iota3A_6 = tpu.iota {dimensions = array<i32: 0>} : vector<256x1xi32>
    %add3A = vector.broadcast %mul3A_5 : i32 to vector<256x1xi32>
    %add3A_7 = arith.addi %add3A, %iota3A_6 : vector<256x1xi32>
    %mul3A_8 = arith.constant 784 : i32
    %mul3A_9 = vector.broadcast %mul3A_8 : i32 to vector<256x1xi32>
    %mul3A_10 = arith.muli %add3A_7, %mul3A_9 : vector<256x1xi32>
    %broadcast_in_dim3A = arith.constant 0 : i32
    %broadcast_in_dim3A_11 = vector.broadcast %broadcast_in_dim3A : i32 to vector<256x128xi32>
    %scan3A = arith.constant 0 : i32
    %scan3A_12 = arith.constant 128 : i32
    %scan3A_13 = arith.addi %scan3A, %scan3A_12 : i32
    %scan3A_14 = arith.constant 1 : i32
    %scan3A_15 = scf.for %scan3A_20 = %scan3A to %scan3A_13 step %scan3A_14 iter_args(%scan3A_21 = %broadcast_in_dim3A_11) -> (vector<256x128xi32>)  : i32 {
      %get3A_22 = arith.constant 0 : index
      %get3A_23 = arith.constant 0 : index
      %get3A_24 = vector.load %arg3[%get3A_22, %get3A_23] : memref<256x784xf32, #tpu.memory_space<vmem>>, vector<256x784xf32>
      %reduce_max3A = arith.constant dense<0xFF800000> : vector<256xf32>
      %reduce_max3A_25 = vector.multi_reduction <maximumf>, %get3A_24, %reduce_max3A [1] : vector<256x784xf32> to vector<256xf32>
      %broadcast_in_dim3A_26 = vector.shape_cast %reduce_max3A_25 : vector<256xf32> to vector<256x1xf32>
      %ge3A = vector.broadcast %broadcast_in_dim3A_26 : vector<256x1xf32> to vector<256x784xf32>
      %ge3A_27 = arith.cmpf oge, %get3A_24, %ge3A : vector<256x784xf32>
      %jit3A = arith.constant 784 : i32
      %broadcast_in_dim3A_28 = vector.broadcast %jit3A : i32 to vector<256x784xi32>
      %select_n3A = arith.select %ge3A_27, %iota3A, %broadcast_in_dim3A_28 : vector<256x784xi1>, vector<256x784xi32>
      %reduce_min3A = arith.constant dense<2147483647> : vector<256xi32>
      %reduce_min3A_29 = vector.multi_reduction <minsi>, %select_n3A, %reduce_min3A [1] : vector<256x784xi32> to vector<256xi32>
      %broadcast_in_dim3A_30 = vector.shape_cast %reduce_min3A_29 : vector<256xi32> to vector<256x1xi32>
      %eq3A = vector.broadcast %broadcast_in_dim3A_30 : vector<256x1xi32> to vector<256x784xi32>
      %eq3A_31 = arith.cmpi eq, %iota3A, %eq3A : vector<256x784xi32>
      %jit3A_32 = arith.constant -3.000000e+38 : f32
      %broadcast_in_dim3A_33 = vector.broadcast %jit3A_32 : f32 to vector<256x784xf32>
      %select_n3A_34 = arith.select %eq3A_31, %broadcast_in_dim3A_33, %get3A_24 : vector<256x784xi1>, vector<256x784xf32>
      %swap3A_35 = arith.constant 0 : index
      %swap3A_36 = arith.constant 0 : index
      %swap3A_37 = vector.load %arg3[%swap3A_35, %swap3A_36] : memref<256x784xf32, #tpu.memory_space<vmem>>, vector<256x784xf32>
      tpu.vector_store %arg3[%swap3A_35, %swap3A_36], %select_n3A_34 {strides = array<i32>} : memref<256x784xf32, #tpu.memory_space<vmem>>, vector<256x784xf32>,
      %eq3A_38 = vector.broadcast %scan3A_20 : i32 to vector<256x128xi32>
      %eq3A_39 = arith.cmpi eq, %iota3A_4, %eq3A_38 : vector<256x128xi32>
      %add3A_40 = arith.addi %broadcast_in_dim3A_30, %mul3A_10 : vector<256x1xi32>
      %jit3A_41 = arith.constant 0 : i32
      %broadcast_in_dim3A_42 = vector.shape_cast %add3A_40 : vector<256x1xi32> to vector<256x1xi32>
      %broadcast_in_dim3A_43 = vector.broadcast %broadcast_in_dim3A_42 : vector<256x1xi32> to vector<256x128xi32>
      %broadcast_in_dim3A_44 = vector.broadcast %jit3A_41 : i32 to vector<256x128xi32>
      %select_n3A_45 = arith.select %eq3A_39, %broadcast_in_dim3A_43, %broadcast_in_dim3A_44 : vector<256x128xi1>, vector<256x128xi32>
      %add3A_46 = arith.addi %scan3A_21, %select_n3A_45 : vector<256x128xi32>
      scf.yield %add3A_46 : vector<256x128xi32>
    }
    %scan3A_16 = arith.constant 128 : i32
    %swap3A_17 = arith.constant 0 : index
    %swap3A_18 = arith.constant 0 : index
    %swap3A_19 = vector.load %arg2[%swap3A_17, %swap3A_18] : memref<256x128xi32, #tpu.memory_space<vmem>>, vector<256x128xi32>
    tpu.vector_store %arg2[%swap3A_17, %swap3A_18], %scan3A_15 {strides = array<i32>} : memref<256x128xi32, #tpu.memory_space<vmem>>, vector<256x128xi32>,
    return
  }
  func.func @transform_0(%arg0: i32) -> (i32, i32) {
    %c0_i32 = arith.constant 0 : i32
    %c0_i32_0 = arith.constant 0 : i32
    return %arg0, %c0_i32 : i32, i32
  }
  func.func @transform_1(%arg0: i32) -> (i32, i32) {
    %c0_i32 = arith.constant 0 : i32
    %c0_i32_0 = arith.constant 0 : i32
    return %arg0, %c0_i32 : i32, i32
  }
}

module attributes {stable_mosaic.version = 14 : i64} {
  func.func @_combine_kernel(%arg0: i32, %arg1: memref<16x1024xf32, #tpu.memory_space<vmem>>, %arg2: memref<2048x1024xf32, #tpu.memory_space<vmem>>, %arg3: memref<16x128xf32, #tpu.memory_space<vmem>>, %arg4: memref<16x1xf32, #tpu.memory_space<vmem>>, %arg5: memref<16x1024xf32, #tpu.memory_space<vmem>>, %arg6: memref<16x128xf32, #tpu.memory_space<vmem>>) attributes {dimension_semantics = [#tpu.dimension_semantics<arbitrary>], iteration_bounds = array<i64: 128>, scalar_prefetch = 0 : i64, scratch_operands = 1 : i64, tpu.core_type = #tpu.core_type<tc>, window_params = [{transform_indices = @transform_0, window_bounds = array<i64: 16, 1024>}, {transform_indices = @transform_1, window_bounds = array<i64: 2048, 1024>}, {transform_indices = @transform_2, window_bounds = array<i64: 16, 128>}, {transform_indices = @transform_3, window_bounds = array<i64: 16, 1>}, {transform_indices = @transform_4, window_bounds = array<i64: 16, 1024>}]} {
    %get3A = arith.constant 0 : index
    %get3A_0 = arith.constant 0 : index
    %get3A_1 = vector.load %arg3[%get3A, %get3A_0] : memref<16x128xf32, #tpu.memory_space<vmem>>, vector<16x128xf32>
    %reduce_max3A = arith.constant dense<0xFF800000> : vector<16xf32>
    %reduce_max3A_2 = vector.multi_reduction <maximumf>, %get3A_1, %reduce_max3A [1] : vector<16x128xf32> to vector<16xf32>
    %max3A = arith.constant 0xFF800000 : f32
    %max3A_3 = vector.broadcast %max3A : f32 to vector<16xf32>
    %max3A_4 = arith.maximumf %max3A_3, %reduce_max3A_2 : vector<16xf32>
    %broadcast_in_dim3A = vector.shape_cast %max3A_4 : vector<16xf32> to vector<16x1xf32>
    %sub3A = vector.broadcast %broadcast_in_dim3A : vector<16x1xf32> to vector<16x128xf32>
    %sub3A_5 = arith.subf %get3A_1, %sub3A : vector<16x128xf32>
    %exp3A = math.exp %sub3A_5 : vector<16x128xf32>
    %reduce_sum3A = arith.constant dense<0.000000e+00> : vector<16xf32>
    %reduce_sum3A_6 = vector.multi_reduction <add>, %exp3A, %reduce_sum3A [1] : vector<16x128xf32> to vector<16xf32>
    %broadcast_in_dim3A_7 = vector.shape_cast %reduce_sum3A_6 : vector<16xf32> to vector<16x1xf32>
    %div3A = vector.broadcast %broadcast_in_dim3A_7 : vector<16x1xf32> to vector<16x128xf32>
    %div3A_8 = arith.divf %exp3A, %div3A : vector<16x128xf32>
    %iota3A = tpu.iota {dimensions = array<i32: 1>} : vector<1x128xi32>
    %convert_element_type3A = arith.sitofp %iota3A : vector<1x128xi32> to vector<1x128xf32>
    %get3A_9 = arith.constant 0 : index
    %get3A_10 = arith.constant 0 : index
    %get3A_11 = vector.load %arg4[%get3A_9, %get3A_10] : memref<16x1xf32, #tpu.memory_space<vmem>>, vector<16x1xf32>
    %lt3A = vector.broadcast %convert_element_type3A : vector<1x128xf32> to vector<16x128xf32>
    %lt3A_12 = vector.broadcast %get3A_11 : vector<16x1xf32> to vector<16x128xf32>
    %lt3A_13 = arith.cmpf olt, %lt3A, %lt3A_12 : vector<16x128xf32>
    %convert_element_type3A_14 = arith.extui %lt3A_13 : vector<16x128xi1> to vector<16x128xi32>
    %convert_element_type3A_15 = arith.sitofp %convert_element_type3A_14 : vector<16x128xi32> to vector<16x128xf32>
    %mul3A = arith.mulf %div3A_8, %convert_element_type3A_15 : vector<16x128xf32>
    %swap3A = arith.constant 0 : index
    %swap3A_16 = arith.constant 0 : index
    %swap3A_17 = vector.load %arg6[%swap3A, %swap3A_16] : memref<16x128xf32, #tpu.memory_space<vmem>>, vector<16x128xf32>
    tpu.vector_store %arg6[%swap3A, %swap3A_16], %mul3A {strides = array<i32>} : memref<16x128xf32, #tpu.memory_space<vmem>>, vector<16x128xf32>,
    %scan3A = arith.constant 0 : i32
    %scan3A_18 = arith.constant 16 : i32
    %scan3A_19 = arith.addi %scan3A, %scan3A_18 : i32
    %scan3A_20 = arith.constant 1 : i32
    scf.for %scan3A_22 = %scan3A to %scan3A_19 step %scan3A_20  : i32 {
      %get3A_23 = arith.index_cast %scan3A_22 : i32 to index
      %get3A_24 = arith.constant 0 : index
      %get3A_25 = vector.load %arg1[%get3A_23, %get3A_24] : memref<16x1024xf32, #tpu.memory_space<vmem>>, vector<1x1024xf32>
      %mul3A_26 = arith.constant 128 : i32
      %mul3A_27 = arith.muli %scan3A_22, %mul3A_26 : i32
      %get3A_28 = arith.index_cast %mul3A_27 : i32 to index
      %get3A_29 = arith.constant 0 : index
      %get3A_30 = vector.load %arg2[%get3A_28, %get3A_29] : memref<2048x1024xf32, #tpu.memory_space<vmem>>, vector<128x1024xf32>
      %dot_general3A = arith.constant dense<0.000000e+00> : vector<1x128xf32>
      %dot_general3A_31 = tpu.matmul %get3A_25, %get3A_30, %dot_general3A {dimension_numbers = #tpu.dot_dimension_numbers<[1], [1], [0], [0], [0, 0, 1, 0], [], []>, transpose_lhs_hint = false} : vector<1x1024xf32>, vector<128x1024xf32>, vector<1x128xf32> -> vector<1x128xf32>
      %get3A_32 = arith.index_cast %scan3A_22 : i32 to index
      %get3A_33 = arith.constant 0 : index
      %get3A_34 = vector.load %arg6[%get3A_32, %get3A_33] : memref<16x128xf32, #tpu.memory_space<vmem>>, vector<1x128xf32>
      %tanh3A = math.tanh %dot_general3A_31 : vector<1x128xf32>
      %mul3A_35 = arith.mulf %get3A_34, %tanh3A : vector<1x128xf32>
      %dot_general3A_36 = arith.constant dense<0.000000e+00> : vector<1x1024xf32>
      %dot_general3A_37 = tpu.matmul %mul3A_35, %get3A_30, %dot_general3A_36 {dimension_numbers = #tpu.dot_dimension_numbers<[1], [0], [0], [1], [0, 0, 1, 1], [], []>, transpose_lhs_hint = false} : vector<1x128xf32>, vector<128x1024xf32>, vector<1x1024xf32> -> vector<1x1024xf32>
      %add3A = arith.addf %dot_general3A_37, %get3A_25 : vector<1x1024xf32>
      %swap3A_38 = arith.index_cast %scan3A_22 : i32 to index
      %swap3A_39 = arith.constant 0 : index
      %swap3A_40 = vector.load %arg5[%swap3A_38, %swap3A_39] : memref<16x1024xf32, #tpu.memory_space<vmem>>, vector<1x1024xf32>
      tpu.vector_store %arg5[%swap3A_38, %swap3A_39], %add3A {strides = array<i32>} : memref<16x1024xf32, #tpu.memory_space<vmem>>, vector<1x1024xf32>,
    }
    %scan3A_21 = arith.constant 16 : i32
    return
  }
  func.func @transform_0(%arg0: i32) -> (i32, i32) {
    %c0_i32 = arith.constant 0 : i32
    %c0_i32_0 = arith.constant 0 : i32
    return %arg0, %c0_i32 : i32, i32
  }
  func.func @transform_1(%arg0: i32) -> (i32, i32) {
    %c0_i32 = arith.constant 0 : i32
    %c0_i32_0 = arith.constant 0 : i32
    return %arg0, %c0_i32 : i32, i32
  }
  func.func @transform_2(%arg0: i32) -> (i32, i32) {
    %c0_i32 = arith.constant 0 : i32
    %c0_i32_0 = arith.constant 0 : i32
    return %arg0, %c0_i32 : i32, i32
  }
  func.func @transform_3(%arg0: i32) -> (i32, i32) {
    %c0_i32 = arith.constant 0 : i32
    %c0_i32_0 = arith.constant 0 : i32
    return %arg0, %c0_i32 : i32, i32
  }
  func.func @transform_4(%arg0: i32) -> (i32, i32) {
    %c0_i32 = arith.constant 0 : i32
    %c0_i32_0 = arith.constant 0 : i32
    return %arg0, %c0_i32 : i32, i32
  }
}

</mosaic_0001>

<sc_bundles>
// kernel: kernel.11.cloned.1.call-start
scs
__scs_entry_jumppad:
0x0: {  	(pc) =	sbr.rel $0x88, $3  }
0x1: {  	(tag) =	ssettag $0x0;
	lr =	simm.s32 $0x1  }
0x2: {  	[smem:$0x3F97] =	sst lr;
	_ =	strace $0xD0000000  }
0x3: {  	_ = 	snop  }
0x4: {  	_ = 	snop  }
0x5: {  	_ = 	snop  }
0x6: {  	_ = 	snop  }
0x7: {  	_ = 	snop  }
__scs_overlays_trampoline_lowered:
0x8: {  	[smem:$0x3FA6] =	sst s0  }
0x9: {  	[smem:$0x3FA7] =	sst s1  }
0xa: {  	[smem:$0x3FA8] =	sst s2  }
0xb: {  	[smem:$0x3FA9] =	sst s3  }
0xc: {  	[smem:$0x3FAA] =	sst s4  }
0xd: {  	[smem:$0x3FAB] =	sst s5  }
0xe: {  	[smem:$0x3FAC] =	sst s6  }
0xf: {  	[smem:$0x3FAD] =	sst s7  }
0x10: {  	[smem:$0x3FAE] =	sst s8  }
0x11: {  	[smem:$0x3FAF] =	sst s9;
	s0 =	simm.s32 @!p0 $0x0  }
0x12: {  	s1 =	sld [smem:$0x3F95];
	s0 =	simm.s32 @p0 $0x1  }
0x13: {  	[smem:$0x3FB0] =	sst s0;
	s0 =	simm.s32 @!p1 $0x0  }
0x14: {  	s2 =	sld [smem:$0x3F94];
	s0 =	simm.s32 @p1 $0x1  }
0x15: {  	[smem:$0x3FB1] =	sst s0;
	s0 =	simm.s32 @!p2 $0x0  }
0x16: {  	s3 =	sld [smem:$0x3FDB];
	s0 =	simm.s32 @p2 $0x1  }
0x17: {  	s4 =	simm.s32 $0x1BF5;
	[smem:$0x3FB3] =	sst s0  }
0x18: {  	s0 =	sld [smem:$0x3F96];
	_ =	swait.ge [sflag:s4], $0x0  }
0x19: {  	s7 =	sld [smem:$0x3F97]  }
0x1a: {  	s8 =	sadd.s32 $0xFFFFE003, lr  }
0x1b: {  	s9 =	sadd.s32 $0xFFFFFEF7, lr;
	s5 =	simm.s32 $0xFFFFFFFF;
	p2 =	slt.u32 s8, $0xFFFFF086  }
0x1c: {  	p1 =	slt.u32 s9, $0xF7A;
	s5 =	simm.s32 @!p2 $0x0  }
0x1d: {  	s5 =	simm.s32 @p1 $0x1;
	p0 =	seq.s32 s7, s2  }
0x1e: {  	s7 =	smul.u32 @!p0 $0xF7A, s2;
	p2 =	seq.s32 @!p0 s5, $0x0  }
0x1f: {  	s9 =	smul.u32 $0xF7A, s1;
	s8 =	simm.s32 @!p0 $0x1BF5;
	p2 =	por !p2, p0  }
0x20: {  	[sflag:s8] =	ssyncset.s32 @!p0 $0xFFFFF086;
	s6 =	sadd.s32 @!p0 s3, s7;
	s7 =	simm.s32 @!p0 $0x108  }
0x21: {  	s3 =	sadd.s32 s3, s9;
	s6 =	sadd.s32 @!p0 $0x88, s6;
	s7 =	simm.s32 @p2 $0x1082  }
0x22: {  	[simem:s7], [sflag:s8] =	dma.local @!p0 [hbm:s6], $0xF7A  }
0x23: {  	s9 =	sor.u32 $0xD0000000, s2;
	s6 =	simm.s32 $0x108;
	_ =	swait.ge @!p0 [sflag:s8], $0x0  }
0x24: {  	s3 =	sadd.s32 $0x88, s3;
	s6 =	simm.s32 @!p1 $0x1082;
	[sflag:s4] =	ssyncset.s32 $0xFFFFF086  }
0x25: {  	[simem:s6], [sflag:s4] =	dma.local [hbm:s3], $0xF7A  }
0x26: {  	[smem:$0x3F97] =	sst s1;
	(tag) =	ssettag s2;
	_ =	strace s9  }
0x27: {  	s1 =	sld [smem:$0x3FA7]  }
0x28: {  	s2 =	sld [smem:$0x3FA8]  }
0x29: {  	s4 =	sld [smem:$0x3FAA]  }
0x2a: {  	p0 =	seq.s32 s5, $0x0;
	s5 =	sld [smem:$0x3FAB]  }
0x2b: {  	s6 =	sld [smem:$0x3FAC]  }
0x2c: {  	s7 =	sld [smem:$0x3FAD]  }
0x2d: {  	s3 =	simm.s32 $0x108;
	s8 =	sld [smem:$0x3FAE]  }
0x2e: {  	s3 =	simm.s32 @!p0 $0x1082;
	s9 =	sld [smem:$0x3FAF]  }
0x2f: {  	lr =	sadd.s32 s0, s3;
	s0 =	sld [smem:$0x3FA6]  }
0x30: {  	s3 =	sld [smem:$0x3FA9]  }
0x31: {  	[smem:$0x3FB2] =	sst s10  }
0x32: {  	s10 =	sld [smem:$0x3FB0];
	_ =	sdelay $0x3  }
0x33: {  	p0 =	seq.s32 s10, $0x1;
	s10 =	sld [smem:$0x3FB2];
	_ =	sdelay $0x3  }
0x34: {  	[smem:$0x3FB2] =	sst s10  }
0x35: {  	s10 =	sld [smem:$0x3FB1];
	_ =	sdelay $0x3  }
0x36: {  	p1 =	seq.s32 s10, $0x1;
	s10 =	sld [smem:$0x3FB2];
	_ =	sdelay $0x3  }
0x37: {  	[smem:$0x3FB2] =	sst s10  }
0x38: {  	s10 =	sld [smem:$0x3FB3]  }
0x39: {  	_ = 	snop;
	(pc) =	sbr.ind lr, $3  }
0x3a: {  	_ = 	snop  }
0x3b: {  	_ = 	snop  }
0x3c: {  	p2 =	seq.s32 s10, $0x1;
	s10 =	sld [smem:$0x3FB2]  }
0x3d: {  	_ =	shalt  }
0x3e: {  	_ =	shalt  }
0x3f: {  	_ =	shalt  }
0x40: {  	_ =	shalt  }
0x41: {  	_ =	shalt  }
0x42: {  	_ =	shalt  }
0x43: {  	_ =	shalt  }
0x44: {  	_ =	shalt  }
0x45: {  	_ =	shalt  }
0x46: {  	_ =	shalt  }
0x47: {  	_ =	shalt  }
0x48: {  	_ =	shalt  }
0x49: {  	_ =	shalt  }
0x4a: {  	_ =	shalt  }
0x4b: {  	_ =	shalt  }
0x4c: {  	_ =	shalt  }
0x4d: {  	_ =	shalt  }
0x4e: {  	_ =	shalt  }
0x4f: {  	_ =	shalt  }
0x50: {  	_ =	shalt  }
0x51: {  	_ =	shalt  }
0x52: {  	_ =	shalt  }
0x53: {  	_ =	shalt  }
0x54: {  	_ =	shalt  }
0x55: {  	_ =	shalt  }
0x56: {  	_ =	shalt  }
0x57: {  	_ =	shalt  }
0x58: {  	_ =	shalt  }
0x59: {  	_ =	shalt  }
0x5a: {  	_ =	shalt  }
0x5b: {  	_ =	shalt  }
0x5c: {  	_ =	shalt  }
0x5d: {  	_ =	shalt  }
0x5e: {  	_ =	shalt  }
0x5f: {  	_ =	shalt  }
0x60: {  	_ =	shalt  }
0x61: {  	_ =	shalt  }
0x62: {  	_ =	shalt  }
0x63: {  	_ =	shalt  }
0x64: {  	_ =	shalt  }
0x65: {  	_ =	shalt  }
0x66: {  	_ =	shalt  }
0x67: {  	_ =	shalt  }
0x68: {  	_ =	shalt  }
0x69: {  	_ =	shalt  }
0x6a: {  	_ =	shalt  }
0x6b: {  	_ =	shalt  }
0x6c: {  	_ =	shalt  }
0x6d: {  	_ =	shalt  }
0x6e: {  	_ =	shalt  }
0x6f: {  	_ =	shalt  }
0x70: {  	_ =	shalt  }
0x71: {  	_ =	shalt  }
0x72: {  	_ =	shalt  }
0x73: {  	_ =	shalt  }
0x74: {  	_ =	shalt  }
0x75: {  	_ =	shalt  }
0x76: {  	_ =	shalt  }
0x77: {  	_ =	shalt  }
0x78: {  	_ =	shalt  }
0x79: {  	_ =	shalt  }
0x7a: {  	_ =	shalt  }
0x7b: {  	_ =	shalt  }
0x7c: {  	_ =	shalt  }
0x7d: {  	_ =	shalt  }
0x7e: {  	_ =	shalt  }
0x7f: {  	_ =	shalt  }
0x80: {  	_ =	shalt  }
0x81: {  	_ =	shalt  }
0x82: {  	_ =	shalt  }
0x83: {  	_ =	shalt  }
0x84: {  	_ =	shalt  }
0x85: {  	_ =	shalt  }
0x86: {  	_ =	shalt  }
0x87: {  	_ =	shalt  }
.Lfunc_end0:
.L_simem_size_0:
called_computation.1_lowered:
.L_overlay_start_0:
0x88: {  	s2 =	sld [smem:$0x3FD9]  }
0x89: {  	s3 =	sld [smem:$0x3FFE];
	_ =	sdelay $0x1  }
0x8a: {  	s1 =	srdreg.scid  }
0x8b: {  	s0 =	sand.u32 $0x1, s1  }
0x8c: {  	s17 =	sshll.u32 s0, $0xA;
	s2 =	sadd.s32 s3, s2  }
0x8d: {  	s2 =	sadd.s32 s2, s17  }
0x8e: {  	[smem:$0x3FBE] =	sst s2  }
0x8f: {  	_ = 	snop  }
0x90: {  	s2 =	sld [smem:$0x3FC8];
	(tm) =	ssettm $0x1  }
0x91: {  	s18 =	sld [smem:$0x3FFB];
	_ =	sdelay $0x3  }
0x92: {  	_ =	strace s18  }
0x93: {  	s3 =	sld [smem:$0x3FFC];
	_ =	sdelay $0x3  }
0x94: {  	_ =	strace s3  }
0x95: {  	s3 =	sld [smem:$0x3FFD];
	_ =	sdelay $0x3  }
0x96: {  	_ =	strace s3  }
0x97: {  	_ =	strace $0x8FFFFFFF  }
0x98: {  	s19 =	sld [smem:$0x3FDB];
	_ =	sdelay $0x1  }
0x99: {  	s4 =	simm.s32 $_scs_section_size  }
0x9a: {  	s5 =	simm.s32 $_size__tile_overlayer_lowered;
	s6 =	simm.s32 $_tile_overlayer_lowered  }
0x9b: {  	s22 =	simm.s32 $0x1BFF;
	s21 =	sshll.u32 s6, $0x1;
	s3 =	sadd.s32 s4, s19  }
0x9c: {  	s7 =	simm.s32 $0x0;
	s20 =	sshll.u32 s5, $0x1;
	s5 =	sadd.s32 s21, s3  }
0x9d: {  	[timem:s7], [sflag:s22] =	dma.local [hbm:s5], s20  }
0x9e: {  	_ =	swait.ge [sflag:s22], s20  }
0x9f: {  	s4 =	ssub.s32 $0x0, s20;
	[sflag:s22] =	ssyncset.done $0x0  }
0xa0: {  	[sflag:s22] =	ssyncadd.s32 s4;
	_ =	sdelay $0x1  }
0xa1: {  	s23 =	simm.s32 $0x1B8B  }
0xa2: {  	_ =	swait.ge [sflag:s23], $0x1  }
0xa3: {  	[sflag:s23] =	ssyncset.done $0x0  }
0xa4: {  	s25 =	simm.s32 $0x1B8E;
	s24 =	sld [smem:$0x3FFE];
	[sflag:s23] =	ssyncadd.s32 $0xFFFFFFFF  }
0xa5: {  	s26 =	simm.s32 $execute0_lowered;
	[smem:$0x3FD2] =	sst s25  }
0xa6: {  	s5 =	sshll.u32 s26, $0x1;
	_ =	strace $0x80000049;
	[dreg:$0x1] =	wrdreg $0xFFFFFFFF  }
0xa7: {  	s28 =	simm.s32 $_size_execute0_lowered;
	s3 =	sadd.s32 s3, s5;
	[dreg:$0x0] =	wrdreg $0x0  }
0xa8: {  	s5 =	sshll.u32 s28, $0x1;
	[dreg:$0x2] =	wrdreg s3  }
0xa9: {  	[dreg:$0x3] =	wrdreg s5  }
0xaa: {  	[dreg:$0x4] =	wrdreg $0xC0  }
0xab: {  	_ =	task [dreg:s7], $0x5FFFF  }
0xac: {  	[dreg:$0x1] =	wrdreg $0xFFFFFFFF  }
0xad: {  	[dreg:$0x0] =	wrdreg $0x60  }
0xae: {  	[dreg:$0x2] =	wrdreg s2  }
0xaf: {  	[dreg:$0x3] =	wrdreg s24  }
0xb0: {  	[dreg:$0x4] =	wrdreg $0x9  }
0xb1: {  	_ =	task.clear_ibuf [dreg:s7], $0x5FFFF;
	_ =	strace $0x90000049  }
0xb2: {  	s29 =	simm.s32 $0x9;
	_ =	strace $0x8000004B  }
0xb3: {  	_ =	swait.ge [sflag:s29], $0x1  }
0xb4: {  	[sflag:s29] =	ssyncadd.s32 $0xFFFFFFFF  }
0xb5: {  	_ =	strace $0x9000004B  }
0xb6: {  	_ =	sfence  }
0xb7: {  	s30 =	sld [smem:$0x0];
	_ =	sdelay $0x2  }
0xb8: {  	s31 =	sshll.u32 s1, $0xD;
	s1 =	sshrl.u32 s1, $0x2  }
0xb9: {  	s3 =	sand.u32 $0x4000, s31;
	s1 =	sadd.s32 s1, s30  }
0xba: {  	s0 =	sor.u32 s3, s0;
	s1 =	sshll.u32 s1, $0x11  }
0xbb: {  	s0 =	sor.u32 s1, s0  }
0xbc: {  	s0 =	sadd.s32 $0x8F2B, s0  }
0xbd: {  	[sflag:s0] =	ssyncadd.remote.s32 $0x1  }
0xbe: {  	_ =	sfence.sel $0xFFFF  }
0xbf: {  	[dreg:$0x0] =	wrdreg $0xFFFFFFFF;
	(pc) =	sbr.abs _section_cstart, $3  }
0xc0: {  	[dreg:$0x1] =	wrdreg $0xFFFFFFFF  }
0xc1: {  	_ =	task.clear_ibuf [dreg:s7], $0x2FFFF;
	_ =	strace $0x9FFFFFFF  }
0xc2: {  	(tm) =	ssettm $0x7FFFFFFF  }
0xc3: {  	_ =	shalt  }
tec
execute0_lowered:
.L_overlay_start_1:
0x0: {  	(tag) =	ssettag $0x1  }
0x1: {  	s1 =	rddreg [dreg:$0x0]  }
0x2: {  	s0 =	rddreg [dreg:$0x1];
	s3 =	simm.s32 $0x0  }
0x3: {  	s2 =	srdreg.scid;
	s6 =	stileid.u32;
	s11 =	simm.s32 $0x8900  }
0x4: {  	s12 =	simm.s32 $0x9100;
	s14 =	simm.s32 $0x9900;
	s15 =	simm.s32 $0xA100  }
0x5: {  	s16 =	simm.s32 $0xA900;
	s17 =	simm.s32 $0xB100;
	s18 =	simm.s32 $0xB900  }
0x6: {  	s19 =	simm.s32 $0xC100;
	s20 =	simm.s32 $0xC900;
	[smem:$0x7FF] =	sst s3  }
0x7: {  	s21 =	simm.s32 $0xD100;
	_ =	strace $0x8000004A;
	[dreg:$0x5] =	wrdreg s11  }
0x8: {  	s22 =	simm.s32 $0xD900;
	s23 =	simm.s32 $0xE100;
	[dreg:$0x6] =	wrdreg s12  }
0x9: {  	s28 =	simm.s32 $0x7900;
	s29 =	simm.s32 $0x8100;
	[dreg:$0x7] =	wrdreg s14  }
0xa: {  	s30 =	simm.s32 $0x1;
	s31 =	simm.s32 $0x2;
	[dreg:$0x8] =	wrdreg s15  }
0xb: {  	s2 =	sand.u32 $0x1, s2;
	s9 =	sadd.s32 $0xAC00, s0;
	[dreg:$0x9] =	wrdreg s16  }
0xc: {  	s4 =	sshll.u32 s6, $0xE;
	s6 =	sshll.u32 s6, $0x15;
	[dreg:$0xa] =	wrdreg s17  }
0xd: {  	s5 =	sshll.u32 s2, $0xD;
	s7 =	ssub.s32 $0x2, s2;
	[dreg:$0xb] =	wrdreg s18  }
0xe: {  	s0 =	sadd.s32 s6, s0;
	s2 =	sshll.u32 s2, $0x14;
	[dreg:$0xc] =	wrdreg s19  }
0xf: {  	s6 =	sadd.s32 $0x200, s1;
	s11 =	simm.s32 $0x3;
	[dreg:$0xd] =	wrdreg s20  }
0x10: {  	s12 =	simm.s32 $0x100;
	s18 =	simm.s32 $0x3100;
	[dreg:$0xe] =	wrdreg s21  }
0x11: {  	s19 =	simm.s32 $0x3900;
	s20 =	simm.s32 $0x4100;
	[dreg:$0xf] =	wrdreg s22  }
0x12: {  	s21 =	simm.s32 $0x4900;
	[dreg:$0x10] =	wrdreg s23;
	s22 =	simm.s32 $0x5100  }
0x13: {  	s23 =	simm.s32 $0x5900;
	s10 =	sor.u32 s5, s4;
	s24 =	sshrl.u32 s7, $0x1  }
0x14: {  	s0 =	sadd.s32 s2, s0;
	s5 =	sshrl.u32 s10, $0x3;
	s8 =	ssub.s32 s7, s24  }
0x15: {  	s7 =	sadd.s32 $0x300, s1;
	s0 =	sadd.s32 $0x1AC00, s0;
	s25 =	sor.u32 $0x20, s10  }
0x16: {  	s2 =	sor.u32 $0x40, s10;
	s10 =	simm.s32 $0x80;
	s24 =	simm.s32 $0xE900  }
0x17: {  	s4 =	sadd.s32 s9, s5;
	s5 =	sadd.s32 $0x100, s1;
	[dreg:$0x3] =	wrdreg s0  }
0x18: {  	s8 =	smax.u32 s8, $0x1;
	s26 =	sshrl.u32 s25, $0x3;
	[dreg:$0x4] =	wrdreg s10  }
0x19: {  	s0 =	sshrl.u32 s2, $0x3;
	[dreg:$0x11] =	wrdreg s24;
	s25 =	simm.s32 $0xF100  }
0x1a: {  	v2 =	vlaneseq.u32;
	s24 =	simm.s32 $0x6100;
	s13 =	sadd.s32 s26, s9;
	s2 =	sadd.s32 s0, s9  }
0x1b: {  	vm0 =	vmmov $0xffff;
	v1 =	vshrl.u32 v2, $0x3;
	[dreg:$0x12] =	wrdreg s25;
	s26 =	simm.s32 $0xF900;
	s25 =	simm.s32 $0x6900  }
0x1c: {  	v0 =	vand.u32 $0x7, v2;
	v2 =	vor.u32 $0x8, v2;
	v1 =	vmul.u32 $0x8, v1;
	s0 =	simm.s32 $0x0;
	[dreg:$0x13] =	wrdreg s26;
	s26 =	simm.s32 $0x7100  }
.LBB2_1:
0x1d: {  	[tilespmem:s3], [sflag:$0x3] =	stream.linear.gather [hbm4b:s4+s3], $0x20, $0x38;
	[tilespmem:$0x10100] =	vst v63  }
0x1e: {  	_ =	swait.ge [sflag:s11], $0x20  }
0x1f: {  	[sflag:s11] =	ssyncset.done $0x0  }
0x20: {  	[sflag:s11] =	ssyncadd.s32 $0xFFFFFFE0  }
0x21: {  	v3 =	vld [tilespmem:$0x0];
	_ =	sdelay $0x4  }
0x22: {  	v4 =	vshll.u32 v3, $0x3  }
0x23: {  	v3 =	vand.u32 $0x7, v3;
	v4 =	vand.u32 $0xFFFFFFC0, v4  }
0x24: {  	v3 =	vor.u32 v3, v4  }
0x25: {  	v4 =	vperm.xlane v3, v0;
	_ =	sdelay $0x1  }
0x26: {  	v4 =	vadd.s32 v1, v4;
	_ =	sdelay $0x4  }
0x27: {  	[tilespmem:s12], [sflag:$0x1] =	stream.indirect_vreg.gather [hbm4b:s1+s3], $0x80, v4, vm0, $0xb8;
	[tilespmem:$0x10100] =	vst v63  }
0x28: {  	s9 =	simm.s32 $0x900;
	v3 =	vperm.xlane v3, v2  }
0x29: {  	[tilespmem:s9], [sflag:$0x1] =	stream.indirect_vreg.gather [hbm4b:s5+s3], $0x80, v4, vm0, $0xb8;
	[tilespmem:$0x10100] =	vst v63  }
0x2a: {  	s14 =	simm.s32 $0x1100;
	v3 =	vadd.s32 v1, v3  }
0x2b: {  	[tilespmem:s14], [sflag:$0x1] =	stream.indirect_vreg.gather [hbm4b:s6+s3], $0x80, v4, vm0, $0xb8;
	[tilespmem:$0x10100] =	vst v63  }
0x2c: {  	s15 =	simm.s32 $0x1900  }
0x2d: {  	[tilespmem:s15], [sflag:$0x1] =	stream.indirect_vreg.gather [hbm4b:s7+s3], $0x80, v4, vm0, $0xb8;
	[tilespmem:$0x10100] =	vst v63  }
0x2e: {  	s16 =	simm.s32 $0x2100  }
0x2f: {  	[tilespmem:s16], [sflag:$0x1] =	stream.indirect_vreg.gather [hbm4b:s1+s3], $0x80, v3, vm0, $0xb8;
	[tilespmem:$0x10100] =	vst v63  }
0x30: {  	s17 =	simm.s32 $0x2900  }
0x31: {  	[tilespmem:s17], [sflag:$0x1] =	stream.indirect_vreg.gather [hbm4b:s5+s3], $0x80, v3, vm0, $0xb8;
	[tilespmem:$0x10100] =	vst v63  }
0x32: {  	_ = 	snop  }
0x33: {  	[tilespmem:s18], [sflag:$0x1] =	stream.indirect_vreg.gather [hbm4b:s6+s3], $0x80, v3, vm0, $0xb8;
	[tilespmem:$0x10100] =	vst v63  }
0x34: {  	_ = 	snop  }
0x35: {  	[tilespmem:s19], [sflag:$0x1] =	stream.indirect_vreg.gather [hbm4b:s7+s3], $0x80, v3, vm0, $0xb8;
	[tilespmem:$0x10100] =	vst v63  }
0x36: {  	v3 =	vld [tilespmem:$0x10];
	_ =	sdelay $0x4  }
0x37: {  	v63 =	vshll.u32 v3, $0x3  }
0x38: {  	v3 =	vand.u32 $0x7, v3;
	v4 =	vand.u32 $0xFFFFFFC0, v63  }
0x39: {  	v3 =	vor.u32 v3, v4  }
0x3a: {  	v4 =	vperm.xlane v3, v0;
	_ =	sdelay $0x1  }
0x3b: {  	v4 =	vadd.s32 v1, v4;
	_ =	sdelay $0x4  }
0x3c: {  	[tilespmem:s20], [sflag:$0x1] =	stream.indirect_vreg.gather [hbm4b:s1+s3], $0x80, v4, vm0, $0xb8;
	[tilespmem:$0x10100] =	vst v63  }
0x3d: {  	v3 =	vperm.xlane v3, v2  }
0x3e: {  	[tilespmem:s21], [sflag:$0x1] =	stream.indirect_vreg.gather [hbm4b:s5+s3], $0x80, v4, vm0, $0xb8;
	[tilespmem:$0x10100] =	vst v63  }
0x3f: {  	v3 =	vadd.s32 v1, v3  }
0x40: {  	[tilespmem:s22], [sflag:$0x1] =	stream.indirect_vreg.gather [hbm4b:s6+s3], $0x80, v4, vm0, $0xb8;
	[tilespmem:$0x10100] =	vst v63  }
0x41: {  	_ = 	snop  }
0x42: {  	[tilespmem:s23], [sflag:$0x1] =	stream.indirect_vreg.gather [hbm4b:s7+s3], $0x80, v4, vm0, $0xb8;
	[tilespmem:$0x10100] =	vst v63  }
0x43: {  	_ = 	snop  }
0x44: {  	[tilespmem:s24], [sflag:$0x1] =	stream.indirect_vreg.gather [hbm4b:s1+s3], $0x80, v3, vm0, $0xb8;
	[tilespmem:$0x10100] =	vst v63  }
0x45: {  	_ = 	snop  }
0x46: {  	[tilespmem:s25], [sflag:$0x1] =	stream.indirect_vreg.gather [hbm4b:s5+s3], $0x80, v3, vm0, $0xb8;
	[tilespmem:$0x10100] =	vst v63  }
0x47: {  	_ = 	snop  }
0x48: {  	[tilespmem:s26], [sflag:$0x1] =	stream.indirect_vreg.gather [hbm4b:s6+s3], $0x80, v3, vm0, $0xb8;
	[tilespmem:$0x10100] =	vst v63  }
0x49: {  	s10 =	smov.u32 s2;
	s9 =	smov.u32 s13;
	s14 =	simm.s32 $0x0  }
0x4a: {  	[tilespmem:s28], [sflag:$0x1] =	stream.indirect_vreg.gather [hbm4b:s7+s3], $0x80, v3, vm0, $0xb8;
	[tilespmem:$0x10100] =	vst v63  }
.LBB2_2:
0x4b: {  	s15 =	rddreg [dreg:$0x4]  }
0x4c: {  	[tilespmem:s15], [sflag:$0x3] =	stream.linear.gather [hbm4b:s9+s3], $0x20, $0x38;
	[tilespmem:$0x10100] =	vst v63  }
0x4d: {  	_ =	swait.ge [sflag:s11], $0x20  }
0x4e: {  	[sflag:s11] =	ssyncset.done $0x0  }
0x4f: {  	[sflag:s11] =	ssyncadd.s32 $0xFFFFFFE0  }
0x50: {  	v3 =	vld [tilespmem:$0x80];
	_ =	sdelay $0x4  }
0x51: {  	v4 =	vshll.u32 v3, $0x3  }
0x52: {  	v3 =	vand.u32 $0x7, v3;
	v4 =	vand.u32 $0xFFFFFFC0, v4  }
0x53: {  	v3 =	vor.u32 v3, v4  }
0x54: {  	v4 =	vperm.xlane v3, v0;
	_ =	sdelay $0x1  }
0x55: {  	v4 =	vadd.s32 v1, v4;
	_ =	sdelay $0x4  }
0x56: {  	[tilespmem:s29], [sflag:$0x2] =	stream.indirect_vreg.gather [hbm4b:s1+s3], $0x80, v4, vm0, $0xb8;
	[tilespmem:$0x10100] =	vst v63  }
0x57: {  	s17 =	rddreg [dreg:$0x5];
	v3 =	vperm.xlane v3, v2  }
0x58: {  	[tilespmem:s17], [sflag:$0x2] =	stream.indirect_vreg.gather [hbm4b:s5+s3], $0x80, v4, vm0, $0xb8;
	[tilespmem:$0x10100] =	vst v63  }
0x59: {  	s16 =	rddreg [dreg:$0x6];
	v3 =	vadd.s32 v1, v3  }
0x5a: {  	[tilespmem:s16], [sflag:$0x2] =	stream.indirect_vreg.gather [hbm4b:s6+s3], $0x80, v4, vm0, $0xb8;
	[tilespmem:$0x10100] =	vst v63  }
0x5b: {  	s17 =	rddreg [dreg:$0x7]  }
0x5c: {  	[tilespmem:s17], [sflag:$0x2] =	stream.indirect_vreg.gather [hbm4b:s7+s3], $0x80, v4, vm0, $0xb8;
	[tilespmem:$0x10100] =	vst v63  }
0x5d: {  	s16 =	rddreg [dreg:$0x8]  }
0x5e: {  	[tilespmem:s16], [sflag:$0x2] =	stream.indirect_vreg.gather [hbm4b:s1+s3], $0x80, v3, vm0, $0xb8;
	[tilespmem:$0x10100] =	vst v63  }
0x5f: {  	s17 =	rddreg [dreg:$0x9]  }
0x60: {  	[tilespmem:s17], [sflag:$0x2] =	stream.indirect_vreg.gather [hbm4b:s5+s3], $0x80, v3, vm0, $0xb8;
	[tilespmem:$0x10100] =	vst v63  }
0x61: {  	s16 =	rddreg [dreg:$0xa]  }
0x62: {  	[tilespmem:s16], [sflag:$0x2] =	stream.indirect_vreg.gather [hbm4b:s6+s3], $0x80, v3, vm0, $0xb8;
	[tilespmem:$0x10100] =	vst v63  }
0x63: {  	s17 =	rddreg [dreg:$0xb]  }
0x64: {  	[tilespmem:s17], [sflag:$0x2] =	stream.indirect_vreg.gather [hbm4b:s7+s3], $0x80, v3, vm0, $0xb8;
	[tilespmem:$0x10100] =	vst v63  }
0x65: {  	v3 =	vld [tilespmem:$0x90];
	_ =	sdelay $0x4  }
0x66: {  	v63 =	vshll.u32 v3, $0x3  }
0x67: {  	v3 =	vand.u32 $0x7, v3;
	v4 =	vand.u32 $0xFFFFFFC0, v63  }
0x68: {  	v3 =	vor.u32 v3, v4  }
0x69: {  	v4 =	vperm.xlane v3, v0;
	_ =	sdelay $0x1  }
0x6a: {  	v4 =	vadd.s32 v1, v4;
	_ =	sdelay $0x3  }
0x6b: {  	s16 =	rddreg [dreg:$0xc]  }
0x6c: {  	[tilespmem:s16], [sflag:$0x2] =	stream.indirect_vreg.gather [hbm4b:s1+s3], $0x80, v4, vm0, $0xb8;
	[tilespmem:$0x10100] =	vst v63  }
0x6d: {  	s17 =	rddreg [dreg:$0xd];
	v3 =	vperm.xlane v3, v2  }
0x6e: {  	[tilespmem:s17], [sflag:$0x2] =	stream.indirect_vreg.gather [hbm4b:s5+s3], $0x80, v4, vm0, $0xb8;
	[tilespmem:$0x10100] =	vst v63  }
0x6f: {  	s15 =	rddreg [dreg:$0xe];
	v3 =	vadd.s32 v1, v3  }
0x70: {  	[tilespmem:s15], [sflag:$0x2] =	stream.indirect_vreg.gather [hbm4b:s6+s3], $0x80, v4, vm0, $0xb8;
	[tilespmem:$0x10100] =	vst v63  }
0x71: {  	s17 =	rddreg [dreg:$0xf]  }
0x72: {  	[tilespmem:s17], [sflag:$0x2] =	stream.indirect_vreg.gather [hbm4b:s7+s3], $0x80, v4, vm0, $0xb8;
	[tilespmem:$0x10100] =	vst v63  }
0x73: {  	s15 =	rddreg [dreg:$0x10]  }
0x74: {  	[tilespmem:s15], [sflag:$0x2] =	stream.indirect_vreg.gather [hbm4b:s1+s3], $0x80, v3, vm0, $0xb8;
	[tilespmem:$0x10100] =	vst v63  }
0x75: {  	s17 =	rddreg [dreg:$0x11]  }
0x76: {  	[tilespmem:s17], [sflag:$0x2] =	stream.indirect_vreg.gather [hbm4b:s5+s3], $0x80, v3, vm0, $0xb8;
	[tilespmem:$0x10100] =	vst v63  }
0x77: {  	s15 =	rddreg [dreg:$0x12]  }
0x78: {  	[tilespmem:s15], [sflag:$0x2] =	stream.indirect_vreg.gather [hbm4b:s6+s3], $0x80, v3, vm0, $0xb8;
	[tilespmem:$0x10100] =	vst v63  }
0x79: {  	s17 =	rddreg [dreg:$0x13]  }
0x7a: {  	[tilespmem:s17], [sflag:$0x2] =	stream.indirect_vreg.gather [hbm4b:s7+s3], $0x80, v3, vm0, $0xb8;
	[tilespmem:$0x10100] =	vst v63  }
0x7b: {  	_ =	swait.ge [sflag:s30], $0x8000  }
0x7c: {  	s17 =	rddreg [dreg:$0x3];
	[sflag:s30] =	ssyncset.done $0x0  }
0x7d: {  	[sflag:s30] =	ssyncadd.s32 $0xFFFF8000;
	s15 =	sadd.s32 s14, s17  }
0x7e: {  	[hbm4b:s15+s3] =	stream.linear.scatter [tilespmem:s12], [sflag:$0x3], $0x8000, $0x38;
	[tilespmem:$0x10100] =	vst v63  }
0x7f: {  	_ =	swait.ge [sflag:s11], $0x8000  }
0x80: {  	p0 =	seq.s32 s14, $0xFE000;
	[sflag:s11] =	ssyncset.done $0x0  }
0x81: {  	s16 =	simm.s32 @!p0 $0x0;
	s17 =	simm.s32 @!p0 $0x3;
	[sflag:s11] =	ssyncadd.s32 $0xFFFF8000  }
0x82: {  	[tilespmem:s16], [sflag:$0x3] =	stream.linear.gather @!p0 [hbm4b:s10+s16], $0x20, $0x38;
	[tilespmem:$0x10100] =	vst v63  }
0x83: {  	_ =	swait.ge @!p0 [sflag:s17], $0x20  }
0x84: {  	[sflag:s17] =	ssyncset.done @!p0 $0x0  }
0x85: {  	[sflag:s17] =	ssyncadd.s32 @!p0 $0xFFFFFFE0  }
0x86: {  	v3 =	vld @!p0 [tilespmem:$0x0];
	_ =	sdelay $0x4  }
0x87: {  	v4 =	vshll.u32 @!p0 v3, $0x3  }
0x88: {  	v5 =	vlaneseq.u32 @!p0;
	v3 =	vand.u32 @!p0 $0x7, v3;
	v4 =	vand.u32 @!p0 $0xFFFFFFC0, v4  }
0x89: {  	v6 =	vshrl.u32 @!p0 v5, $0x3;
	v3 =	vor.u32 @!p0 v3, v4;
	v4 =	vand.u32 @!p0 $0x7, v5  }
0x8a: {  	v6 =	vmul.u32 @!p0 $0x8, v6;
	v7 =	vperm.xlane @!p0 v3, v4;
	_ =	sdelay $0x1  }
0x8b: {  	v7 =	vadd.s32 @!p0 v6, v7;
	_ =	sdelay $0x3  }
0x8c: {  	vm1 =	vmmov @!p0 $0xffff;
	s17 =	simm.s32 @!p0 $0x100  }
0x8d: {  	v5 =	vor.u32 @!p0 $0x8, v5;
	[tilespmem:s17], [sflag:$0x1] =	stream.indirect_vreg.gather @!p0 [hbm4b:s1+s16], $0x80, v7, vm1, $0xb8;
	[tilespmem:$0x10100] =	vst v63  }
0x8e: {  	v3 =	vperm.xlane @!p0 v3, v5;
	s17 =	simm.s32 @!p0 $0x900  }
0x8f: {  	[tilespmem:s17], [sflag:$0x1] =	stream.indirect_vreg.gather @!p0 [hbm4b:s5+s16], $0x80, v7, vm1, $0xb8;
	[tilespmem:$0x10100] =	vst v63  }
0x90: {  	v3 =	vadd.s32 @!p0 v6, v3;
	s17 =	simm.s32 @!p0 $0x1100  }
0x91: {  	[tilespmem:s17], [sflag:$0x1] =	stream.indirect_vreg.gather @!p0 [hbm4b:s6+s16], $0x80, v7, vm1, $0xb8;
	[tilespmem:$0x10100] =	vst v63  }
0x92: {  	s17 =	simm.s32 @!p0 $0x1900  }
0x93: {  	[tilespmem:s17], [sflag:$0x1] =	stream.indirect_vreg.gather @!p0 [hbm4b:s7+s16], $0x80, v7, vm1, $0xb8;
	[tilespmem:$0x10100] =	vst v63  }
0x94: {  	s17 =	simm.s32 @!p0 $0x2100  }
0x95: {  	[tilespmem:s17], [sflag:$0x1] =	stream.indirect_vreg.gather @!p0 [hbm4b:s1+s16], $0x80, v3, vm1, $0xb8;
	[tilespmem:$0x10100] =	vst v63  }
0x96: {  	s17 =	simm.s32 @!p0 $0x2900  }
0x97: {  	[tilespmem:s17], [sflag:$0x1] =	stream.indirect_vreg.gather @!p0 [hbm4b:s5+s16], $0x80, v3, vm1, $0xb8;
	[tilespmem:$0x10100] =	vst v63  }
0x98: {  	s17 =	simm.s32 @!p0 $0x3100  }
0x99: {  	[tilespmem:s17], [sflag:$0x1] =	stream.indirect_vreg.gather @!p0 [hbm4b:s6+s16], $0x80, v3, vm1, $0xb8;
	[tilespmem:$0x10100] =	vst v63  }
0x9a: {  	s17 =	simm.s32 @!p0 $0x3900  }
0x9b: {  	[tilespmem:s17], [sflag:$0x1] =	stream.indirect_vreg.gather @!p0 [hbm4b:s7+s16], $0x80, v3, vm1, $0xb8;
	[tilespmem:$0x10100] =	vst v63  }
0x9c: {  	v3 =	vld @!p0 [tilespmem:$0x10];
	_ =	sdelay $0x4  }
0x9d: {  	v7 =	vshll.u32 @!p0 v3, $0x3  }
0x9e: {  	v3 =	vand.u32 @!p0 $0x7, v3;
	v7 =	vand.u32 @!p0 $0xFFFFFFC0, v7  }
0x9f: {  	v3 =	vor.u32 @!p0 v3, v7  }
0xa0: {  	v4 =	vperm.xlane @!p0 v3, v4;
	_ =	sdelay $0x1  }
0xa1: {  	v4 =	vadd.s32 @!p0 v6, v4;
	_ =	sdelay $0x3  }
0xa2: {  	s17 =	simm.s32 @!p0 $0x4100  }
0xa3: {  	[tilespmem:s17], [sflag:$0x1] =	stream.indirect_vreg.gather @!p0 [hbm4b:s1+s16], $0x80, v4, vm1, $0xb8;
	[tilespmem:$0x10100] =	vst v63  }
0xa4: {  	v3 =	vperm.xlane @!p0 v3, v5;
	s17 =	simm.s32 @!p0 $0x4900  }
0xa5: {  	[tilespmem:s17], [sflag:$0x1] =	stream.indirect_vreg.gather @!p0 [hbm4b:s5+s16], $0x80, v4, vm1, $0xb8;
	[tilespmem:$0x10100] =	vst v63  }
0xa6: {  	v3 =	vadd.s32 @!p0 v6, v3;
	s17 =	simm.s32 @!p0 $0x5100  }
0xa7: {  	[tilespmem:s17], [sflag:$0x1] =	stream.indirect_vreg.gather @!p0 [hbm4b:s6+s16], $0x80, v4, vm1, $0xb8;
	[tilespmem:$0x10100] =	vst v63  }
0xa8: {  	s17 =	simm.s32 @!p0 $0x5900  }
0xa9: {  	[tilespmem:s17], [sflag:$0x1] =	stream.indirect_vreg.gather @!p0 [hbm4b:s7+s16], $0x80, v4, vm1, $0xb8;
	[tilespmem:$0x10100] =	vst v63  }
0xaa: {  	s17 =	simm.s32 @!p0 $0x6100  }
0xab: {  	[tilespmem:s17], [sflag:$0x1] =	stream.indirect_vreg.gather @!p0 [hbm4b:s1+s16], $0x80, v3, vm1, $0xb8;
	[tilespmem:$0x10100] =	vst v63  }
0xac: {  	s17 =	simm.s32 @!p0 $0x6900  }
0xad: {  	[tilespmem:s17], [sflag:$0x1] =	stream.indirect_vreg.gather @!p0 [hbm4b:s5+s16], $0x80, v3, vm1, $0xb8;
	[tilespmem:$0x10100] =	vst v63  }
0xae: {  	s17 =	simm.s32 @!p0 $0x7100  }
0xaf: {  	[tilespmem:s17], [sflag:$0x1] =	stream.indirect_vreg.gather @!p0 [hbm4b:s6+s16], $0x80, v3, vm1, $0xb8;
	[tilespmem:$0x10100] =	vst v63  }
0xb0: {  	s17 =	simm.s32 @!p0 $0x7900  }
0xb1: {  	[tilespmem:s17], [sflag:$0x1] =	stream.indirect_vreg.gather @!p0 [hbm4b:s7+s16], $0x80, v3, vm1, $0xb8;
	[tilespmem:$0x10100] =	vst v63  }
0xb2: {  	s14 =	sadd.s32 $0x2000, s14;
	_ =	swait.ge [sflag:s31], $0x8000  }
0xb3: {  	p0 =	sne.s32 s14, $0x100000;
	[sflag:s31] =	ssyncset.done $0x0  }
.Ltmp0:
0xb4: {  	s15 =	sadd.s32 $0x1000, s15;
	[sflag:s31] =	ssyncadd.s32 $0xFFFF8000;
	(pc) =	sbr.rel @p0 .LBB2_2-.Ltmp0, $4  }
0xb5: {  	[hbm4b:s15+s3] =	stream.linear.scatter [tilespmem:s29], [sflag:$0x3], $0x8000, $0x38;
	[tilespmem:$0x10100] =	vst v63  }
0xb6: {  	_ =	swait.ge [sflag:s11], $0x8000  }
0xb7: {  	[sflag:s11] =	ssyncset.done $0x0  }
0xb8: {  	s9 =	sadd.s32 $0x8, s9;
	s10 =	sadd.s32 $0x8, s10;
	[sflag:s11] =	ssyncadd.s32 $0xFFFF8000  }
0xb9: {  	s0 =	sadd.s32 $0x1, s0  }
0xba: {  	p0 =	sne.s32 s0, s8  }
.Ltmp1:
0xbb: {  	_ = 	snop;
	(pc) =	sbr.rel @p0 .LBB2_1-.Ltmp1, $1  }
0xbc: {  	_ =	sdelay $0x3  }
0xbd: {  	_ =	sfence.sel $0x180000  }
0xbe: {  	[bflag:$0x0] =	sbarrier.arrive $0xFFFF  }
0xbf: {  	_ =	strace $0x9000004A  }
0xc0: {  	s0 =	stileid.u32;
	[bflag:$0x2] =	sbarrier.arrive $0xFFFF  }
0xc1: {  	p0 =	sne.s32 s0, $0x0;
	s0 =	rddreg [dreg:$0x2]  }
0xc2: {  	s0 =	sadd.s32 @!p0 $0x100000, s0  }
0xc3: {  	[sflag:s0] =	ssyncadd.tile.s32 @!p0 $0x1;
	_ =	shalt  }
.Lfunc_end2:
_tile_overlayer_lowered:
.L_overlay_start_2:
0xc4: {  	(tag) =	ssettag $0x2  }
0xc5: {  	s0 =	rddreg [dreg:$0x0];
	s2 =	stileid.u32  }
0xc6: {  	s1 =	rddreg [dreg:$0x1];
	p0 =	sne.s32 s2, $0x0  }
0xc7: {  	s3 =	rddreg [dreg:$0x2];
	[bflag:$0x3] =	sbarrier.arrive $0xFFFF;
	s2 =	simm.s32 @!p0 $0x1C03  }
0xc8: {  	[timem:s3], [sflag:s2] =	dma.local @!p0 [hbm:s0], s1  }
0xc9: {  	s0 =	simm.s32 @!p0 $0x3  }
0xca: {  	_ =	swait.ge @!p0 [sflag:s0], s1  }
0xcb: {  	s1 =	ssub.s32 @!p0 $0x0, s1;
	[sflag:s0] =	ssyncset.done @!p0 $0x0  }
0xcc: {  	[sflag:s0] =	ssyncadd.s32 @!p0 s1  }
0xcd: {  	[bflag:$0x3] =	sbarrier.arrive $0xFFFF  }
0xce: {  	_ =	shalt  }

// kernel: kernel.8.cloned.1.call-start
scs
__scs_entry_jumppad:
0x0: {  	(pc) =	sbr.rel $0x88, $3  }
0x1: {  	(tag) =	ssettag $0x0;
	lr =	simm.s32 $0x1  }
0x2: {  	[smem:$0x3F97] =	sst lr;
	_ =	strace $0xD0000000  }
0x3: {  	_ = 	snop  }
0x4: {  	_ = 	snop  }
0x5: {  	_ = 	snop  }
0x6: {  	_ = 	snop  }
0x7: {  	_ = 	snop  }
__scs_overlays_trampoline_lowered:
0x8: {  	[smem:$0x3FA6] =	sst s0  }
0x9: {  	[smem:$0x3FA7] =	sst s1  }
0xa: {  	[smem:$0x3FA8] =	sst s2  }
0xb: {  	[smem:$0x3FA9] =	sst s3  }
0xc: {  	[smem:$0x3FAA] =	sst s4  }
0xd: {  	[smem:$0x3FAB] =	sst s5  }
0xe: {  	[smem:$0x3FAC] =	sst s6  }
0xf: {  	[smem:$0x3FAD] =	sst s7  }
0x10: {  	[smem:$0x3FAE] =	sst s8  }
0x11: {  	[smem:$0x3FAF] =	sst s9;
	s0 =	simm.s32 @!p0 $0x0  }
0x12: {  	s1 =	sld [smem:$0x3F95];
	s0 =	simm.s32 @p0 $0x1  }
0x13: {  	[smem:$0x3FB0] =	sst s0;
	s0 =	simm.s32 @!p1 $0x0  }
0x14: {  	s2 =	sld [smem:$0x3F94];
	s0 =	simm.s32 @p1 $0x1  }
0x15: {  	[smem:$0x3FB1] =	sst s0;
	s0 =	simm.s32 @!p2 $0x0  }
0x16: {  	s3 =	sld [smem:$0x3FDB];
	s0 =	simm.s32 @p2 $0x1  }
0x17: {  	s4 =	simm.s32 $0x1BF5;
	[smem:$0x3FB3] =	sst s0  }
0x18: {  	s0 =	sld [smem:$0x3F96];
	_ =	swait.ge [sflag:s4], $0x0  }
0x19: {  	s7 =	sld [smem:$0x3F97]  }
0x1a: {  	s8 =	sadd.s32 $0xFFFFE003, lr  }
0x1b: {  	s9 =	sadd.s32 $0xFFFFFEF7, lr;
	s5 =	simm.s32 $0xFFFFFFFF;
	p2 =	slt.u32 s8, $0xFFFFF086  }
0x1c: {  	p1 =	slt.u32 s9, $0xF7A;
	s5 =	simm.s32 @!p2 $0x0  }
0x1d: {  	s5 =	simm.s32 @p1 $0x1;
	p0 =	seq.s32 s7, s2  }
0x1e: {  	s7 =	smul.u32 @!p0 $0xF7A, s2;
	p2 =	seq.s32 @!p0 s5, $0x0  }
0x1f: {  	s9 =	smul.u32 $0xF7A, s1;
	s8 =	simm.s32 @!p0 $0x1BF5;
	p2 =	por !p2, p0  }
0x20: {  	[sflag:s8] =	ssyncset.s32 @!p0 $0xFFFFF086;
	s6 =	sadd.s32 @!p0 s3, s7;
	s7 =	simm.s32 @!p0 $0x108  }
0x21: {  	s3 =	sadd.s32 s3, s9;
	s6 =	sadd.s32 @!p0 $0x88, s6;
	s7 =	simm.s32 @p2 $0x1082  }
0x22: {  	[simem:s7], [sflag:s8] =	dma.local @!p0 [hbm:s6], $0xF7A  }
0x23: {  	s9 =	sor.u32 $0xD0000000, s2;
	s6 =	simm.s32 $0x108;
	_ =	swait.ge @!p0 [sflag:s8], $0x0  }
0x24: {  	s3 =	sadd.s32 $0x88, s3;
	s6 =	simm.s32 @!p1 $0x1082;
	[sflag:s4] =	ssyncset.s32 $0xFFFFF086  }
0x25: {  	[simem:s6], [sflag:s4] =	dma.local [hbm:s3], $0xF7A  }
0x26: {  	[smem:$0x3F97] =	sst s1;
	(tag) =	ssettag s2;
	_ =	strace s9  }
0x27: {  	s1 =	sld [smem:$0x3FA7]  }
0x28: {  	s2 =	sld [smem:$0x3FA8]  }
0x29: {  	s4 =	sld [smem:$0x3FAA]  }
0x2a: {  	p0 =	seq.s32 s5, $0x0;
	s5 =	sld [smem:$0x3FAB]  }
0x2b: {  	s6 =	sld [smem:$0x3FAC]  }
0x2c: {  	s7 =	sld [smem:$0x3FAD]  }
0x2d: {  	s3 =	simm.s32 $0x108;
	s8 =	sld [smem:$0x3FAE]  }
0x2e: {  	s3 =	simm.s32 @!p0 $0x1082;
	s9 =	sld [smem:$0x3FAF]  }
0x2f: {  	lr =	sadd.s32 s0, s3;
	s0 =	sld [smem:$0x3FA6]  }
0x30: {  	s3 =	sld [smem:$0x3FA9]  }
0x31: {  	[smem:$0x3FB2] =	sst s10  }
0x32: {  	s10 =	sld [smem:$0x3FB0];
	_ =	sdelay $0x3  }
0x33: {  	p0 =	seq.s32 s10, $0x1;
	s10 =	sld [smem:$0x3FB2];
	_ =	sdelay $0x3  }
0x34: {  	[smem:$0x3FB2] =	sst s10  }
0x35: {  	s10 =	sld [smem:$0x3FB1];
	_ =	sdelay $0x3  }
0x36: {  	p1 =	seq.s32 s10, $0x1;
	s10 =	sld [smem:$0x3FB2];
	_ =	sdelay $0x3  }
0x37: {  	[smem:$0x3FB2] =	sst s10  }
0x38: {  	s10 =	sld [smem:$0x3FB3]  }
0x39: {  	_ = 	snop;
	(pc) =	sbr.ind lr, $3  }
0x3a: {  	_ = 	snop  }
0x3b: {  	_ = 	snop  }
0x3c: {  	p2 =	seq.s32 s10, $0x1;
	s10 =	sld [smem:$0x3FB2]  }
0x3d: {  	_ =	shalt  }
0x3e: {  	_ =	shalt  }
0x3f: {  	_ =	shalt  }
0x40: {  	_ =	shalt  }
0x41: {  	_ =	shalt  }
0x42: {  	_ =	shalt  }
0x43: {  	_ =	shalt  }
0x44: {  	_ =	shalt  }
0x45: {  	_ =	shalt  }
0x46: {  	_ =	shalt  }
0x47: {  	_ =	shalt  }
0x48: {  	_ =	shalt  }
0x49: {  	_ =	shalt  }
0x4a: {  	_ =	shalt  }
0x4b: {  	_ =	shalt  }
0x4c: {  	_ =	shalt  }
0x4d: {  	_ =	shalt  }
0x4e: {  	_ =	shalt  }
0x4f: {  	_ =	shalt  }
0x50: {  	_ =	shalt  }
0x51: {  	_ =	shalt  }
0x52: {  	_ =	shalt  }
0x53: {  	_ =	shalt  }
0x54: {  	_ =	shalt  }
0x55: {  	_ =	shalt  }
0x56: {  	_ =	shalt  }
0x57: {  	_ =	shalt  }
0x58: {  	_ =	shalt  }
0x59: {  	_ =	shalt  }
0x5a: {  	_ =	shalt  }
0x5b: {  	_ =	shalt  }
0x5c: {  	_ =	shalt  }
0x5d: {  	_ =	shalt  }
0x5e: {  	_ =	shalt  }
0x5f: {  	_ =	shalt  }
0x60: {  	_ =	shalt  }
0x61: {  	_ =	shalt  }
0x62: {  	_ =	shalt  }
0x63: {  	_ =	shalt  }
0x64: {  	_ =	shalt  }
0x65: {  	_ =	shalt  }
0x66: {  	_ =	shalt  }
0x67: {  	_ =	shalt  }
0x68: {  	_ =	shalt  }
0x69: {  	_ =	shalt  }
0x6a: {  	_ =	shalt  }
0x6b: {  	_ =	shalt  }
0x6c: {  	_ =	shalt  }
0x6d: {  	_ =	shalt  }
0x6e: {  	_ =	shalt  }
0x6f: {  	_ =	shalt  }
0x70: {  	_ =	shalt  }
0x71: {  	_ =	shalt  }
0x72: {  	_ =	shalt  }
0x73: {  	_ =	shalt  }
0x74: {  	_ =	shalt  }
0x75: {  	_ =	shalt  }
0x76: {  	_ =	shalt  }
0x77: {  	_ =	shalt  }
0x78: {  	_ =	shalt  }
0x79: {  	_ =	shalt  }
0x7a: {  	_ =	shalt  }
0x7b: {  	_ =	shalt  }
0x7c: {  	_ =	shalt  }
0x7d: {  	_ =	shalt  }
0x7e: {  	_ =	shalt  }
0x7f: {  	_ =	shalt  }
0x80: {  	_ =	shalt  }
0x81: {  	_ =	shalt  }
0x82: {  	_ =	shalt  }
0x83: {  	_ =	shalt  }
0x84: {  	_ =	shalt  }
0x85: {  	_ =	shalt  }
0x86: {  	_ =	shalt  }
0x87: {  	_ =	shalt  }
.Lfunc_end0:
.L_simem_size_0:
called_computation_lowered:
.L_overlay_start_0:
0x88: {  	s2 =	sld [smem:$0x3FD9]  }
0x89: {  	s3 =	sld [smem:$0x3FFE];
	_ =	sdelay $0x1  }
0x8a: {  	s1 =	srdreg.scid  }
0x8b: {  	s0 =	sand.u32 $0x1, s1  }
0x8c: {  	s17 =	sshll.u32 s0, $0xA;
	s2 =	sadd.s32 s3, s2  }
0x8d: {  	s2 =	sadd.s32 s2, s17  }
0x8e: {  	[smem:$0x3FBE] =	sst s2  }
0x8f: {  	_ = 	snop  }
0x90: {  	s2 =	sld [smem:$0x3FD0];
	(tm) =	ssettm $0x1  }
0x91: {  	s18 =	sld [smem:$0x3FFB];
	_ =	sdelay $0x3  }
0x92: {  	_ =	strace s18  }
0x93: {  	s3 =	sld [smem:$0x3FFC];
	_ =	sdelay $0x3  }
0x94: {  	_ =	strace s3  }
0x95: {  	s3 =	sld [smem:$0x3FFD];
	_ =	sdelay $0x3  }
0x96: {  	_ =	strace s3  }
0x97: {  	_ =	strace $0x8FFFFFFF  }
0x98: {  	s19 =	sld [smem:$0x3FDB];
	_ =	sdelay $0x1  }
0x99: {  	s4 =	simm.s32 $_scs_section_size  }
0x9a: {  	s5 =	simm.s32 $_size__tile_overlayer_lowered;
	s6 =	simm.s32 $_tile_overlayer_lowered  }
0x9b: {  	s22 =	simm.s32 $0x1BFF;
	s21 =	sshll.u32 s6, $0x1;
	s3 =	sadd.s32 s4, s19  }
0x9c: {  	s7 =	simm.s32 $0x0;
	s20 =	sshll.u32 s5, $0x1;
	s5 =	sadd.s32 s21, s3  }
0x9d: {  	[timem:s7], [sflag:s22] =	dma.local [hbm:s5], s20  }
0x9e: {  	_ =	swait.ge [sflag:s22], s20  }
0x9f: {  	s4 =	ssub.s32 $0x0, s20;
	[sflag:s22] =	ssyncset.done $0x0  }
0xa0: {  	[sflag:s22] =	ssyncadd.s32 s4;
	_ =	sdelay $0x1  }
0xa1: {  	s23 =	simm.s32 $0x1B8B  }
0xa2: {  	_ =	swait.ge [sflag:s23], $0x1  }
0xa3: {  	[sflag:s23] =	ssyncset.done $0x0  }
0xa4: {  	s25 =	simm.s32 $0x1B8E;
	s24 =	sld [smem:$0x3FFE];
	[sflag:s23] =	ssyncadd.s32 $0xFFFFFFFF  }
0xa5: {  	s26 =	simm.s32 $execute0_lowered;
	[smem:$0x3FD2] =	sst s25  }
0xa6: {  	s5 =	sshll.u32 s26, $0x1;
	_ =	strace $0x80000046;
	[dreg:$0x1] =	wrdreg $0xFFFFFFFF  }
0xa7: {  	s28 =	simm.s32 $_size_execute0_lowered;
	s3 =	sadd.s32 s3, s5;
	[dreg:$0x0] =	wrdreg $0x0  }
0xa8: {  	s5 =	sshll.u32 s28, $0x1;
	[dreg:$0x2] =	wrdreg s3  }
0xa9: {  	[dreg:$0x3] =	wrdreg s5  }
0xaa: {  	[dreg:$0x4] =	wrdreg $0xC0  }
0xab: {  	_ =	task [dreg:s7], $0x5FFFF  }
0xac: {  	[dreg:$0x1] =	wrdreg $0xFFFFFFFF  }
0xad: {  	[dreg:$0x0] =	wrdreg $0x60  }
0xae: {  	[dreg:$0x2] =	wrdreg s24  }
0xaf: {  	[dreg:$0x3] =	wrdreg s2  }
0xb0: {  	[dreg:$0x4] =	wrdreg $0x9  }
0xb1: {  	_ =	task.clear_ibuf [dreg:s7], $0x5FFFF;
	_ =	strace $0x90000046  }
0xb2: {  	s29 =	simm.s32 $0x9;
	_ =	strace $0x80000048  }
0xb3: {  	_ =	swait.ge [sflag:s29], $0x1  }
0xb4: {  	[sflag:s29] =	ssyncadd.s32 $0xFFFFFFFF  }
0xb5: {  	_ =	strace $0x90000048  }
0xb6: {  	_ =	sfence  }
0xb7: {  	s30 =	sld [smem:$0x0];
	_ =	sdelay $0x2  }
0xb8: {  	s31 =	sshll.u32 s1, $0xD;
	s1 =	sshrl.u32 s1, $0x2  }
0xb9: {  	s3 =	sand.u32 $0x4000, s31;
	s1 =	sadd.s32 s1, s30  }
0xba: {  	s0 =	sor.u32 s3, s0;
	s1 =	sshll.u32 s1, $0x11  }
0xbb: {  	s0 =	sor.u32 s1, s0  }
0xbc: {  	s0 =	sadd.s32 $0x8F2B, s0  }
0xbd: {  	[sflag:s0] =	ssyncadd.remote.s32 $0x1  }
0xbe: {  	_ =	sfence.sel $0xFFFF  }
0xbf: {  	[dreg:$0x0] =	wrdreg $0xFFFFFFFF;
	(pc) =	sbr.abs _section_cstart, $3  }
0xc0: {  	[dreg:$0x1] =	wrdreg $0xFFFFFFFF  }
0xc1: {  	_ =	task.clear_ibuf [dreg:s7], $0x2FFFF;
	_ =	strace $0x9FFFFFFF  }
0xc2: {  	(tm) =	ssettm $0x7FFFFFFF  }
0xc3: {  	_ =	shalt  }
tec
execute0_lowered:
.L_overlay_start_1:
0x0: {  	(tag) =	ssettag $0x1  }
0x1: {  	s6 =	rddreg [dreg:$0x0]  }
0x2: {  	s1 =	rddreg [dreg:$0x1]  }
0x3: {  	s2 =	simm.s32 $0x0;
	s5 =	srdreg.scid;
	s0 =	stileid.u32  }
0x4: {  	s11 =	simm.s32 $0x3;
	s12 =	simm.s32 $0x80;
	s14 =	simm.s32 $0x4200  }
0x5: {  	s15 =	simm.s32 $0x1;
	s16 =	simm.s32 $0x8280;
	s17 =	simm.s32 $0x8300  }
0x6: {  	s18 =	simm.s32 $0x2;
	s19 =	simm.s32 $0x0;
	[smem:$0x7FF] =	sst s2  }
0x7: {  	s4 =	sadd.s32 $0x1EA0C00, s6;
	s7 =	sand.u32 $0x1, s5;
	s5 =	sadd.s32 $0x12C00, s6  }
0x8: {  	v0 =	vlaneseq.u32;
	s9 =	sshll.u32 s0, $0x1;
	s6 =	sadd.s32 $0xAC00, s6;
	s8 =	ssub.s32 $0x2, s7  }
0x9: {  	v1 =	vor.u32 $0x10, v0;
	_ =	strace $0x80000047;
	s9 =	sor.u32 s7, s9;
	s10 =	sshrl.u32 s8, $0x1  }
0xa: {  	v2 =	vor.u32 $0x20, v0;
	v3 =	vor.u32 $0x30, v0;
	v4 =	vor.u32 $0x40, v0;
	s7 =	sshll.u32 s9, $0x6;
	s31 =	sshll.u32 s9, $0xA;
	s10 =	ssub.s32 s8, s10  }
0xb: {  	v5 =	vor.u32 $0x50, v0;
	v6 =	vor.u32 $0x60, v0;
	v7 =	vor.u32 $0x70, v0;
	s9 =	sadd.s32 $0x20, s1;
	s8 =	sadd.s32 s1, s31;
	s10 =	smax.u32 s10, $0x1  }
.LBB2_1:
0xc: {  	[tilespmem:s2], [sflag:$0x3] =	stream.linear.gather [hbm4b:s8+s2], $0x80, $0x38;
	[tilespmem:$0x8480] =	vst v63  }
0xd: {  	_ =	swait.ge [sflag:s11], $0x80  }
0xe: {  	[sflag:s11] =	ssyncset.done $0x0  }
0xf: {  	s0 =	simm.s32 $0x200;
	s20 =	simm.s32 $0x0;
	[sflag:s11] =	ssyncadd.s32 $0xFFFFFF80  }
0x10: {  	[tilespmem:s0], [sflag:$0x1] =	stream.indirect.gather [hbm4b:s4+s12], $0x80, s2, s12, $0xb8;
	[tilespmem:$0x8480] =	vst v63  }
.LBB2_2:
0x11: {  	s21 =	sshll.u32 s20, $0x1  }
0x12: {  	s23 =	sadd.s32 s7, s21  }
0x13: {  	s22 =	sor.u32 $0x1, s23  }
0x14: {  	s31 =	sshll.u32 s22, $0x4  }
0x15: {  	s21 =	sand.u32 $0x1FFFFFF0, s31  }
0x16: {  	s24 =	simm.s32 $0x0;
	s25 =	sadd.s32 s1, s21  }
0x17: {  	[tilespmem:s12], [sflag:$0x3] =	stream.linear.gather [hbm4b:s25+s24], $0x80, $0x38;
	[tilespmem:$0x8480] =	vst v63  }
0x18: {  	_ =	swait.ge [sflag:s11], $0x80  }
0x19: {  	[sflag:s11] =	ssyncset.done $0x0  }
0x1a: {  	[sflag:s11] =	ssyncadd.s32 $0xFFFFFF80  }
0x1b: {  	[tilespmem:s14], [sflag:$0x2] =	stream.indirect.gather [hbm4b:s4+s12], $0x80, s12, s12, $0xb8;
	[tilespmem:$0x8480] =	vst v63  }
0x1c: {  	_ =	swait.ge [sflag:s15], $0x4000  }
0x1d: {  	[sflag:s15] =	ssyncset.done $0x0  }
0x1e: {  	[sflag:s15] =	ssyncadd.s32 $0xFFFFC000  }
0x1f: {  	v8 =	vld [tilespmem:$0x0]  }
0x20: {  	v9 =	vld [tilespmem:$0x10]  }
0x21: {  	v10 =	vld [tilespmem:$0x20]  }
0x22: {  	v11 =	vld [tilespmem:$0x30]  }
0x23: {  	v12 =	vld [tilespmem:$0x40]  }
0x24: {  	[tilespmem:$0x100] =	vst v8;
	v8 =	vld [tilespmem:$0x50]  }
0x25: {  	[tilespmem:$0x110] =	vst v9;
	v9 =	vld [tilespmem:$0x60]  }
0x26: {  	[tilespmem:$0x120] =	vst v10;
	v10 =	vld [tilespmem:$0x70]  }
0x27: {  	[tilespmem:$0x130] =	vst v11  }
0x28: {  	[tilespmem:$0x140] =	vst v12  }
0x29: {  	[tilespmem:$0x150] =	vst v8  }
0x2a: {  	[tilespmem:$0x160] =	vst v9  }
0x2b: {  	s25 =	simm.s32 $0x240;
	[tilespmem:$0x170] =	vst v10  }
0x2c: {  	v9 =	vld [tilespmem:s25+$0xFFFFFFC0]  }
0x2d: {  	v10 =	vld [tilespmem:s25+$0xFFFFFFD0]  }
0x2e: {  	v11 =	vld [tilespmem:s25+$0xFFFFFFE0]  }
0x2f: {  	v12 =	vld [tilespmem:s25+$0xFFFFFFF0]  }
0x30: {  	v13 =	vld [tilespmem:s25+$0x0]  }
0x31: {  	v14 =	vld [tilespmem:s25+$0x10]  }
0x32: {  	v9 =	vmax.f32 v9, v10;
	v10 =	vld [tilespmem:s25+$0x20]  }
0x33: {  	v9 =	vmax.f32 v9, v11;
	v11 =	vld [tilespmem:s25+$0x30]  }
0x34: {  	v9 =	vmax.f32 v9, v12  }
0x35: {  	v9 =	vmax.f32 v9, v13  }
0x36: {  	v9 =	vmax.f32 v9, v14  }
0x37: {  	v9 =	vmax.f32 v9, v10  }
0x38: {  	v9 =	vmax.f32 v9, v11  }
0x39: {  	[tilespmem:$0x8380] =	vst v9  }
0x3a: {  	v10 =	vld [tilespmem:$0x8388];
	_ =	sdelay $0x4  }
0x3b: {  	v9 =	vmax.f32 v9, v10  }
0x3c: {  	[tilespmem:$0x8380] =	vst v9  }
0x3d: {  	v10 =	vld [tilespmem:$0x8384];
	_ =	sdelay $0x4  }
0x3e: {  	v9 =	vmax.f32 v9, v10  }
0x3f: {  	[tilespmem:$0x8380] =	vst v9  }
0x40: {  	v10 =	vld [tilespmem:$0x8382];
	_ =	sdelay $0x4  }
0x41: {  	v9 =	vmax.f32 v9, v10  }
0x42: {  	[tilespmem:$0x8380] =	vst v9  }
0x43: {  	v10 =	vld [tilespmem:$0x8381];
	_ =	sdelay $0x4  }
0x44: {  	s26 =	sand.u32 $0xF, s24;
	v9 =	vmax.f32 v9, v10  }
0x45: {  	p1 =	sne.s32 s26, $0xF;
	v10 =	vmov s26;
	v9 =	vbroadcast v9, $0x0  }
0x46: {  	s28 =	sand.u32 @!p1 $0x1C0, s24;
	v8 =	vimm.f32 $0.0e+00;
	vm0 =	veq.s32 v10, v0  }
0x47: {  	s28 =	sshrl.u32 @!p1 s28, $0x2;
	s26 =	simm.s32 $0x1;
	v8 =	vsel vm0, v9, v8  }
.LBB2_3:
0x48: {  	s24 =	sadd.s32 $0x4, s24  }
0x49: {  	[tilespmem:s28+$0x8200] =	vst @!p1 v8;
	s25 =	sadd.s32 $0x80, s25;
	s28 =	smov.u32 s26;
	s26 =	sadd.s32 $0x1, s26  }
0x4a: {  	v9 =	vld [tilespmem:s25+$0xFFFFFFC0];
	p0 =	seq.s32 s26, $0x80  }
0x4b: {  	v10 =	vld [tilespmem:s25+$0xFFFFFFD0]  }
0x4c: {  	v11 =	vld [tilespmem:s25+$0xFFFFFFE0]  }
0x4d: {  	v12 =	vld [tilespmem:s25+$0xFFFFFFF0]  }
0x4e: {  	v13 =	vld [tilespmem:s25+$0x0]  }
0x4f: {  	v14 =	vld [tilespmem:s25+$0x10]  }
0x50: {  	v9 =	vmax.f32 v9, v10;
	v10 =	vld [tilespmem:s25+$0x20]  }
0x51: {  	v9 =	vmax.f32 v9, v11;
	v11 =	vld [tilespmem:s25+$0x30]  }
0x52: {  	v9 =	vmax.f32 v9, v12  }
0x53: {  	v9 =	vmax.f32 v9, v13  }
0x54: {  	v9 =	vmax.f32 v9, v14  }
0x55: {  	v9 =	vmax.f32 v9, v10  }
0x56: {  	v9 =	vmax.f32 v9, v11  }
0x57: {  	[tilespmem:$0x8380] =	vst v9  }
0x58: {  	v10 =	vld [tilespmem:$0x8388];
	_ =	sdelay $0x4  }
0x59: {  	v9 =	vmax.f32 v9, v10  }
0x5a: {  	[tilespmem:$0x8380] =	vst v9  }
0x5b: {  	v10 =	vld [tilespmem:$0x8384];
	_ =	sdelay $0x4  }
0x5c: {  	v9 =	vmax.f32 v9, v10  }
0x5d: {  	[tilespmem:$0x8380] =	vst v9  }
0x5e: {  	v10 =	vld [tilespmem:$0x8382];
	_ =	sdelay $0x4  }
0x5f: {  	v9 =	vmax.f32 v9, v10  }
0x60: {  	[tilespmem:$0x8380] =	vst v9  }
0x61: {  	v10 =	vld [tilespmem:$0x8381];
	_ =	sdelay $0x3  }
.Ltmp0:
0x62: {  	(pc) =	sbr.rel @!p0 .LBB2_3-.Ltmp0, $4  }
0x63: {  	s28 =	sand.u32 $0xF, s28;
	v9 =	vmax.f32 v9, v10  }
0x64: {  	p1 =	sne.s32 s28, $0xF;
	v10 =	vmov s28;
	v9 =	vbroadcast v9, $0x0  }
0x65: {  	s28 =	sand.u32 @!p1 $0x1C0, s24;
	vm0 =	veq.s32 v10, v0  }
0x66: {  	s28 =	sshrl.u32 @!p1 s28, $0x2;
	v8 =	vsel vm0, v9, v8  }
0x67: {  	[tilespmem:s28+$0x8200] =	vst @!p1 v8  }
0x68: {  	v10 =	vld [tilespmem:$0x8200]  }
0x69: {  	v11 =	vld [tilespmem:$0x8210]  }
0x6a: {  	v12 =	vld [tilespmem:$0x8220]  }
0x6b: {  	v13 =	vld [tilespmem:$0x8230]  }
0x6c: {  	v14 =	vld [tilespmem:$0x8240]  }
0x6d: {  	v15 =	vld [tilespmem:$0x8250]  }
0x6e: {  	vm0 =	vgt.f32 v11, v10;
	v10 =	vmax.f32 v10, v11;
	v11 =	vld [tilespmem:$0x8260]  }
0x6f: {  	v32 =	vld [tilespmem:$0x8270];
	v16 =	vsel vm0, v1, v0;
	vm0 =	vgt.f32 v12, v10;
	v10 =	vmax.f32 v10, v12  }
0x70: {  	v16 =	vsel vm0, v2, v16;
	vm0 =	vgt.f32 v13, v10;
	v10 =	vmax.f32 v10, v13  }
0x71: {  	v33 =	vsel vm0, v3, v16;
	vm0 =	vgt.f32 v14, v10;
	v10 =	vmax.f32 v10, v14  }
0x72: {  	v13 =	vsel vm0, v4, v33;
	vm0 =	vgt.f32 v15, v10;
	v10 =	vmax.f32 v10, v15  }
0x73: {  	v13 =	vsel vm0, v5, v13;
	vm0 =	vgt.f32 v11, v10;
	v10 =	vmax.f32 v10, v11  }
0x74: {  	v11 =	vsel vm0, v6, v13;
	vm0 =	vgt.f32 v32, v10  }
0x75: {  	v11 =	vsel vm0, v7, v11  }
0x76: {  	v10 =	vmax.f32 v10, v32;
	[tilespmem:$0x8400] =	vst v11  }
0x77: {  	[tilespmem:$0x8380] =	vst v10;
	v34 =	vld [tilespmem:$0x8408]  }
0x78: {  	v35 =	vld [tilespmem:$0x8388];
	_ =	sdelay $0x3  }
0x79: {  	vm0 =	vlt.s32 v11, v34  }
0x7a: {  	vm1 =	veq.f32 v35, v10;
	v36 =	vsel vm0, v11, v34  }
0x7b: {  	vm0 =	vgt.f32 v35, v10;
	v11 =	vsel vm1, v36, v11  }
0x7c: {  	v11 =	vsel vm0, v34, v11  }
0x7d: {  	v10 =	vmax.f32 v10, v35;
	[tilespmem:$0x8400] =	vst v11  }
0x7e: {  	[tilespmem:$0x8380] =	vst v10;
	v37 =	vld [tilespmem:$0x8404]  }
0x7f: {  	v38 =	vld [tilespmem:$0x8384];
	_ =	sdelay $0x3  }
0x80: {  	vm0 =	vlt.s32 v11, v37  }
0x81: {  	vm1 =	veq.f32 v38, v10;
	v39 =	vsel vm0, v11, v37  }
0x82: {  	vm0 =	vgt.f32 v38, v10;
	v11 =	vsel vm1, v39, v11  }
0x83: {  	v11 =	vsel vm0, v37, v11  }
0x84: {  	v10 =	vmax.f32 v10, v38;
	[tilespmem:$0x8400] =	vst v11  }
0x85: {  	[tilespmem:$0x8380] =	vst v10;
	v40 =	vld [tilespmem:$0x8402]  }
0x86: {  	v41 =	vld [tilespmem:$0x8382];
	_ =	sdelay $0x3  }
0x87: {  	vm0 =	vlt.s32 v11, v40  }
0x88: {  	vm1 =	veq.f32 v41, v10;
	v42 =	vsel vm0, v11, v40  }
0x89: {  	vm0 =	vgt.f32 v41, v10;
	v11 =	vsel vm1, v42, v11  }
0x8a: {  	v11 =	vsel vm0, v40, v11  }
0x8b: {  	v10 =	vmax.f32 v10, v41;
	[tilespmem:$0x8400] =	vst v11  }
0x8c: {  	[tilespmem:$0x8380] =	vst v10;
	v43 =	vld [tilespmem:$0x8401]  }
0x8d: {  	v44 =	vld [tilespmem:$0x8381];
	_ =	sdelay $0x3  }
0x8e: {  	vm0 =	vlt.s32 v11, v43  }
0x8f: {  	vm1 =	veq.f32 v44, v10;
	v45 =	vsel vm0, v11, v43  }
0x90: {  	vm0 =	vgt.f32 v44, v10;
	v11 =	vsel vm1, v45, v11  }
0x91: {  	v11 =	vsel vm0, v43, v11  }
0x92: {  	(v2sf) =	vpush v11, $0x0;
	_ =	sdelay $0xe  }
0x93: {  	s25 =	spop (v2sf)  }
0x94: {  	s26 =	sshll.u32 s25, $0x9  }
0x95: {  	s26 =	sshra.s32 s26, $0x2  }
0x96: {  	v11 =	vld [tilespmem:s26+$0x270]  }
0x97: {  	v46 =	vld [tilespmem:s26+$0x260]  }
0x98: {  	v10 =	vmax.f32 v10, v44;
	v47 =	vld [tilespmem:s26+$0x250]  }
0x99: {  	v10 =	vbroadcast v10, $0x0;
	v48 =	vld [tilespmem:s26+$0x240]  }
0x9a: {  	v49 =	vld [tilespmem:s26+$0x230]  }
0x9b: {  	v50 =	vld [tilespmem:s26+$0x220];
	vm0 =	vge.f32 v11, v10  }
0x9c: {  	v17 =	vld [tilespmem:s26+$0x210];
	vm1 =	vge.f32 v46, v10;
	v18 =	vnsel vm0, $0x1869F, v7  }
0x9d: {  	v19 =	vld [tilespmem:s26+$0x200];
	vm2 =	vge.f32 v47, v10;
	v18 =	vsel vm1, v6, v18  }
0x9e: {  	vm3 =	vge.f32 v48, v10;
	v18 =	vsel vm2, v5, v18  }
0x9f: {  	vm4 =	vge.f32 v49, v10;
	v18 =	vsel vm3, v4, v18  }
0xa0: {  	vm5 =	vge.f32 v50, v10;
	v18 =	vsel vm4, v3, v18  }
0xa1: {  	vm6 =	vge.f32 v17, v10;
	v18 =	vsel vm5, v2, v18  }
0xa2: {  	v20 =	vmax.f32 v19, $-3.000000010e+38;
	vm7 =	vge.f32 v19, v10;
	v18 =	vsel vm6, v1, v18  }
0xa3: {  	v17 =	vsel vm6, $0xFF61B1E6, v17;
	v19 =	vsel vm7, $0xFF61B1E6, v20;
	v18 =	vsel vm7, v0, v18  }
0xa4: {  	v16 =	vsel vm5, $0xFF61B1E6, v50;
	v17 =	vmax.f32 v19, v17;
	[tilespmem:$0x8400] =	vst v18  }
0xa5: {  	v15 =	vsel vm4, $0xFF61B1E6, v49;
	v16 =	vmax.f32 v17, v16;
	v51 =	vld [tilespmem:$0x8408]  }
0xa6: {  	v14 =	vsel vm3, $0xFF61B1E6, v48;
	v15 =	vmax.f32 v16, v15  }
0xa7: {  	v13 =	vsel vm2, $0xFF61B1E6, v47;
	v14 =	vmax.f32 v15, v14  }
0xa8: {  	v12 =	vsel vm1, $0xFF61B1E6, v46;
	v13 =	vmax.f32 v14, v13  }
0xa9: {  	v11 =	vsel vm0, $0xFF61B1E6, v11;
	v12 =	vmax.f32 v13, v12  }
0xaa: {  	v11 =	vmax.f32 v12, v11;
	vm0 =	vlt.s32 v18, v51  }
0xab: {  	[tilespmem:$0x8380] =	vst v11;
	v52 =	vsel vm0, v18, v51  }
0xac: {  	v53 =	vld [tilespmem:$0x8388];
	[tilespmem:$0x8400] =	vst v52  }
0xad: {  	v54 =	vld [tilespmem:$0x8404];
	_ =	sdelay $0x4  }
0xae: {  	v11 =	vmax.f32 v11, v53;
	vm0 =	vlt.s32 v52, v54  }
0xaf: {  	[tilespmem:$0x8380] =	vst v11;
	v12 =	vsel vm0, v52, v54  }
0xb0: {  	v55 =	vld [tilespmem:$0x8384];
	[tilespmem:$0x8400] =	vst v12  }
0xb1: {  	v56 =	vld [tilespmem:$0x8402];
	_ =	sdelay $0x3  }
0xb2: {  	v11 =	vmax.f32 v11, v55  }
0xb3: {  	[tilespmem:$0x8380] =	vst v11;
	vm0 =	vlt.s32 v12, v56  }
0xb4: {  	v57 =	vld [tilespmem:$0x8382];
	v12 =	vsel vm0, v12, v56  }
0xb5: {  	[tilespmem:$0x8400] =	vst v12  }
0xb6: {  	v58 =	vld [tilespmem:$0x8401];
	_ =	sdelay $0x2  }
0xb7: {  	v11 =	vmax.f32 v11, v57  }
0xb8: {  	[tilespmem:$0x8380] =	vst v11  }
0xb9: {  	v59 =	vld [tilespmem:s25+$0x100];
	vm0 =	vlt.s32 v12, v58  }
0xba: {  	v12 =	vsel vm0, v12, v58  }
0xbb: {  	(v2sf) =	vpush v12, $0x0;
	_ =	sdelay $0x2  }
0xbc: {  	(v2sf) =	vpush v59, $0x0;
	_ =	sdelay $0x9  }
0xbd: {  	s24 =	smul.u32 $0x1FFFCF0, s23;
	_ =	sdelay $0x1  }
0xbe: {  	[dreg:$0x3] =	wrdreg s24;
	s24 =	simm.s32 $0x0;
	s28 =	spop (v2sf)  }
0xbf: {  	s3 =	simm.s32 $0x1;
	s30 =	sand.u32 $0xF, s24;
	s31 =	sand.u32 $0xF, s28  }
0xc0: {  	s0 =	sshra.s32 s28, $0x1F;
	p0 =	slt.s32 s28, $0x1;
	p4 =	sne.s32 s31, $0x0  }
0xc1: {  	s13 =	spop (v2sf);
	s0 =	sshrl.u32 s0, $0x1C;
	p0 =	por !p0, !p4  }
0xc2: {  	s31 =	rddreg [dreg:$0x3];
	s0 =	sadd.s32 s0, s28;
	p0 =	por !p0, !p0  }
0xc3: {  	s13 =	sadd.s32 s31, s13;
	s0 =	sshrl.u32 s0, $0x4;
	s3 =	simm.s32 @!p0 $0x0  }
0xc4: {  	v60 =	vmov s30;
	s29 =	sshra.s32 s25, $0x1F;
	s13 =	sshll.u32 s13, $0x7;
	s0 =	ssub.s32 s0, s3  }
0xc5: {  	v8 =	vimm.f32 $0.0e+00;
	vm0 =	veq.s32 v60, v0;
	p0 =	sne.s32 s30, $0xF;
	s13 =	sadd.s32 s28, s13;
	s0 =	sshll.u32 s0, $0x4  }
0xc6: {  	v9 =	vimm.s32 $0x0;
	v8 =	vsel vm0, v10, v8;
	s3 =	sand.u32 @!p0 $0x70, s24;
	s24 =	sadd.s32 $0x200, s26;
	s26 =	sand.u32 $0xFFFFFF80, s0  }
0xc7: {  	v61 =	vld [tilespmem:$0x8381];
	s30 =	sand.u32 $0xF, s25;
	v9 =	vsel vm0, s13, v9;
	[tilespmem:s3+$0x8280] =	vst @!p0 v8;
	s31 =	sand.u32 $0x70, s0;
	s24 =	sadd.s32 s26, s24  }
0xc8: {  	p5 =	slt.s32 s25, $0x1;
	p2 =	sne.s32 s30, $0x0;
	[tilespmem:s3+$0x8300] =	vst @!p0 v9;
	s26 =	sadd.s32 s31, s24  }
0xc9: {  	s30 =	sshrl.u32 s29, $0x1C;
	p6 =	por !p5, !p2;
	v10 =	vld [tilespmem:s26+$0x0]  }
0xca: {  	s13 =	sadd.s32 s30, s25;
	p0 =	por !p6, !p6;
	s24 =	simm.s32 $0x1  }
0xcb: {  	s13 =	sshrl.u32 s13, $0x4;
	s0 =	ssub.s32 s28, s0;
	s24 =	simm.s32 @!p0 $0x0  }
0xcc: {  	v62 =	vmov s0;
	s13 =	ssub.s32 s13, s24  }
0xcd: {  	vm0 =	veq.s32 v62, v0;
	s28 =	sshll.u32 s13, $0x4  }
0xce: {  	s31 =	ssub.s32 s25, s28;
	v10 =	vsel vm0, $0xFF61B1E6, v10  }
0xcf: {  	v11 =	vmax.f32 v11, v61;
	v63 =	vmov s31;
	[tilespmem:s26+$0x0] =	vst v10  }
0xd0: {  	v11 =	vbroadcast v11, $0x0;
	s24 =	simm.s32 $0x1;
	vm0 =	veq.s32 v63, v0;
	v10 =	vld [tilespmem:s28+$0x8200]  }
.LBB2_5:
0xd1: {  	_ =	sdelay $0x3  }
0xd2: {  	v10 =	vsel vm0, v11, v10  }
0xd3: {  	[tilespmem:s28+$0x8200] =	vst v10  }
0xd4: {  	v10 =	vld [tilespmem:$0x8200]  }
0xd5: {  	v11 =	vld [tilespmem:$0x8210]  }
0xd6: {  	v12 =	vld [tilespmem:$0x8220]  }
0xd7: {  	v13 =	vld [tilespmem:$0x8230]  }
0xd8: {  	v14 =	vld [tilespmem:$0x8240]  }
0xd9: {  	v15 =	vld [tilespmem:$0x8250]  }
0xda: {  	vm0 =	vgt.f32 v11, v10;
	v10 =	vmax.f32 v10, v11;
	v11 =	vld [tilespmem:$0x8260]  }
0xdb: {  	v32 =	vld [tilespmem:$0x8270];
	v16 =	vsel vm0, v1, v0;
	vm0 =	vgt.f32 v12, v10;
	v10 =	vmax.f32 v10, v12  }
0xdc: {  	v16 =	vsel vm0, v2, v16;
	vm0 =	vgt.f32 v13, v10;
	v10 =	vmax.f32 v10, v13  }
0xdd: {  	v33 =	vsel vm0, v3, v16;
	vm0 =	vgt.f32 v14, v10;
	v10 =	vmax.f32 v10, v14  }
0xde: {  	v13 =	vsel vm0, v4, v33;
	vm0 =	vgt.f32 v15, v10;
	v10 =	vmax.f32 v10, v15  }
0xdf: {  	v13 =	vsel vm0, v5, v13;
	vm0 =	vgt.f32 v11, v10;
	v10 =	vmax.f32 v10, v11  }
0xe0: {  	v11 =	vsel vm0, v6, v13;
	vm0 =	vgt.f32 v32, v10  }
0xe1: {  	v11 =	vsel vm0, v7, v11  }
0xe2: {  	v10 =	vmax.f32 v10, v32;
	[tilespmem:$0x8400] =	vst v11  }
0xe3: {  	[tilespmem:$0x8380] =	vst v10;
	v34 =	vld [tilespmem:$0x8408]  }
0xe4: {  	v35 =	vld [tilespmem:$0x8388];
	_ =	sdelay $0x3  }
0xe5: {  	vm0 =	vlt.s32 v11, v34  }
0xe6: {  	vm2 =	veq.f32 v35, v10;
	v36 =	vsel vm0, v11, v34  }
0xe7: {  	vm1 =	vgt.f32 v35, v10;
	v11 =	vsel vm2, v36, v11  }
0xe8: {  	v11 =	vsel vm1, v34, v11  }
0xe9: {  	v10 =	vmax.f32 v10, v35;
	[tilespmem:$0x8400] =	vst v11  }
0xea: {  	[tilespmem:$0x8380] =	vst v10;
	v37 =	vld [tilespmem:$0x8404]  }
0xeb: {  	v38 =	vld [tilespmem:$0x8384];
	_ =	sdelay $0x3  }
0xec: {  	vm0 =	vlt.s32 v11, v37  }
0xed: {  	vm2 =	veq.f32 v38, v10;
	v39 =	vsel vm0, v11, v37  }
0xee: {  	vm1 =	vgt.f32 v38, v10;
	v11 =	vsel vm2, v39, v11  }
0xef: {  	v11 =	vsel vm1, v37, v11  }
0xf0: {  	v10 =	vmax.f32 v10, v38;
	[tilespmem:$0x8400] =	vst v11  }
0xf1: {  	[tilespmem:$0x8380] =	vst v10;
	v40 =	vld [tilespmem:$0x8402]  }
0xf2: {  	v41 =	vld [tilespmem:$0x8382];
	_ =	sdelay $0x3  }
0xf3: {  	vm0 =	vlt.s32 v11, v40  }
0xf4: {  	vm1 =	veq.f32 v41, v10;
	v42 =	vsel vm0, v11, v40  }
0xf5: {  	v43 =	vmax.f32 v10, v41;
	vm0 =	vgt.f32 v41, v10;
	v10 =	vsel vm1, v42, v11  }
0xf6: {  	v10 =	vsel vm0, v40, v10  }
0xf7: {  	[tilespmem:$0x8400] =	vst v10  }
0xf8: {  	[tilespmem:$0x8380] =	vst v43;
	v11 =	vld [tilespmem:$0x8401]  }
0xf9: {  	v44 =	vld [tilespmem:$0x8381];
	_ =	sdelay $0x3  }
0xfa: {  	vm0 =	vlt.s32 v10, v11  }
0xfb: {  	vm2 =	veq.f32 v44, v43;
	v45 =	vsel vm0, v10, v11  }
0xfc: {  	vm1 =	vgt.f32 v44, v43;
	v10 =	vsel vm2, v45, v10  }
0xfd: {  	v10 =	vsel vm1, v11, v10  }
0xfe: {  	(v2sf) =	vpush v10, $0x0;
	_ =	sdelay $0xe  }
0xff: {  	s26 =	spop (v2sf)  }
0x100: {  	s0 =	sshll.u32 s26, $0x9  }
0x101: {  	s29 =	sshra.s32 s0, $0x2  }
0x102: {  	v10 =	vld [tilespmem:s29+$0x250]  }
0x103: {  	v46 =	vld [tilespmem:s29+$0x270]  }
0x104: {  	v11 =	vld [tilespmem:s29+$0x260]  }
0x105: {  	v12 =	vmax.f32 v43, v44;
	v47 =	vld [tilespmem:s29+$0x240]  }
0x106: {  	v12 =	vbroadcast v12, $0x0;
	v18 =	vld [tilespmem:s29+$0x200]  }
0x107: {  	v48 =	vld [tilespmem:s29+$0x230]  }
0x108: {  	v49 =	vld [tilespmem:s29+$0x220];
	vm1 =	vge.f32 v46, v12  }
0x109: {  	v17 =	vld [tilespmem:s29+$0x210];
	vm0 =	vge.f32 v11, v12;
	v19 =	vnsel vm1, $0x1869F, v7  }
0x10a: {  	vm2 =	vge.f32 v10, v12;
	v19 =	vsel vm0, v6, v19  }
0x10b: {  	vm3 =	vge.f32 v47, v12;
	v20 =	vmax.f32 v18, $-3.000000010e+38;
	v19 =	vsel vm2, v5, v19  }
0x10c: {  	v11 =	vsel vm0, $0xFF61B1E6, v11;
	vm0 =	vge.f32 v48, v12;
	v19 =	vsel vm3, v4, v19  }
0x10d: {  	v10 =	vsel vm2, $0xFF61B1E6, v10;
	vm2 =	vge.f32 v49, v12;
	v19 =	vsel vm0, v3, v19  }
0x10e: {  	v14 =	vsel vm3, $0xFF61B1E6, v47;
	vm3 =	vge.f32 v17, v12;
	v50 =	vsel vm2, v2, v19  }
0x10f: {  	v15 =	vsel vm0, $0xFF61B1E6, v48;
	vm0 =	vge.f32 v18, v12;
	v18 =	vsel vm3, v1, v50  }
0x110: {  	v17 =	vsel vm3, $0xFF61B1E6, v17;
	v51 =	vsel vm0, $0xFF61B1E6, v20;
	v18 =	vsel vm0, v0, v18  }
0x111: {  	v16 =	vsel vm2, $0xFF61B1E6, v49;
	v17 =	vmax.f32 v51, v17;
	[tilespmem:$0x8400] =	vst v18  }
0x112: {  	v16 =	vmax.f32 v17, v16;
	v52 =	vld [tilespmem:$0x8408]  }
0x113: {  	v15 =	vmax.f32 v16, v15  }
0x114: {  	v14 =	vmax.f32 v15, v14  }
0x115: {  	v10 =	vmax.f32 v14, v10  }
0x116: {  	v13 =	vsel vm1, $0xFF61B1E6, v46;
	v10 =	vmax.f32 v10, v11  }
0x117: {  	v10 =	vmax.f32 v10, v13;
	vm0 =	vlt.s32 v18, v52  }
0x118: {  	[tilespmem:$0x8380] =	vst v10;
	v11 =	vsel vm0, v18, v52  }
0x119: {  	v53 =	vld [tilespmem:$0x8388];
	[tilespmem:$0x8400] =	vst v11  }
0x11a: {  	v54 =	vld [tilespmem:$0x8404];
	_ =	sdelay $0x4  }
0x11b: {  	v10 =	vmax.f32 v10, v53;
	vm0 =	vlt.s32 v11, v54  }
0x11c: {  	[tilespmem:$0x8380] =	vst v10;
	v11 =	vsel vm0, v11, v54  }
0x11d: {  	v55 =	vld [tilespmem:$0x8384];
	[tilespmem:$0x8400] =	vst v11  }
0x11e: {  	v56 =	vld [tilespmem:$0x8402];
	_ =	sdelay $0x3  }
0x11f: {  	v10 =	vmax.f32 v10, v55  }
0x120: {  	[tilespmem:$0x8380] =	vst v10;
	vm0 =	vlt.s32 v11, v56  }
0x121: {  	v57 =	vld [tilespmem:$0x8382];
	v11 =	vsel vm0, v11, v56  }
0x122: {  	[tilespmem:$0x8400] =	vst v11  }
0x123: {  	v58 =	vld [tilespmem:$0x8401];
	_ =	sdelay $0x2  }
0x124: {  	v10 =	vmax.f32 v10, v57  }
0x125: {  	[tilespmem:$0x8380] =	vst v10  }
0x126: {  	v60 =	vld [tilespmem:s26+$0x100];
	vm1 =	vlt.s32 v11, v58  }
0x127: {  	v11 =	vsel vm1, v11, v58  }
0x128: {  	(v2sf) =	vpush v11, $0x0;
	_ =	sdelay $0x2  }
0x129: {  	(v2sf) =	vpush v60, $0x0;
	_ =	sdelay $0x6  }
0x12a: {  	s13 =	sand.u32 $0xF, s26  }
0x12b: {  	s3 =	sshra.s32 s26, $0x1F;
	p1 =	slt.s32 s26, $0x1;
	p2 =	sne.s32 s13, $0x0  }
0x12c: {  	s25 =	smov.u32 s24;
	s13 =	sshrl.u32 s3, $0x1C;
	p1 =	por !p1, !p2  }
0x12d: {  	s3 =	simm.s32 $0x1;
	s0 =	sadd.s32 s13, s26;
	p1 =	por !p1, !p1  }
0x12e: {  	s30 =	sand.u32 $0xF, s25;
	s0 =	sshrl.u32 s0, $0x4;
	s3 =	simm.s32 @!p1 $0x0  }
0x12f: {  	p1 =	sne.s32 s30, $0xF;
	s28 =	ssub.s32 s0, s3;
	s13 =	spop (v2sf)  }
0x130: {  	v59 =	vmov s30;
	s0 =	sand.u32 @!p1 $0x70, s25;
	s3 =	rddreg [dreg:$0x3];
	s30 =	sand.u32 $0xF, s13  }
0x131: {  	s25 =	sshra.s32 s13, $0x1F;
	p6 =	slt.s32 s13, $0x1;
	p3 =	sne.s32 s30, $0x0  }
0x132: {  	s31 =	spop (v2sf);
	s25 =	sshrl.u32 s25, $0x1C;
	p2 =	por !p6, !p3  }
0x133: {  	s30 =	simm.s32 $0x1;
	s25 =	sadd.s32 s25, s13;
	p2 =	por !p2, !p2  }
0x134: {  	s3 =	sadd.s32 s3, s31;
	s25 =	sshrl.u32 s25, $0x4;
	s30 =	simm.s32 @!p2 $0x0  }
0x135: {  	vm0 =	veq.s32 v59, v0;
	s3 =	sshll.u32 s3, $0x7;
	s31 =	ssub.s32 s25, s30  }
0x136: {  	v8 =	vsel vm0, v12, v8;
	s3 =	sadd.s32 s13, s3;
	s25 =	sshll.u32 s31, $0x4  }
0x137: {  	s29 =	sadd.s32 $0x200, s29;
	v61 =	vld [tilespmem:$0x8381];
	[tilespmem:s0+$0x8280] =	vst @!p1 v8;
	v9 =	vsel vm0, s3, v9;
	s30 =	sand.u32 $0xFFFFFF80, s25  }
0x138: {  	[tilespmem:s0+$0x8300] =	vst @!p1 v9;
	s0 =	sand.u32 $0x70, s25;
	s3 =	sadd.s32 s30, s29  }
0x139: {  	s0 =	sadd.s32 s0, s3  }
0x13a: {  	v62 =	vld [tilespmem:s0+$0x0]  }
0x13b: {  	s24 =	sadd.s32 $0x1, s24  }
0x13c: {  	p0 =	sne.s32 s24, $0x80;
	s13 =	ssub.s32 s13, s25  }
.Ltmp1:
0x13d: {  	v11 =	vmax.f32 v10, v61;
	v10 =	vmov s13;
	(pc) =	sbr.rel @p0 .LBB2_5-.Ltmp1, $4  }
0x13e: {  	s28 =	sshll.u32 s28, $0x4;
	vm0 =	veq.s32 v10, v0  }
0x13f: {  	s31 =	ssub.s32 s26, s28;
	v10 =	vsel vm0, $0xFF61B1E6, v62  }
0x140: {  	v63 =	vmov s31;
	[tilespmem:s0+$0x0] =	vst v10  }
0x141: {  	v11 =	vbroadcast v11, $0x0;
	vm0 =	veq.s32 v63, v0;
	v10 =	vld [tilespmem:s28+$0x8200]  }
0x142: {  	_ =	sdelay $0x3  }
0x143: {  	s0 =	sshll.u32 s23, $0x4;
	v8 =	vsel vm0, v11, v10  }
0x144: {  	s3 =	sadd.s32 s5, s0;
	[tilespmem:s28+$0x8200] =	vst v8  }
0x145: {  	[hbm4b:s3+s2] =	stream.linear.scatter [tilespmem:s16], [sflag:$0x3], $0x80, $0x38;
	[tilespmem:$0x8480] =	vst v63  }
0x146: {  	_ =	swait.ge [sflag:s11], $0x80  }
0x147: {  	[sflag:s11] =	ssyncset.done $0x0  }
0x148: {  	s30 =	sadd.s32 s6, s0;
	[sflag:s11] =	ssyncadd.s32 $0xFFFFFF80  }
0x149: {  	[hbm4b:s30+s2] =	stream.linear.scatter [tilespmem:s17], [sflag:$0x3], $0x80, $0x38;
	[tilespmem:$0x8480] =	vst v63  }
0x14a: {  	_ =	swait.ge [sflag:s11], $0x80  }
0x14b: {  	p0 =	seq.s32 s20, $0x1F;
	[sflag:s11] =	ssyncset.done $0x0  }
0x14c: {  	s0 =	sadd.s32 @!p0 s0, s9;
	s3 =	simm.s32 @!p0 $0x0;
	[sflag:s11] =	ssyncadd.s32 $0xFFFFFF80  }
0x14d: {  	[tilespmem:s3], [sflag:$0x3] =	stream.linear.gather @!p0 [hbm4b:s0+s3], $0x80, $0x38;
	[tilespmem:$0x8480] =	vst v63  }
0x14e: {  	s0 =	simm.s32 @!p0 $0x3  }
0x14f: {  	_ =	swait.ge @!p0 [sflag:s0], $0x80  }
0x150: {  	[sflag:s0] =	ssyncset.done @!p0 $0x0  }
0x151: {  	s13 =	simm.s32 @!p0 $0x200;
	[sflag:s0] =	ssyncadd.s32 @!p0 $0xFFFFFF80;
	s0 =	simm.s32 @!p0 $0x80  }
0x152: {  	[tilespmem:s13], [sflag:$0x1] =	stream.indirect.gather @!p0 [hbm4b:s4+s0], $0x80, s3, s0, $0xb8;
	[tilespmem:$0x8480] =	vst v63  }
0x153: {  	_ =	swait.ge [sflag:s18], $0x4000  }
0x154: {  	[sflag:s18] =	ssyncset.done $0x0  }
0x155: {  	[sflag:s18] =	ssyncadd.s32 $0xFFFFC000  }
0x156: {  	v8 =	vld [tilespmem:$0x80]  }
0x157: {  	v9 =	vld [tilespmem:$0x90]  }
0x158: {  	v10 =	vld [tilespmem:$0xA0]  }
0x159: {  	v11 =	vld [tilespmem:$0xB0]  }
0x15a: {  	v12 =	vld [tilespmem:$0xC0]  }
0x15b: {  	[tilespmem:$0x100] =	vst v8;
	v8 =	vld [tilespmem:$0xD0]  }
0x15c: {  	[tilespmem:$0x110] =	vst v9;
	v9 =	vld [tilespmem:$0xE0]  }
0x15d: {  	[tilespmem:$0x120] =	vst v10;
	v10 =	vld [tilespmem:$0xF0]  }
0x15e: {  	[tilespmem:$0x130] =	vst v11  }
0x15f: {  	[tilespmem:$0x140] =	vst v12  }
0x160: {  	[tilespmem:$0x150] =	vst v8  }
0x161: {  	[tilespmem:$0x160] =	vst v9  }
0x162: {  	s24 =	simm.s32 $0x4240;
	[tilespmem:$0x170] =	vst v10  }
0x163: {  	v9 =	vld [tilespmem:s24+$0xFFFFFFC0]  }
0x164: {  	v10 =	vld [tilespmem:s24+$0xFFFFFFD0]  }
0x165: {  	v11 =	vld [tilespmem:s24+$0xFFFFFFE0]  }
0x166: {  	v12 =	vld [tilespmem:s24+$0xFFFFFFF0]  }
0x167: {  	v13 =	vld [tilespmem:s24+$0x0]  }
0x168: {  	v14 =	vld [tilespmem:s24+$0x10]  }
0x169: {  	v9 =	vmax.f32 v9, v10;
	v10 =	vld [tilespmem:s24+$0x20]  }
0x16a: {  	v9 =	vmax.f32 v9, v11;
	v11 =	vld [tilespmem:s24+$0x30]  }
0x16b: {  	v9 =	vmax.f32 v9, v12  }
0x16c: {  	v9 =	vmax.f32 v9, v13  }
0x16d: {  	v9 =	vmax.f32 v9, v14  }
0x16e: {  	v9 =	vmax.f32 v9, v10  }
0x16f: {  	v9 =	vmax.f32 v9, v11  }
0x170: {  	[tilespmem:$0x8380] =	vst v9  }
0x171: {  	v10 =	vld [tilespmem:$0x8388];
	_ =	sdelay $0x4  }
0x172: {  	v9 =	vmax.f32 v9, v10  }
0x173: {  	[tilespmem:$0x8380] =	vst v9  }
0x174: {  	v10 =	vld [tilespmem:$0x8384];
	_ =	sdelay $0x4  }
0x175: {  	v9 =	vmax.f32 v9, v10  }
0x176: {  	[tilespmem:$0x8380] =	vst v9  }
0x177: {  	v10 =	vld [tilespmem:$0x8382];
	_ =	sdelay $0x4  }
0x178: {  	v9 =	vmax.f32 v9, v10  }
0x179: {  	[tilespmem:$0x8380] =	vst v9  }
0x17a: {  	v10 =	vld [tilespmem:$0x8381];
	_ =	sdelay $0x3  }
0x17b: {  	s23 =	simm.s32 $0x0  }
0x17c: {  	s31 =	sand.u32 $0xF, s23;
	v9 =	vmax.f32 v9, v10  }
0x17d: {  	p1 =	sne.s32 s31, $0xF;
	v10 =	vmov s31;
	v9 =	vbroadcast v9, $0x0  }
0x17e: {  	s0 =	sand.u32 @!p1 $0x1C0, s23;
	v8 =	vimm.f32 $0.0e+00;
	vm15 =	veq.s32 v10, v0  }
0x17f: {  	s25 =	simm.s32 $0x1;
	s26 =	sshrl.u32 @!p1 s0, $0x2;
	v8 =	vsel vm15, v9, v8  }
.LBB2_7:
0x180: {  	s23 =	sadd.s32 $0x4, s23  }
0x181: {  	[tilespmem:s26+$0x8200] =	vst @!p1 v8;
	s24 =	sadd.s32 $0x80, s24;
	s26 =	smov.u32 s25;
	s25 =	sadd.s32 $0x1, s25  }
0x182: {  	v9 =	vld [tilespmem:s24+$0xFFFFFFC0];
	p0 =	seq.s32 s25, $0x80  }
0x183: {  	v10 =	vld [tilespmem:s24+$0xFFFFFFD0]  }
0x184: {  	v11 =	vld [tilespmem:s24+$0xFFFFFFE0]  }
0x185: {  	v12 =	vld [tilespmem:s24+$0xFFFFFFF0]  }
0x186: {  	v13 =	vld [tilespmem:s24+$0x0]  }
0x187: {  	v14 =	vld [tilespmem:s24+$0x10]  }
0x188: {  	v9 =	vmax.f32 v9, v10;
	v10 =	vld [tilespmem:s24+$0x20]  }
0x189: {  	v9 =	vmax.f32 v9, v11;
	v11 =	vld [tilespmem:s24+$0x30]  }
0x18a: {  	v9 =	vmax.f32 v9, v12  }
0x18b: {  	v9 =	vmax.f32 v9, v13  }
0x18c: {  	v9 =	vmax.f32 v9, v14  }
0x18d: {  	v9 =	vmax.f32 v9, v10  }
0x18e: {  	v9 =	vmax.f32 v9, v11  }
0x18f: {  	[tilespmem:$0x8380] =	vst v9  }
0x190: {  	v10 =	vld [tilespmem:$0x8388];
	_ =	sdelay $0x4  }
0x191: {  	v9 =	vmax.f32 v9, v10  }
0x192: {  	[tilespmem:$0x8380] =	vst v9  }
0x193: {  	v10 =	vld [tilespmem:$0x8384];
	_ =	sdelay $0x4  }
0x194: {  	v9 =	vmax.f32 v9, v10  }
0x195: {  	[tilespmem:$0x8380] =	vst v9  }
0x196: {  	v10 =	vld [tilespmem:$0x8382];
	_ =	sdelay $0x4  }
0x197: {  	v9 =	vmax.f32 v9, v10  }
0x198: {  	[tilespmem:$0x8380] =	vst v9  }
0x199: {  	v10 =	vld [tilespmem:$0x8381];
	_ =	sdelay $0x3  }
.Ltmp2:
0x19a: {  	(pc) =	sbr.rel @!p0 .LBB2_7-.Ltmp2, $4  }
0x19b: {  	s0 =	sand.u32 $0xF, s26;
	v9 =	vmax.f32 v9, v10  }
0x19c: {  	p1 =	sne.s32 s0, $0xF;
	v10 =	vmov s0;
	v9 =	vbroadcast v9, $0x0  }
0x19d: {  	s0 =	sand.u32 @!p1 $0x1C0, s23;
	vm0 =	veq.s32 v10, v0  }
0x19e: {  	s26 =	sshrl.u32 @!p1 s0, $0x2;
	v8 =	vsel vm0, v9, v8  }
0x19f: {  	[tilespmem:s26+$0x8200] =	vst @!p1 v8  }
0x1a0: {  	v10 =	vld [tilespmem:$0x8200]  }
0x1a1: {  	v11 =	vld [tilespmem:$0x8210]  }
0x1a2: {  	v12 =	vld [tilespmem:$0x8220]  }
0x1a3: {  	v13 =	vld [tilespmem:$0x8230]  }
0x1a4: {  	v14 =	vld [tilespmem:$0x8240]  }
0x1a5: {  	v15 =	vld [tilespmem:$0x8250]  }
0x1a6: {  	vm0 =	vgt.f32 v11, v10;
	v10 =	vmax.f32 v10, v11;
	v11 =	vld [tilespmem:$0x8260]  }
0x1a7: {  	v32 =	vld [tilespmem:$0x8270];
	v16 =	vsel vm0, v1, v0;
	vm0 =	vgt.f32 v12, v10;
	v10 =	vmax.f32 v10, v12  }
0x1a8: {  	v16 =	vsel vm0, v2, v16;
	vm0 =	vgt.f32 v13, v10;
	v10 =	vmax.f32 v10, v13  }
0x1a9: {  	v33 =	vsel vm0, v3, v16;
	vm0 =	vgt.f32 v14, v10;
	v10 =	vmax.f32 v10, v14  }
0x1aa: {  	v13 =	vsel vm0, v4, v33;
	vm0 =	vgt.f32 v15, v10;
	v10 =	vmax.f32 v10, v15  }
0x1ab: {  	v13 =	vsel vm0, v5, v13;
	vm0 =	vgt.f32 v11, v10;
	v10 =	vmax.f32 v10, v11  }
0x1ac: {  	v11 =	vsel vm0, v6, v13;
	vm0 =	vgt.f32 v32, v10  }
0x1ad: {  	v11 =	vsel vm0, v7, v11  }
0x1ae: {  	v10 =	vmax.f32 v10, v32;
	[tilespmem:$0x8400] =	vst v11  }
0x1af: {  	[tilespmem:$0x8380] =	vst v10;
	v34 =	vld [tilespmem:$0x8408]  }
0x1b0: {  	v35 =	vld [tilespmem:$0x8388];
	_ =	sdelay $0x3  }
0x1b1: {  	vm0 =	vlt.s32 v11, v34  }
0x1b2: {  	vm1 =	veq.f32 v35, v10;
	v36 =	vsel vm0, v11, v34  }
0x1b3: {  	vm0 =	vgt.f32 v35, v10;
	v11 =	vsel vm1, v36, v11  }
0x1b4: {  	v11 =	vsel vm0, v34, v11  }
0x1b5: {  	v10 =	vmax.f32 v10, v35;
	[tilespmem:$0x8400] =	vst v11  }
0x1b6: {  	[tilespmem:$0x8380] =	vst v10;
	v37 =	vld [tilespmem:$0x8404]  }
0x1b7: {  	v38 =	vld [tilespmem:$0x8384];
	_ =	sdelay $0x3  }
0x1b8: {  	vm0 =	vlt.s32 v11, v37  }
0x1b9: {  	vm1 =	veq.f32 v38, v10;
	v39 =	vsel vm0, v11, v37  }
0x1ba: {  	vm0 =	vgt.f32 v38, v10;
	v11 =	vsel vm1, v39, v11  }
0x1bb: {  	v11 =	vsel vm0, v37, v11  }
0x1bc: {  	v10 =	vmax.f32 v10, v38;
	[tilespmem:$0x8400] =	vst v11  }
0x1bd: {  	[tilespmem:$0x8380] =	vst v10;
	v40 =	vld [tilespmem:$0x8402]  }
0x1be: {  	v41 =	vld [tilespmem:$0x8382];
	_ =	sdelay $0x3  }
0x1bf: {  	vm0 =	vlt.s32 v11, v40  }
0x1c0: {  	vm1 =	veq.f32 v41, v10;
	v42 =	vsel vm0, v11, v40  }
0x1c1: {  	vm0 =	vgt.f32 v41, v10;
	v11 =	vsel vm1, v42, v11  }
0x1c2: {  	v11 =	vsel vm0, v40, v11  }
0x1c3: {  	v10 =	vmax.f32 v10, v41;
	[tilespmem:$0x8400] =	vst v11  }
0x1c4: {  	[tilespmem:$0x8380] =	vst v10;
	v43 =	vld [tilespmem:$0x8401]  }
0x1c5: {  	v44 =	vld [tilespmem:$0x8381];
	_ =	sdelay $0x3  }
0x1c6: {  	vm0 =	vlt.s32 v11, v43  }
0x1c7: {  	vm1 =	veq.f32 v44, v10;
	v45 =	vsel vm0, v11, v43  }
0x1c8: {  	vm0 =	vgt.f32 v44, v10;
	v11 =	vsel vm1, v45, v11  }
0x1c9: {  	v11 =	vsel vm0, v43, v11  }
0x1ca: {  	(v2sf) =	vpush v11, $0x0;
	_ =	sdelay $0xe  }
0x1cb: {  	s23 =	spop (v2sf)  }
0x1cc: {  	s29 =	sshll.u32 s23, $0x9  }
0x1cd: {  	s24 =	sshra.s32 s29, $0x2  }
0x1ce: {  	v11 =	vld [tilespmem:s24+$0x4270]  }
0x1cf: {  	v46 =	vld [tilespmem:s24+$0x4260]  }
0x1d0: {  	v10 =	vmax.f32 v10, v44;
	v47 =	vld [tilespmem:s24+$0x4250]  }
0x1d1: {  	v10 =	vbroadcast v10, $0x0;
	v48 =	vld [tilespmem:s24+$0x4240]  }
0x1d2: {  	v49 =	vld [tilespmem:s24+$0x4230]  }
0x1d3: {  	v50 =	vld [tilespmem:s24+$0x4220];
	vm0 =	vge.f32 v11, v10  }
0x1d4: {  	v17 =	vld [tilespmem:s24+$0x4210];
	vm1 =	vge.f32 v46, v10;
	v18 =	vnsel vm0, $0x1869F, v7  }
0x1d5: {  	v19 =	vld [tilespmem:s24+$0x4200];
	vm2 =	vge.f32 v47, v10;
	v18 =	vsel vm1, v6, v18  }
0x1d6: {  	vm3 =	vge.f32 v48, v10;
	v18 =	vsel vm2, v5, v18  }
0x1d7: {  	vm4 =	vge.f32 v49, v10;
	v18 =	vsel vm3, v4, v18  }
0x1d8: {  	vm5 =	vge.f32 v50, v10;
	v18 =	vsel vm4, v3, v18  }
0x1d9: {  	vm6 =	vge.f32 v17, v10;
	v18 =	vsel vm5, v2, v18  }
0x1da: {  	v20 =	vmax.f32 v19, $-3.000000010e+38;
	vm7 =	vge.f32 v19, v10;
	v18 =	vsel vm6, v1, v18  }
0x1db: {  	v17 =	vsel vm6, $0xFF61B1E6, v17;
	v19 =	vsel vm7, $0xFF61B1E6, v20;
	v18 =	vsel vm7, v0, v18  }
0x1dc: {  	v16 =	vsel vm5, $0xFF61B1E6, v50;
	v17 =	vmax.f32 v19, v17;
	[tilespmem:$0x8400] =	vst v18  }
0x1dd: {  	v15 =	vsel vm4, $0xFF61B1E6, v49;
	v16 =	vmax.f32 v17, v16;
	v51 =	vld [tilespmem:$0x8408]  }
0x1de: {  	v14 =	vsel vm3, $0xFF61B1E6, v48;
	v15 =	vmax.f32 v16, v15  }
0x1df: {  	v13 =	vsel vm2, $0xFF61B1E6, v47;
	v14 =	vmax.f32 v15, v14  }
0x1e0: {  	v12 =	vsel vm1, $0xFF61B1E6, v46;
	v13 =	vmax.f32 v14, v13  }
0x1e1: {  	v11 =	vsel vm0, $0xFF61B1E6, v11;
	v12 =	vmax.f32 v13, v12  }
0x1e2: {  	v11 =	vmax.f32 v12, v11;
	vm0 =	vlt.s32 v18, v51  }
0x1e3: {  	[tilespmem:$0x8380] =	vst v11;
	v52 =	vsel vm0, v18, v51  }
0x1e4: {  	v53 =	vld [tilespmem:$0x8388];
	[tilespmem:$0x8400] =	vst v52  }
0x1e5: {  	v54 =	vld [tilespmem:$0x8404];
	_ =	sdelay $0x4  }
0x1e6: {  	v11 =	vmax.f32 v11, v53;
	vm0 =	vlt.s32 v52, v54  }
0x1e7: {  	[tilespmem:$0x8380] =	vst v11;
	v12 =	vsel vm0, v52, v54  }
0x1e8: {  	v55 =	vld [tilespmem:$0x8384];
	[tilespmem:$0x8400] =	vst v12  }
0x1e9: {  	v56 =	vld [tilespmem:$0x8402];
	_ =	sdelay $0x4  }
0x1ea: {  	v11 =	vmax.f32 v11, v55;
	vm0 =	vlt.s32 v12, v56  }
0x1eb: {  	[tilespmem:$0x8380] =	vst v11;
	v12 =	vsel vm0, v12, v56  }
0x1ec: {  	v57 =	vld [tilespmem:$0x8382];
	[tilespmem:$0x8400] =	vst v12  }
0x1ed: {  	v58 =	vld [tilespmem:$0x8401];
	_ =	sdelay $0x4  }
0x1ee: {  	v11 =	vmax.f32 v11, v57;
	vm0 =	vlt.s32 v12, v58  }
0x1ef: {  	[tilespmem:$0x8380] =	vst v11;
	v12 =	vsel vm0, v12, v58  }
0x1f0: {  	v59 =	vld [tilespmem:s23+$0x100];
	(v2sf) =	vpush v12, $0x0;
	_ =	sdelay $0x4  }
0x1f1: {  	(v2sf) =	vpush v59, $0x0;
	_ =	sdelay $0x7  }
0x1f2: {  	s0 =	smul.u32 $0x1FFFCF0, s22;
	_ =	sdelay $0x1  }
0x1f3: {  	s22 =	simm.s32 $0x0;
	[dreg:$0x4] =	wrdreg s0;
	s0 =	spop (v2sf)  }
0x1f4: {  	s28 =	simm.s32 $0x1;
	s13 =	sand.u32 $0xF, s22;
	s25 =	sand.u32 $0xF, s0  }
0x1f5: {  	s30 =	sshra.s32 s0, $0x1F;
	p0 =	slt.s32 s0, $0x1;
	p4 =	sne.s32 s25, $0x0  }
0x1f6: {  	s31 =	rddreg [dreg:$0x4];
	s26 =	sshrl.u32 s30, $0x1C;
	p0 =	por !p0, !p4  }
0x1f7: {  	s3 =	sshra.s32 s23, $0x1F;
	s26 =	sadd.s32 s26, s0;
	p0 =	por !p0, !p0  }
0x1f8: {  	s29 =	spop (v2sf);
	s26 =	sshrl.u32 s26, $0x4;
	s28 =	simm.s32 @!p0 $0x0  }
0x1f9: {  	v60 =	vmov s13;
	s24 =	sadd.s32 $0x4200, s24;
	s29 =	sadd.s32 s31, s29;
	s30 =	ssub.s32 s26, s28  }
0x1fa: {  	v8 =	vimm.f32 $0.0e+00;
	vm0 =	veq.s32 v60, v0;
	p0 =	sne.s32 s13, $0xF;
	s13 =	sshll.u32 s29, $0x7;
	s25 =	sshll.u32 s30, $0x4  }
0x1fb: {  	v9 =	vimm.s32 $0x0;
	v8 =	vsel vm0, v10, v8;
	s22 =	sand.u32 @!p0 $0x70, s22;
	s13 =	sadd.s32 s0, s13;
	s31 =	sand.u32 $0xFFFFFF80, s25  }
0x1fc: {  	v61 =	vld [tilespmem:$0x8381];
	s29 =	sand.u32 $0xF, s23;
	[tilespmem:s22+$0x8280] =	vst @!p0 v8;
	v9 =	vsel vm0, s13, v9;
	s30 =	sand.u32 $0x70, s25;
	s24 =	sadd.s32 s31, s24  }
0x1fd: {  	p5 =	slt.s32 s23, $0x1;
	p2 =	sne.s32 s29, $0x0;
	[tilespmem:s22+$0x8300] =	vst @!p0 v9;
	s13 =	sadd.s32 s30, s24  }
0x1fe: {  	s3 =	sshrl.u32 s3, $0x1C;
	p6 =	por !p5, !p2;
	v10 =	vld [tilespmem:s13+$0x0]  }
0x1ff: {  	s3 =	sadd.s32 s3, s23;
	p0 =	por !p6, !p6;
	s22 =	simm.s32 $0x1  }
0x200: {  	s3 =	sshrl.u32 s3, $0x4;
	s0 =	ssub.s32 s0, s25;
	s22 =	simm.s32 @!p0 $0x0  }
0x201: {  	v62 =	vmov s0;
	s3 =	ssub.s32 s3, s22  }
0x202: {  	vm0 =	veq.s32 v62, v0;
	s25 =	sshll.u32 s3, $0x4  }
0x203: {  	s31 =	ssub.s32 s23, s25;
	v10 =	vsel vm0, $0xFF61B1E6, v10  }
0x204: {  	v11 =	vmax.f32 v11, v61;
	v63 =	vmov s31;
	[tilespmem:s13+$0x0] =	vst v10  }
0x205: {  	v11 =	vbroadcast v11, $0x0;
	s22 =	simm.s32 $0x1;
	vm0 =	veq.s32 v63, v0;
	v10 =	vld [tilespmem:s25+$0x8200]  }
.LBB2_9:
0x206: {  	_ =	sdelay $0x3  }
0x207: {  	v10 =	vsel vm0, v11, v10  }
0x208: {  	[tilespmem:s25+$0x8200] =	vst v10  }
0x209: {  	v10 =	vld [tilespmem:$0x8200]  }
0x20a: {  	v11 =	vld [tilespmem:$0x8210]  }
0x20b: {  	v12 =	vld [tilespmem:$0x8220]  }
0x20c: {  	v13 =	vld [tilespmem:$0x8230]  }
0x20d: {  	v14 =	vld [tilespmem:$0x8240]  }
0x20e: {  	v15 =	vld [tilespmem:$0x8250]  }
0x20f: {  	vm0 =	vgt.f32 v11, v10;
	v10 =	vmax.f32 v10, v11;
	v11 =	vld [tilespmem:$0x8260]  }
0x210: {  	v32 =	vld [tilespmem:$0x8270];
	v16 =	vsel vm0, v1, v0;
	vm0 =	vgt.f32 v12, v10;
	v10 =	vmax.f32 v10, v12  }
0x211: {  	v16 =	vsel vm0, v2, v16;
	vm0 =	vgt.f32 v13, v10;
	v10 =	vmax.f32 v10, v13  }
0x212: {  	v33 =	vsel vm0, v3, v16;
	vm0 =	vgt.f32 v14, v10;
	v10 =	vmax.f32 v10, v14  }
0x213: {  	v13 =	vsel vm0, v4, v33;
	vm0 =	vgt.f32 v15, v10;
	v10 =	vmax.f32 v10, v15  }
0x214: {  	v13 =	vsel vm0, v5, v13;
	vm0 =	vgt.f32 v11, v10;
	v10 =	vmax.f32 v10, v11  }
0x215: {  	v11 =	vsel vm0, v6, v13;
	vm0 =	vgt.f32 v32, v10  }
0x216: {  	v11 =	vsel vm0, v7, v11  }
0x217: {  	v10 =	vmax.f32 v10, v32;
	[tilespmem:$0x8400] =	vst v11  }
0x218: {  	[tilespmem:$0x8380] =	vst v10;
	v34 =	vld [tilespmem:$0x8408]  }
0x219: {  	v35 =	vld [tilespmem:$0x8388];
	_ =	sdelay $0x3  }
0x21a: {  	vm0 =	vlt.s32 v11, v34  }
0x21b: {  	vm2 =	veq.f32 v35, v10;
	v36 =	vsel vm0, v11, v34  }
0x21c: {  	vm1 =	vgt.f32 v35, v10;
	v11 =	vsel vm2, v36, v11  }
0x21d: {  	v11 =	vsel vm1, v34, v11  }
0x21e: {  	v10 =	vmax.f32 v10, v35;
	[tilespmem:$0x8400] =	vst v11  }
0x21f: {  	[tilespmem:$0x8380] =	vst v10;
	v37 =	vld [tilespmem:$0x8404]  }
0x220: {  	v38 =	vld [tilespmem:$0x8384];
	_ =	sdelay $0x3  }
0x221: {  	vm0 =	vlt.s32 v11, v37  }
0x222: {  	vm2 =	veq.f32 v38, v10;
	v39 =	vsel vm0, v11, v37  }
0x223: {  	vm1 =	vgt.f32 v38, v10;
	v11 =	vsel vm2, v39, v11  }
0x224: {  	v11 =	vsel vm1, v37, v11  }
0x225: {  	v10 =	vmax.f32 v10, v38;
	[tilespmem:$0x8400] =	vst v11  }
0x226: {  	[tilespmem:$0x8380] =	vst v10;
	v40 =	vld [tilespmem:$0x8402]  }
0x227: {  	v41 =	vld [tilespmem:$0x8382];
	_ =	sdelay $0x3  }
0x228: {  	vm0 =	vlt.s32 v11, v40  }
0x229: {  	vm1 =	veq.f32 v41, v10;
	v42 =	vsel vm0, v11, v40  }
0x22a: {  	v43 =	vmax.f32 v10, v41;
	vm0 =	vgt.f32 v41, v10;
	v10 =	vsel vm1, v42, v11  }
0x22b: {  	v10 =	vsel vm0, v40, v10  }
0x22c: {  	[tilespmem:$0x8400] =	vst v10  }
0x22d: {  	[tilespmem:$0x8380] =	vst v43;
	v11 =	vld [tilespmem:$0x8401]  }
0x22e: {  	v44 =	vld [tilespmem:$0x8381];
	_ =	sdelay $0x3  }
0x22f: {  	vm0 =	vlt.s32 v10, v11  }
0x230: {  	vm2 =	veq.f32 v44, v43;
	v45 =	vsel vm0, v10, v11  }
0x231: {  	vm1 =	vgt.f32 v44, v43;
	v10 =	vsel vm2, v45, v10  }
0x232: {  	v10 =	vsel vm1, v11, v10  }
0x233: {  	(v2sf) =	vpush v10, $0x0;
	_ =	sdelay $0xe  }
0x234: {  	s24 =	spop (v2sf)  }
0x235: {  	s0 =	sshll.u32 s24, $0x9  }
0x236: {  	s26 =	sshra.s32 s0, $0x2  }
0x237: {  	v10 =	vld [tilespmem:s26+$0x4250]  }
0x238: {  	v46 =	vld [tilespmem:s26+$0x4270]  }
0x239: {  	v11 =	vld [tilespmem:s26+$0x4260]  }
0x23a: {  	v12 =	vmax.f32 v43, v44;
	v47 =	vld [tilespmem:s26+$0x4240]  }
0x23b: {  	v12 =	vbroadcast v12, $0x0;
	v18 =	vld [tilespmem:s26+$0x4200]  }
0x23c: {  	v48 =	vld [tilespmem:s26+$0x4230]  }
0x23d: {  	v49 =	vld [tilespmem:s26+$0x4220];
	vm1 =	vge.f32 v46, v12  }
0x23e: {  	v17 =	vld [tilespmem:s26+$0x4210];
	vm0 =	vge.f32 v11, v12;
	v19 =	vnsel vm1, $0x1869F, v7  }
0x23f: {  	vm2 =	vge.f32 v10, v12;
	v19 =	vsel vm0, v6, v19  }
0x240: {  	vm3 =	vge.f32 v47, v12;
	v20 =	vmax.f32 v18, $-3.000000010e+38;
	v19 =	vsel vm2, v5, v19  }
0x241: {  	v11 =	vsel vm0, $0xFF61B1E6, v11;
	vm0 =	vge.f32 v48, v12;
	v19 =	vsel vm3, v4, v19  }
0x242: {  	v10 =	vsel vm2, $0xFF61B1E6, v10;
	vm2 =	vge.f32 v49, v12;
	v19 =	vsel vm0, v3, v19  }
0x243: {  	v14 =	vsel vm3, $0xFF61B1E6, v47;
	vm3 =	vge.f32 v17, v12;
	v50 =	vsel vm2, v2, v19  }
0x244: {  	v15 =	vsel vm0, $0xFF61B1E6, v48;
	vm0 =	vge.f32 v18, v12;
	v18 =	vsel vm3, v1, v50  }
0x245: {  	v17 =	vsel vm3, $0xFF61B1E6, v17;
	v51 =	vsel vm0, $0xFF61B1E6, v20;
	v18 =	vsel vm0, v0, v18  }
0x246: {  	v16 =	vsel vm2, $0xFF61B1E6, v49;
	v17 =	vmax.f32 v51, v17;
	[tilespmem:$0x8400] =	vst v18  }
0x247: {  	v16 =	vmax.f32 v17, v16;
	v52 =	vld [tilespmem:$0x8408]  }
0x248: {  	v15 =	vmax.f32 v16, v15  }
0x249: {  	v14 =	vmax.f32 v15, v14  }
0x24a: {  	v10 =	vmax.f32 v14, v10  }
0x24b: {  	v13 =	vsel vm1, $0xFF61B1E6, v46;
	v10 =	vmax.f32 v10, v11  }
0x24c: {  	v10 =	vmax.f32 v10, v13;
	vm0 =	vlt.s32 v18, v52  }
0x24d: {  	[tilespmem:$0x8380] =	vst v10;
	v11 =	vsel vm0, v18, v52  }
0x24e: {  	v53 =	vld [tilespmem:$0x8388];
	[tilespmem:$0x8400] =	vst v11  }
0x24f: {  	v54 =	vld [tilespmem:$0x8404];
	_ =	sdelay $0x4  }
0x250: {  	v10 =	vmax.f32 v10, v53;
	vm0 =	vlt.s32 v11, v54  }
0x251: {  	[tilespmem:$0x8380] =	vst v10;
	v11 =	vsel vm0, v11, v54  }
0x252: {  	v55 =	vld [tilespmem:$0x8384];
	[tilespmem:$0x8400] =	vst v11  }
0x253: {  	v56 =	vld [tilespmem:$0x8402];
	_ =	sdelay $0x3  }
0x254: {  	v10 =	vmax.f32 v10, v55  }
0x255: {  	[tilespmem:$0x8380] =	vst v10;
	vm0 =	vlt.s32 v11, v56  }
0x256: {  	v57 =	vld [tilespmem:$0x8382];
	v11 =	vsel vm0, v11, v56  }
0x257: {  	[tilespmem:$0x8400] =	vst v11  }
0x258: {  	v58 =	vld [tilespmem:$0x8401];
	_ =	sdelay $0x2  }
0x259: {  	v10 =	vmax.f32 v10, v57  }
0x25a: {  	[tilespmem:$0x8380] =	vst v10  }
0x25b: {  	v60 =	vld [tilespmem:s24+$0x100];
	vm1 =	vlt.s32 v11, v58  }
0x25c: {  	v11 =	vsel vm1, v11, v58  }
0x25d: {  	(v2sf) =	vpush v11, $0x0;
	_ =	sdelay $0x2  }
0x25e: {  	(v2sf) =	vpush v60, $0x0;
	_ =	sdelay $0x6  }
0x25f: {  	s23 =	smov.u32 s22  }
0x260: {  	s30 =	rddreg [dreg:$0x4];
	s3 =	sshra.s32 s24, $0x1F;
	s13 =	sand.u32 $0xF, s24  }
0x261: {  	p1 =	slt.s32 s24, $0x1;
	p2 =	sne.s32 s13, $0x0;
	s28 =	sshrl.u32 s3, $0x1C  }
0x262: {  	s29 =	sand.u32 $0xF, s23;
	p1 =	por !p1, !p2;
	s0 =	sadd.s32 s28, s24  }
0x263: {  	s3 =	simm.s32 $0x1;
	p1 =	por !p1, !p1;
	s0 =	sshrl.u32 s0, $0x4  }
0x264: {  	s3 =	simm.s32 @!p1 $0x0;
	p1 =	sne.s32 s29, $0xF;
	s13 =	spop (v2sf)  }
0x265: {  	s25 =	ssub.s32 s0, s3;
	s0 =	sand.u32 @!p1 $0x70, s23;
	s28 =	sand.u32 $0xF, s13  }
0x266: {  	s31 =	sshra.s32 s13, $0x1F;
	p6 =	slt.s32 s13, $0x1;
	p3 =	sne.s32 s28, $0x0  }
0x267: {  	v59 =	vmov s29;
	s29 =	spop (v2sf);
	s23 =	sshrl.u32 s31, $0x1C;
	p2 =	por !p6, !p3  }
0x268: {  	s28 =	simm.s32 $0x1;
	s23 =	sadd.s32 s23, s13;
	p2 =	por !p2, !p2  }
0x269: {  	s3 =	sadd.s32 s30, s29;
	s23 =	sshrl.u32 s23, $0x4;
	s28 =	simm.s32 @!p2 $0x0  }
0x26a: {  	vm0 =	veq.s32 v59, v0;
	s3 =	sshll.u32 s3, $0x7;
	s23 =	ssub.s32 s23, s28  }
0x26b: {  	v8 =	vsel vm0, v12, v8;
	s3 =	sadd.s32 s13, s3;
	s28 =	sshll.u32 s23, $0x4  }
0x26c: {  	v61 =	vld [tilespmem:$0x8381];
	[tilespmem:s0+$0x8280] =	vst @!p1 v8;
	s29 =	sadd.s32 $0x4200, s26;
	v9 =	vsel vm0, s3, v9;
	s30 =	sand.u32 $0xFFFFFF80, s28  }
0x26d: {  	[tilespmem:s0+$0x8300] =	vst @!p1 v9;
	s0 =	sand.u32 $0x70, s28;
	s3 =	sadd.s32 s30, s29  }
0x26e: {  	s0 =	sadd.s32 s0, s3  }
0x26f: {  	v62 =	vld [tilespmem:s0+$0x0]  }
0x270: {  	s22 =	sadd.s32 $0x1, s22  }
0x271: {  	p0 =	sne.s32 s22, $0x80;
	s13 =	ssub.s32 s13, s28  }
.Ltmp3:
0x272: {  	v11 =	vmax.f32 v10, v61;
	v10 =	vmov s13;
	(pc) =	sbr.rel @p0 .LBB2_9-.Ltmp3, $4  }
0x273: {  	s25 =	sshll.u32 s25, $0x4;
	vm0 =	veq.s32 v10, v0  }
0x274: {  	s31 =	ssub.s32 s24, s25;
	v10 =	vsel vm0, $0xFF61B1E6, v62  }
0x275: {  	v63 =	vmov s31;
	[tilespmem:s0+$0x0] =	vst v10  }
0x276: {  	v11 =	vbroadcast v11, $0x0;
	vm0 =	veq.s32 v63, v0;
	v10 =	vld [tilespmem:s25+$0x8200]  }
0x277: {  	_ =	sdelay $0x3  }
0x278: {  	v8 =	vsel vm0, v11, v10  }
0x279: {  	s0 =	sadd.s32 s5, s21;
	[tilespmem:s25+$0x8200] =	vst v8  }
0x27a: {  	[hbm4b:s0+s2] =	stream.linear.scatter [tilespmem:s16], [sflag:$0x3], $0x80, $0x38;
	[tilespmem:$0x8480] =	vst v63  }
0x27b: {  	s20 =	sadd.s32 $0x1, s20;
	_ =	swait.ge [sflag:s11], $0x80  }
0x27c: {  	p0 =	sne.s32 s20, $0x20;
	[sflag:s11] =	ssyncset.done $0x0  }
.Ltmp4:
0x27d: {  	s31 =	sadd.s32 s6, s21;
	[sflag:s11] =	ssyncadd.s32 $0xFFFFFF80;
	(pc) =	sbr.rel @p0 .LBB2_2-.Ltmp4, $4  }
0x27e: {  	[hbm4b:s31+s2] =	stream.linear.scatter [tilespmem:s17], [sflag:$0x3], $0x80, $0x38;
	[tilespmem:$0x8480] =	vst v63  }
0x27f: {  	_ =	swait.ge [sflag:s11], $0x80  }
0x280: {  	[sflag:s11] =	ssyncset.done $0x0  }
0x281: {  	[sflag:s11] =	ssyncadd.s32 $0xFFFFFF80  }
0x282: {  	s19 =	sadd.s32 $0x1, s19  }
0x283: {  	p0 =	sne.s32 s19, s10  }
.Ltmp5:
0x284: {  	_ = 	snop;
	(pc) =	sbr.rel @p0 .LBB2_1-.Ltmp5, $1  }
0x285: {  	_ =	sdelay $0x3  }
0x286: {  	_ =	sfence.sel $0x180000  }
0x287: {  	[bflag:$0x0] =	sbarrier.arrive $0xFFFF  }
0x288: {  	_ =	strace $0x90000047  }
0x289: {  	s0 =	stileid.u32;
	[bflag:$0x2] =	sbarrier.arrive $0xFFFF  }
0x28a: {  	p0 =	sne.s32 s0, $0x0;
	s0 =	rddreg [dreg:$0x2]  }
0x28b: {  	s0 =	sadd.s32 @!p0 $0x100000, s0  }
0x28c: {  	[sflag:s0] =	ssyncadd.tile.s32 @!p0 $0x1;
	_ =	shalt  }
.Lfunc_end2:
_tile_overlayer_lowered:
.L_overlay_start_2:
0x28d: {  	(tag) =	ssettag $0x2  }
0x28e: {  	s0 =	rddreg [dreg:$0x0];
	s2 =	stileid.u32  }
0x28f: {  	s1 =	rddreg [dreg:$0x1];
	p0 =	sne.s32 s2, $0x0  }
0x290: {  	s3 =	rddreg [dreg:$0x2];
	[bflag:$0x3] =	sbarrier.arrive $0xFFFF;
	s2 =	simm.s32 @!p0 $0x1C03  }
0x291: {  	[timem:s3], [sflag:s2] =	dma.local @!p0 [hbm:s0], s1  }
0x292: {  	s0 =	simm.s32 @!p0 $0x3  }
0x293: {  	_ =	swait.ge @!p0 [sflag:s0], s1  }
0x294: {  	s1 =	ssub.s32 @!p0 $0x0, s1;
	[sflag:s0] =	ssyncset.done @!p0 $0x0  }
0x295: {  	[sflag:s0] =	ssyncadd.s32 @!p0 s1  }
0x296: {  	[bflag:$0x3] =	sbarrier.arrive $0xFFFF  }
0x297: {  	_ =	shalt  }

</sc_bundles>
